<compile_context>
chip_gen: v7x
topology: tpu7x:2x2x1
jax: 0.10.2.dev20260603
libtpu: 0.0.44.dev20260713+nightly
codegen_flags: <defaults>
</compile_context>

<pallas_src>
import functools

import jax
import jax.numpy as jnp
from jax import lax
from jax.experimental import pallas as pl
from jax.experimental.pallas import tpu as pltpu
from jax.experimental.pallas import tpu_sc as plsc

N_NODES = 10000
N_EDGES = 160000
D_IN = 256
H1, C1 = 8, 8
NCLS = 40

NPAD = 10016
NW = 32
GROUPS = 40
GB = 128
EPAD = NW * GROUPS * GB
ROWS_PER_SUB = NPAD // 16

ACC1_COLS = 72
TBL1_COLS = 96
ACC2_COLS = 48
TBL2_COLS = 64
BCOLS = 16


def _take16(v, idx):
    return lax.gather(
        v, idx[:, None],
        lax.GatherDimensionNumbers(
            offset_dims=(), collapsed_slice_dims=(0,), start_index_map=(0,)),
        slice_sizes=(1,),
        mode=lax.GatherScatterMode.PROMISE_IN_BOUNDS)


def _k1_body(x_ref, wa_ref, m_ref, wb_ref, a_out, b_out):
    xb = x_ref[...]
    a = jnp.dot(xb, wa_ref[...], preferred_element_type=jnp.float32)
    a_out[...] = (a + m_ref[...]).astype(jnp.bfloat16)
    b_out[...] = jnp.dot(xb, wb_ref[...], preferred_element_type=jnp.float32)


def _run_k1(x_pad, wa1, m1, wb1):
    blk = NPAD // 4
    grid = 4
    return pl.pallas_call(
        _k1_body,
        grid=(grid,),
        in_specs=[
            pl.BlockSpec((blk, D_IN), lambda i: (i, 0)),
            pl.BlockSpec((D_IN, TBL1_COLS), lambda i: (0, 0)),
            pl.BlockSpec((1, TBL1_COLS), lambda i: (0, 0)),
            pl.BlockSpec((D_IN, BCOLS), lambda i: (0, 0)),
        ],
        out_specs=[
            pl.BlockSpec((blk, TBL1_COLS), lambda i: (i, 0)),
            pl.BlockSpec((blk, BCOLS), lambda i: (i, 0)),
        ],
        out_shape=[
            jax.ShapeDtypeStruct((NPAD, TBL1_COLS), jnp.bfloat16),
            jax.ShapeDtypeStruct((NPAD, BCOLS), jnp.float32),
        ],
    )(x_pad, wa1, m1, wb1)


def _edge_body1(rows_a, rows_b, ctr, e):
    u0 = rows_a[e, pl.ds(0, 32)].astype(jnp.float32)
    u1 = rows_a[e, pl.ds(32, 32)].astype(jnp.float32)
    u2 = rows_a[e, pl.ds(64, 32)].astype(jnp.float32)
    g0, g1 = u0[0:16], u0[16:32]
    g2, g3 = u1[0:16], u1[16:32]
    asv = u2[0:16]
    a_d = rows_b[e, :]
    al = asv + a_d
    al = jnp.maximum(al, al * jnp.float32(0.2))
    ex = jnp.exp(al)
    iot = lax.iota(jnp.int32, 16)
    half = lax.shift_right_logical(iot, 3)
    low8 = iot < 8
    gs = (g0, g1, g2, g3)
    for k in range(4):
        m = _take16(ex, half + 2 * k)
        ctr[e, pl.ds(16 * k, 16)] = gs[k] * m
    g3s = _take16(g3, jnp.where(low8, iot + 8, 0))
    v = jnp.where(low8, g3s, jnp.float32(1.0))
    mlast = _take16(ex, jnp.where(low8, 7, iot - 8))
    ctr[e, pl.ds(56, 16)] = v * mlast


def _edge_body2(rows_a, rows_b, ctr, e):
    u0 = rows_a[e, pl.ds(0, 32)].astype(jnp.float32)
    u1 = rows_a[e, pl.ds(32, 32)].astype(jnp.float32)
    g0, g1 = u0[0:16], u0[16:32]
    g2 = u1[0:16]
    a_d = rows_b[e, :]
    al = g2 + a_d
    al = jnp.maximum(al, al * jnp.float32(0.2))
    ex = jnp.exp(al)
    m = _take16(ex, jnp.full((16,), 9, jnp.int32))
    gs = (g0, g1, g2)
    for k in range(3):
        ctr[e, pl.ds(16 * k, 16)] = gs[k] * m


def _make_sc_pass(acc_cols, tbl_cols, edge_body, stage_a):
    mesh = plsc.VectorSubcoreMesh(core_axis_name="c", subcore_axis_name="s")

    @functools.partial(
        pl.kernel, mesh=mesh,
        compiler_params=pltpu.CompilerParams(use_tc_tiling_on_sc=False),
        out_type=[jax.ShapeDtypeStruct((NPAD, acc_cols), jnp.float32),
                  jax.ShapeDtypeStruct((NPAD, acc_cols), jnp.float32)],
        scratch_types=[
            pltpu.VMEM_SHARED((NPAD, acc_cols), jnp.float32),
            pltpu.VMEM_SHARED((NPAD if stage_a else 1,
                               tbl_cols), jnp.bfloat16),
            pltpu.VMEM((GROUPS, GB), jnp.int32),
            pltpu.VMEM((GROUPS, GB), jnp.int32),
            pltpu.VMEM((2, GB, tbl_cols), jnp.bfloat16),
            pltpu.VMEM((2, GB, BCOLS), jnp.float32),
            pltpu.VMEM((2, GB, acc_cols), jnp.float32),
            pltpu.SemaphoreType.DMA,
            pltpu.SemaphoreType.DMA,
            pltpu.SemaphoreType.DMA,
            pltpu.SemaphoreType.DMA,
            pltpu.SemaphoreType.DMA,
            pltpu.SemaphoreType.DMA,
        ],
    )
    def sc_pass(a_hbm, b_hbm, src_hbm, dst_hbm, z_hbm, out0_hbm, out1_hbm,
                acc, a_sp, sidx, didx, rows_a, rows_b, ctr,
                sa0, sa1, sb0, sb1, ss0, ss1):
        c = lax.axis_index("c")
        s = lax.axis_index("s")
        w = s * 2 + c
        r0 = s * ROWS_PER_SUB
        sem_a = (sa0, sa1)
        sem_b = (sb0, sb1)
        sem_s = (ss0, ss1)
        rows_slice = pl.ds(r0, ROWS_PER_SUB)
        pltpu.sync_copy(z_hbm, acc.at[rows_slice])
        if stage_a:
            pltpu.sync_copy(a_hbm.at[rows_slice], a_sp.at[rows_slice])
        pltpu.sync_copy(src_hbm.at[w], sidx)
        pltpu.sync_copy(dst_hbm.at[w], didx)
        plsc.subcore_barrier()

        a_tbl = a_sp if stage_a else a_hbm

        def start_gather(g, b):
            pltpu.async_copy(a_tbl.at[sidx.at[g]], rows_a.at[b], sem_a[b])
            pltpu.async_copy(b_hbm.at[didx.at[g]], rows_b.at[b], sem_b[b])

        start_gather(0, 0)
        start_gather(1, 1)

        def gp_body(gp, carry):
            for b in range(2):
                g = 2 * gp + b
                pltpu.make_async_copy(
                    a_tbl.at[sidx.at[g]], rows_a.at[b], sem_a[b]).wait()
                pltpu.make_async_copy(
                    b_hbm.at[didx.at[g]], rows_b.at[b], sem_b[b]).wait()

                @pl.when(gp > 0)
                def _():
                    pltpu.make_async_copy(
                        ctr.at[b], acc.at[didx.at[g]], sem_s[b]).wait()

                @plsc.parallel_loop(0, GB, unroll=4)
                def _(e):
                    edge_body(rows_a.at[b], rows_b.at[b], ctr.at[b], e)

                pltpu.async_copy(ctr.at[b], acc.at[didx.at[g]], sem_s[b],
                                 add=True)

                @pl.when(g + 2 < GROUPS)
                def _():
                    start_gather(g + 2, b)
            return carry
        lax.fori_loop(0, GROUPS // 2, gp_body, 0)

        for b in range(2):
            pltpu.make_async_copy(
                ctr.at[b], acc.at[didx.at[GROUPS - 2 + b]], sem_s[b]).wait()

        plsc.subcore_barrier()

        @pl.when(c == 0)
        def _():
            pltpu.sync_copy(acc.at[rows_slice], out0_hbm.at[rows_slice])

        @pl.when(c == 1)
        def _():
            pltpu.sync_copy(acc.at[rows_slice], out1_hbm.at[rows_slice])

    return sc_pass


def _k2_body(p0_ref, p1_ref, b1_ref, e8_ref, w2a_ref, m2_ref, w2b_ref,
             a_out, b_out):
    acc = p0_ref[...] + p1_ref[...]
    num = acc[:, 0:64]
    den = jnp.dot(acc[:, 64:72], e8_ref[...],
                  preferred_element_type=jnp.float32)
    h1 = num / (den + jnp.float32(1e-16)) + b1_ref[...]
    h1 = jnp.where(h1 > 0, h1, jnp.exp(jnp.minimum(h1, 0.0)) - 1.0)
    a2 = jnp.dot(h1, w2a_ref[...], preferred_element_type=jnp.float32)
    a_out[...] = (a2 + m2_ref[...]).astype(jnp.bfloat16)
    b_out[...] = jnp.dot(h1, w2b_ref[...], preferred_element_type=jnp.float32)


def _run_k2(p1, b1, e8, w2a, m2, w2b):
    blk = NPAD // 4
    grid = 4
    return pl.pallas_call(
        _k2_body,
        grid=(grid,),
        in_specs=[
            pl.BlockSpec((blk, ACC1_COLS), lambda i: (i, 0)),
            pl.BlockSpec((blk, ACC1_COLS), lambda i: (i, 0)),
            pl.BlockSpec((1, 64), lambda i: (0, 0)),
            pl.BlockSpec((8, 64), lambda i: (0, 0)),
            pl.BlockSpec((64, TBL2_COLS), lambda i: (0, 0)),
            pl.BlockSpec((1, TBL2_COLS), lambda i: (0, 0)),
            pl.BlockSpec((64, BCOLS), lambda i: (0, 0)),
        ],
        out_specs=[
            pl.BlockSpec((blk, TBL2_COLS), lambda i: (i, 0)),
            pl.BlockSpec((blk, BCOLS), lambda i: (i, 0)),
        ],
        out_shape=[
            jax.ShapeDtypeStruct((NPAD, TBL2_COLS), jnp.bfloat16),
            jax.ShapeDtypeStruct((NPAD, BCOLS), jnp.float32),
        ],
    )(p1[0], p1[1], b1, e8, w2a, m2, w2b)


def _k3_body(p0_ref, p1_ref, b2_ref, out_ref):
    acc = p0_ref[...] + p1_ref[...]
    num = acc[:, 0:NCLS]
    den = acc[:, NCLS:NCLS + 1]
    logits = num / (den + jnp.float32(1e-16)) + b2_ref[...]
    mx = jnp.max(logits, axis=1, keepdims=True)
    lse = jnp.log(jnp.sum(jnp.exp(logits - mx), axis=1, keepdims=True))
    out_ref[...] = logits - mx - lse


def _run_k3(p2, b2):
    blk = NPAD // 4
    grid = 4
    return pl.pallas_call(
        _k3_body,
        grid=(grid,),
        in_specs=[
            pl.BlockSpec((blk, ACC2_COLS), lambda i: (i, 0)),
            pl.BlockSpec((blk, ACC2_COLS), lambda i: (i, 0)),
            pl.BlockSpec((1, NCLS), lambda i: (0, 0)),
        ],
        out_specs=pl.BlockSpec((blk, NCLS), lambda i: (i, 0)),
        out_shape=jax.ShapeDtypeStruct((NPAD, NCLS), jnp.float32),
    )(p2[0], p2[1], b2)


_sc_pass1 = _make_sc_pass(ACC1_COLS, TBL1_COLS, _edge_body1, stage_a=True)
_sc_pass2 = _make_sc_pass(ACC2_COLS, TBL2_COLS, _edge_body2, stage_a=True)


@jax.jit
def kernel(x, edge_index, W1, att_src1, att_dst1, b1, W2, att_src2, att_dst2, b2):
    f32 = jnp.float32
    ei = edge_index.astype(jnp.int32)
    pad = jnp.full((EPAD - N_EDGES,), N_NODES, jnp.int32)
    src = jnp.concatenate([ei[0], pad]).reshape(NW, GROUPS, GB)
    dst = jnp.concatenate([ei[1], pad]).reshape(NW, GROUPS, GB)

    e8 = jnp.repeat(jnp.eye(H1, dtype=f32), C1, axis=1).reshape(H1, H1 * C1)

    wsrc1 = (W1 * att_src1.reshape(1, H1 * C1)) @ e8.T
    wdst1 = (W1 * att_dst1.reshape(1, H1 * C1)) @ e8.T

    wa1 = jnp.concatenate([W1, wsrc1, jnp.zeros((D_IN, 24), f32)], axis=1)
    m1 = (((jnp.arange(TBL1_COLS) >= 72)
           & (jnp.arange(TBL1_COLS) < 80)).astype(f32)
          .reshape(1, TBL1_COLS))
    wb1 = jnp.concatenate([wdst1, jnp.zeros((D_IN, 8), f32)], axis=1)

    w2a = jnp.concatenate(
        [W2, jnp.zeros((64, 1), f32), (W2 @ att_src2[0])[:, None],
         jnp.zeros((64, 22), f32)], axis=1)
    m2 = (jnp.arange(TBL2_COLS) == 40).astype(f32).reshape(1, TBL2_COLS)
    w2b = jnp.zeros((64, BCOLS), f32).at[:, 9].set(W2 @ att_dst2[0])

    z1 = jnp.zeros((ROWS_PER_SUB, ACC1_COLS), f32)
    z2 = jnp.zeros((ROWS_PER_SUB, ACC2_COLS), f32)

    a1, b1t = _run_k1(x.astype(f32), wa1, m1, wb1)
    p1 = _sc_pass1(a1, b1t, src, dst, z1)
    a2, b2t = _run_k2(p1, b1.reshape(1, 64), e8, w2a, m2, w2b)
    p2 = _sc_pass2(a2, b2t, src, dst, z2)
    out = _run_k3(p2, b2.reshape(1, NCLS))
    return out[:N_NODES]

# --- scband reference (transcript-rebuilt; emitter-appended) ---
"""Pipeline reference for scband-gatnet-36971078484058 (READ-ONLY COPY).

The authoritative reference and input builder live on the scoring server;
editing this copy changes nothing except your own understanding.
"""

import jax, jax.numpy as jnp
import numpy as np

N_NODES = 10000
N_EDGES = 160000
D_IN = 256
HEADS1 = 8
C1 = 8
N_CLASSES = 40


def gat_conv(x, edge_index, W, att_src, att_dst, bias, H, C):
    # PyG-style GATConv (v1), eval mode (dropout disabled).
    N = x.shape[0]
    src = edge_index[0]
    dst = edge_index[1]
    h = (x @ W).reshape(N, H, C)                      # [N, H, C]
    a_src = (h * att_src[None, :, :]).sum(-1)          # [N, H]
    a_dst = (h * att_dst[None, :, :]).sum(-1)          # [N, H]
    alpha = a_src[src] + a_dst[dst]                    # [E, H]
    alpha = jax.nn.leaky_relu(alpha, negative_slope=0.2)
    amax = jax.ops.segment_max(alpha, dst, num_segments=N)
    amax = jnp.where(jnp.isfinite(amax), amax, 0.0)
    ex = jnp.exp(alpha - amax[dst])                    # [E, H]
    denom = jax.ops.segment_sum(ex, dst, num_segments=N)
    coef = ex / (denom[dst] + 1e-16)                   # [E, H]
    msg = h[src] * coef[:, :, None]                    # [E, H, C]
    out = jax.ops.segment_sum(msg, dst, num_segments=N)  # [N, H, C]
    return out.reshape(N, H * C) + bias


def setup_inputs(seed: int = 0) -> dict:
    key = jax.random.key(seed)
    ks = jax.random.split(key, 12)
    x = jax.random.normal(ks[0], (N_NODES, D_IN), dtype=jnp.float32)
    edge_index = jax.random.randint(ks[1], (2, N_EDGES), 0, N_NODES, dtype=jnp.int64)
    W1 = jax.random.normal(ks[2], (D_IN, HEADS1 * C1), dtype=jnp.float32) * 0.1
    att_src1 = jax.random.normal(ks[3], (HEADS1, C1), dtype=jnp.float32) * 0.1
    att_dst1 = jax.random.normal(ks[4], (HEADS1, C1), dtype=jnp.float32) * 0.1
    b1 = jnp.zeros((HEADS1 * C1,), dtype=jnp.float32)
    W2 = jax.random.normal(ks[5], (HEADS1 * C1, N_CLASSES), dtype=jnp.float32) * 0.1
    att_src2 = jax.random.normal(ks[6], (1, N_CLASSES), dtype=jnp.float32) * 0.1
    att_dst2 = jax.random.normal(ks[7], (1, N_CLASSES), dtype=jnp.float32) * 0.1
    b2 = jnp.zeros((N_CLASSES,), dtype=jnp.float32)
    return {"x": x, "edge_index": edge_index,
            "W1": W1, "att_src1": att_src1, "att_dst1": att_dst1, "b1": b1,
            "W2": W2, "att_src2": att_src2, "att_dst2": att_dst2, "b2": b2}


def reference(x, edge_index, W1, att_src1, att_dst1, b1, W2, att_src2, att_dst2, b2):
    # eval mode: F.dropout(p=0.6) is identity
    h = gat_conv(x, edge_index, W1, att_src1, att_dst1, b1, HEADS1, C1)
    h = jax.nn.elu(h)
    out = gat_conv(h, edge_index, W2, att_src2, att_dst2, b2, 1, N_CLASSES)
    return jax.nn.log_softmax(out, axis=1)

if __name__ == "__main__":
    import jax
    _d = setup_inputs()
    print(jax.jit(kernel)(*tuple(_d.values())))

</pallas_src>

<mosaic_0001>
#map = affine_map<(d0, d1) -> (0, 0)>
#map1 = affine_map<(d0, d1) -> (0, 0, 0)>
module attributes {stable_mosaic.version = 14 : i64} {
  func.func @sc_pass(%arg0: i32, %arg1: i32, %arg2: memref<10016x96xbf16, #tpu.memory_space<hbm>>, %arg3: memref<10016x16xf32, #tpu.memory_space<hbm>>, %arg4: memref<32x40x128xi32, #tpu.memory_space<hbm>>, %arg5: memref<32x40x128xi32, #tpu.memory_space<hbm>>, %arg6: memref<626x72xf32, #tpu.memory_space<hbm>>, %arg7: memref<10016x72xf32, #tpu.memory_space<hbm>>, %arg8: memref<10016x72xf32, #tpu.memory_space<hbm>>, %arg9: memref<10016x72xf32, #tpu.memory_space<vmem_shared>>, %arg10: memref<10016x96xbf16, #tpu.memory_space<vmem_shared>>, %arg11: memref<40x128xi32, #tpu.memory_space<vmem>>, %arg12: memref<40x128xi32, #tpu.memory_space<vmem>>, %arg13: memref<2x128x96xbf16, #tpu.memory_space<vmem>>, %arg14: memref<2x128x16xf32, #tpu.memory_space<vmem>>, %arg15: memref<2x128x72xf32, #tpu.memory_space<vmem>>, %arg16: memref<!tpu.dma_semaphore, #tpu.memory_space<semaphore_mem>>, %arg17: memref<!tpu.dma_semaphore, #tpu.memory_space<semaphore_mem>>, %arg18: memref<!tpu.dma_semaphore, #tpu.memory_space<semaphore_mem>>, %arg19: memref<!tpu.dma_semaphore, #tpu.memory_space<semaphore_mem>>, %arg20: memref<!tpu.dma_semaphore, #tpu.memory_space<semaphore_mem>>, %arg21: memref<!tpu.dma_semaphore, #tpu.memory_space<semaphore_mem>>) attributes {dimension_semantics = [#tpu.dimension_semantics<core_parallel>, #tpu.dimension_semantics<subcore_parallel>], iteration_bounds = array<i64: 2, 16>, scalar_prefetch = 0 : i64, scratch_operands = 13 : i64, tpu.core_type = #tpu.core_type<sc_vector_subcore>, window_params = [{transform_indices = #map}, {transform_indices = #map}, {transform_indices = #map1}, {transform_indices = #map1}, {transform_indices = #map}, {transform_indices = #map}, {transform_indices = #map}]} {
    %mul3A = arith.constant 2 : i32
    %mul3A_0 = arith.muli %arg1, %mul3A : i32
    %add3A = arith.addi %mul3A_0, %arg0 : i32
    %mul3A_1 = arith.constant 626 : i32
    %mul3A_2 = arith.muli %arg1, %mul3A_1 : i32
    "tpu.region"() ({
      %run_scoped3A = tpu.sem_alloc : memref<!tpu.dma_semaphore, #tpu.memory_space<semaphore_mem>>
      %dma_start3A_86 = arith.constant 0 : i32
      %dma_start3A_87 = tpu.memref_slice %arg9[%mul3A_2, %dma_start3A_86] : memref<10016x72xf32, #tpu.memory_space<vmem_shared>> -> memref<626x72xf32, #tpu.memory_space<vmem_shared>>
      tpu.enqueue_dma source(%arg6 : memref<626x72xf32, #tpu.memory_space<hbm>>) target(%dma_start3A_87 : memref<626x72xf32, #tpu.memory_space<vmem_shared>>) target_semaphore(%run_scoped3A : memref<!tpu.dma_semaphore, #tpu.memory_space<semaphore_mem>>)
      %dma_wait3A_88 = arith.constant 0 : i32
      %dma_wait3A_89 = tpu.memref_slice %arg9[%mul3A_2, %dma_wait3A_88] : memref<10016x72xf32, #tpu.memory_space<vmem_shared>> -> memref<626x72xf32, #tpu.memory_space<vmem_shared>>
      tpu.wait_dma2 semaphore(%run_scoped3A : memref<!tpu.dma_semaphore, #tpu.memory_space<semaphore_mem>>) src(%arg6 : memref<626x72xf32, #tpu.memory_space<hbm>>) dst(%dma_wait3A_89 : memref<626x72xf32, #tpu.memory_space<vmem_shared>>)
      tpu.yield
    }) : () -> ()
    "tpu.region"() ({
      %run_scoped3A = tpu.sem_alloc : memref<!tpu.dma_semaphore, #tpu.memory_space<semaphore_mem>>
      %dma_start3A_86 = arith.constant 0 : i32
      %dma_start3A_87 = tpu.memref_slice %arg10[%mul3A_2, %dma_start3A_86] : memref<10016x96xbf16, #tpu.memory_space<vmem_shared>> -> memref<626x96xbf16, #tpu.memory_space<vmem_shared>>
      %dma_start3A_88 = arith.constant 0 : i32
      %dma_start3A_89 = tpu.memref_slice %arg2[%mul3A_2, %dma_start3A_88] : memref<10016x96xbf16, #tpu.memory_space<hbm>> -> memref<626x96xbf16, #tpu.memory_space<hbm>>
      tpu.enqueue_dma source(%dma_start3A_89 : memref<626x96xbf16, #tpu.memory_space<hbm>>) target(%dma_start3A_87 : memref<626x96xbf16, #tpu.memory_space<vmem_shared>>) target_semaphore(%run_scoped3A : memref<!tpu.dma_semaphore, #tpu.memory_space<semaphore_mem>>)
      %dma_wait3A_90 = arith.constant 0 : i32
      %dma_wait3A_91 = tpu.memref_slice %arg10[%mul3A_2, %dma_wait3A_90] : memref<10016x96xbf16, #tpu.memory_space<vmem_shared>> -> memref<626x96xbf16, #tpu.memory_space<vmem_shared>>
      %dma_wait3A_92 = arith.constant 0 : i32
      %dma_wait3A_93 = tpu.memref_slice %arg2[%mul3A_2, %dma_wait3A_92] : memref<10016x96xbf16, #tpu.memory_space<hbm>> -> memref<626x96xbf16, #tpu.memory_space<hbm>>
      tpu.wait_dma2 semaphore(%run_scoped3A : memref<!tpu.dma_semaphore, #tpu.memory_space<semaphore_mem>>) src(%dma_wait3A_93 : memref<626x96xbf16, #tpu.memory_space<hbm>>) dst(%dma_wait3A_91 : memref<626x96xbf16, #tpu.memory_space<vmem_shared>>)
      tpu.yield
    }) : () -> ()
    "tpu.region"() ({
      %run_scoped3A = tpu.sem_alloc : memref<!tpu.dma_semaphore, #tpu.memory_space<semaphore_mem>>
      %dma_start3A_86 = arith.constant 0 : i32
      %dma_start3A_87 = arith.constant 0 : i32
      %dma_start3A_88 = tpu.memref_slice %arg4[%add3A, %dma_start3A_86, %dma_start3A_87] : memref<32x40x128xi32, #tpu.memory_space<hbm>> -> memref<1x40x128xi32, #tpu.memory_space<hbm>>
      %dma_start3A_89 = tpu.memref_squeeze %dma_start3A_88 : memref<1x40x128xi32, #tpu.memory_space<hbm>> -> memref<40x128xi32, #tpu.memory_space<hbm>>
      %dma_start3A_90 = arith.constant 0 : i32
      %dma_start3A_91 = arith.constant 0 : i32
      %dma_start3A_92 = tpu.memref_slice %arg4[%add3A, %dma_start3A_90, %dma_start3A_91] : memref<32x40x128xi32, #tpu.memory_space<hbm>> -> memref<1x40x128xi32, #tpu.memory_space<hbm>>
      %dma_start3A_93 = tpu.memref_squeeze %dma_start3A_92 : memref<1x40x128xi32, #tpu.memory_space<hbm>> -> memref<40x128xi32, #tpu.memory_space<hbm>>
      tpu.enqueue_dma source(%dma_start3A_93 : memref<40x128xi32, #tpu.memory_space<hbm>>) target(%arg11 : memref<40x128xi32, #tpu.memory_space<vmem>>) target_semaphore(%run_scoped3A : memref<!tpu.dma_semaphore, #tpu.memory_space<semaphore_mem>>)
      %dma_wait3A_94 = arith.constant 0 : i32
      %dma_wait3A_95 = arith.constant 0 : i32
      %dma_wait3A_96 = tpu.memref_slice %arg4[%add3A, %dma_wait3A_94, %dma_wait3A_95] : memref<32x40x128xi32, #tpu.memory_space<hbm>> -> memref<1x40x128xi32, #tpu.memory_space<hbm>>
      %dma_wait3A_97 = tpu.memref_squeeze %dma_wait3A_96 : memref<1x40x128xi32, #tpu.memory_space<hbm>> -> memref<40x128xi32, #tpu.memory_space<hbm>>
      %dma_wait3A_98 = arith.constant 0 : i32
      %dma_wait3A_99 = arith.constant 0 : i32
      %dma_wait3A_100 = tpu.memref_slice %arg4[%add3A, %dma_wait3A_98, %dma_wait3A_99] : memref<32x40x128xi32, #tpu.memory_space<hbm>> -> memref<1x40x128xi32, #tpu.memory_space<hbm>>
      %dma_wait3A_101 = tpu.memref_squeeze %dma_wait3A_100 : memref<1x40x128xi32, #tpu.memory_space<hbm>> -> memref<40x128xi32, #tpu.memory_space<hbm>>
      tpu.wait_dma2 semaphore(%run_scoped3A : memref<!tpu.dma_semaphore, #tpu.memory_space<semaphore_mem>>) src(%dma_wait3A_101 : memref<40x128xi32, #tpu.memory_space<hbm>>) dst(%arg11 : memref<40x128xi32, #tpu.memory_space<vmem>>)
      tpu.yield
    }) : () -> ()
    "tpu.region"() ({
      %run_scoped3A = tpu.sem_alloc : memref<!tpu.dma_semaphore, #tpu.memory_space<semaphore_mem>>
      %dma_start3A_86 = arith.constant 0 : i32
      %dma_start3A_87 = arith.constant 0 : i32
      %dma_start3A_88 = tpu.memref_slice %arg5[%add3A, %dma_start3A_86, %dma_start3A_87] : memref<32x40x128xi32, #tpu.memory_space<hbm>> -> memref<1x40x128xi32, #tpu.memory_space<hbm>>
      %dma_start3A_89 = tpu.memref_squeeze %dma_start3A_88 : memref<1x40x128xi32, #tpu.memory_space<hbm>> -> memref<40x128xi32, #tpu.memory_space<hbm>>
      %dma_start3A_90 = arith.constant 0 : i32
      %dma_start3A_91 = arith.constant 0 : i32
      %dma_start3A_92 = tpu.memref_slice %arg5[%add3A, %dma_start3A_90, %dma_start3A_91] : memref<32x40x128xi32, #tpu.memory_space<hbm>> -> memref<1x40x128xi32, #tpu.memory_space<hbm>>
      %dma_start3A_93 = tpu.memref_squeeze %dma_start3A_92 : memref<1x40x128xi32, #tpu.memory_space<hbm>> -> memref<40x128xi32, #tpu.memory_space<hbm>>
      tpu.enqueue_dma source(%dma_start3A_93 : memref<40x128xi32, #tpu.memory_space<hbm>>) target(%arg12 : memref<40x128xi32, #tpu.memory_space<vmem>>) target_semaphore(%run_scoped3A : memref<!tpu.dma_semaphore, #tpu.memory_space<semaphore_mem>>)
      %dma_wait3A_94 = arith.constant 0 : i32
      %dma_wait3A_95 = arith.constant 0 : i32
      %dma_wait3A_96 = tpu.memref_slice %arg5[%add3A, %dma_wait3A_94, %dma_wait3A_95] : memref<32x40x128xi32, #tpu.memory_space<hbm>> -> memref<1x40x128xi32, #tpu.memory_space<hbm>>
      %dma_wait3A_97 = tpu.memref_squeeze %dma_wait3A_96 : memref<1x40x128xi32, #tpu.memory_space<hbm>> -> memref<40x128xi32, #tpu.memory_space<hbm>>
      %dma_wait3A_98 = arith.constant 0 : i32
      %dma_wait3A_99 = arith.constant 0 : i32
      %dma_wait3A_100 = tpu.memref_slice %arg5[%add3A, %dma_wait3A_98, %dma_wait3A_99] : memref<32x40x128xi32, #tpu.memory_space<hbm>> -> memref<1x40x128xi32, #tpu.memory_space<hbm>>
      %dma_wait3A_101 = tpu.memref_squeeze %dma_wait3A_100 : memref<1x40x128xi32, #tpu.memory_space<hbm>> -> memref<40x128xi32, #tpu.memory_space<hbm>>
      tpu.wait_dma2 semaphore(%run_scoped3A : memref<!tpu.dma_semaphore, #tpu.memory_space<semaphore_mem>>) src(%dma_wait3A_101 : memref<40x128xi32, #tpu.memory_space<hbm>>) dst(%arg12 : memref<40x128xi32, #tpu.memory_space<vmem>>)
      tpu.yield
    }) : () -> ()
    %barrier3A = arith.constant 0 : index
    tpu.barrier barrier_id(%barrier3A)
    %dma_start3A = arith.constant 0 : i32
    %dma_start3A_3 = arith.constant 0 : i32
    %dma_start3A_4 = arith.constant 0 : i32
    %dma_start3A_5 = arith.constant 0 : i32
    %dma_start3A_6 = tpu.memref_slice %arg13[%dma_start3A_3, %dma_start3A_4, %dma_start3A_5] : memref<2x128x96xbf16, #tpu.memory_space<vmem>> -> memref<1x128x96xbf16, #tpu.memory_space<vmem>>
    %dma_start3A_7 = tpu.memref_squeeze %dma_start3A_6 : memref<1x128x96xbf16, #tpu.memory_space<vmem>> -> memref<128x96xbf16, #tpu.memory_space<vmem>>
    %dma_start3A_8 = arith.constant 0 : i32
    %dma_start3A_9 = tpu.memref_slice %arg11[%dma_start3A, %dma_start3A_8] : memref<40x128xi32, #tpu.memory_space<vmem>> -> memref<1x128xi32, #tpu.memory_space<vmem>>
    %dma_start3A_10 = tpu.memref_squeeze %dma_start3A_9 : memref<1x128xi32, #tpu.memory_space<vmem>> -> memref<128xi32, #tpu.memory_space<vmem>>
    %dma_start3A_11 = arith.constant 0 : i32
    %dma_start3A_12 = arith.constant 0 : i32
    %dma_start3A_13 = tpu.memref_slice %arg10[%dma_start3A_11, %dma_start3A_12] : memref<10016x96xbf16, #tpu.memory_space<vmem_shared>> -> memref<10016x96xbf16, #tpu.memory_space<vmem_shared>>
    tpu.enqueue_indirect_dma source(%dma_start3A_13 : memref<10016x96xbf16, #tpu.memory_space<vmem_shared>>) target(%dma_start3A_7 : memref<128x96xbf16, #tpu.memory_space<vmem>>) offsets(%dma_start3A_10 : memref<128xi32, #tpu.memory_space<vmem>>) semaphore(%arg16 : memref<!tpu.dma_semaphore, #tpu.memory_space<semaphore_mem>>)
    %dma_start3A_14 = arith.constant 0 : i32
    %dma_start3A_15 = arith.constant 0 : i32
    %dma_start3A_16 = arith.constant 0 : i32
    %dma_start3A_17 = arith.constant 0 : i32
    %dma_start3A_18 = tpu.memref_slice %arg14[%dma_start3A_15, %dma_start3A_16, %dma_start3A_17] : memref<2x128x16xf32, #tpu.memory_space<vmem>> -> memref<1x128x16xf32, #tpu.memory_space<vmem>>
    %dma_start3A_19 = tpu.memref_squeeze %dma_start3A_18 : memref<1x128x16xf32, #tpu.memory_space<vmem>> -> memref<128x16xf32, #tpu.memory_space<vmem>>
    %dma_start3A_20 = arith.constant 0 : i32
    %dma_start3A_21 = tpu.memref_slice %arg12[%dma_start3A_14, %dma_start3A_20] : memref<40x128xi32, #tpu.memory_space<vmem>> -> memref<1x128xi32, #tpu.memory_space<vmem>>
    %dma_start3A_22 = tpu.memref_squeeze %dma_start3A_21 : memref<1x128xi32, #tpu.memory_space<vmem>> -> memref<128xi32, #tpu.memory_space<vmem>>
    %dma_start3A_23 = arith.constant 0 : i32
    %dma_start3A_24 = arith.constant 0 : i32
    %dma_start3A_25 = tpu.memref_slice %arg3[%dma_start3A_23, %dma_start3A_24] : memref<10016x16xf32, #tpu.memory_space<hbm>> -> memref<10016x16xf32, #tpu.memory_space<hbm>>
    tpu.enqueue_indirect_dma source(%dma_start3A_25 : memref<10016x16xf32, #tpu.memory_space<hbm>>) target(%dma_start3A_19 : memref<128x16xf32, #tpu.memory_space<vmem>>) offsets(%dma_start3A_22 : memref<128xi32, #tpu.memory_space<vmem>>) semaphore(%arg18 : memref<!tpu.dma_semaphore, #tpu.memory_space<semaphore_mem>>)
    %dma_start3A_26 = arith.constant 1 : i32
    %dma_start3A_27 = arith.constant 1 : i32
    %dma_start3A_28 = arith.constant 0 : i32
    %dma_start3A_29 = arith.constant 0 : i32
    %dma_start3A_30 = tpu.memref_slice %arg13[%dma_start3A_27, %dma_start3A_28, %dma_start3A_29] : memref<2x128x96xbf16, #tpu.memory_space<vmem>> -> memref<1x128x96xbf16, #tpu.memory_space<vmem>>
    %dma_start3A_31 = tpu.memref_squeeze %dma_start3A_30 : memref<1x128x96xbf16, #tpu.memory_space<vmem>> -> memref<128x96xbf16, #tpu.memory_space<vmem>>
    %dma_start3A_32 = arith.constant 0 : i32
    %dma_start3A_33 = tpu.memref_slice %arg11[%dma_start3A_26, %dma_start3A_32] : memref<40x128xi32, #tpu.memory_space<vmem>> -> memref<1x128xi32, #tpu.memory_space<vmem>>
    %dma_start3A_34 = tpu.memref_squeeze %dma_start3A_33 : memref<1x128xi32, #tpu.memory_space<vmem>> -> memref<128xi32, #tpu.memory_space<vmem>>
    %dma_start3A_35 = arith.constant 0 : i32
    %dma_start3A_36 = arith.constant 0 : i32
    %dma_start3A_37 = tpu.memref_slice %arg10[%dma_start3A_35, %dma_start3A_36] : memref<10016x96xbf16, #tpu.memory_space<vmem_shared>> -> memref<10016x96xbf16, #tpu.memory_space<vmem_shared>>
    tpu.enqueue_indirect_dma source(%dma_start3A_37 : memref<10016x96xbf16, #tpu.memory_space<vmem_shared>>) target(%dma_start3A_31 : memref<128x96xbf16, #tpu.memory_space<vmem>>) offsets(%dma_start3A_34 : memref<128xi32, #tpu.memory_space<vmem>>) semaphore(%arg17 : memref<!tpu.dma_semaphore, #tpu.memory_space<semaphore_mem>>)
    %dma_start3A_38 = arith.constant 1 : i32
    %dma_start3A_39 = arith.constant 1 : i32
    %dma_start3A_40 = arith.constant 0 : i32
    %dma_start3A_41 = arith.constant 0 : i32
    %dma_start3A_42 = tpu.memref_slice %arg14[%dma_start3A_39, %dma_start3A_40, %dma_start3A_41] : memref<2x128x16xf32, #tpu.memory_space<vmem>> -> memref<1x128x16xf32, #tpu.memory_space<vmem>>
    %dma_start3A_43 = tpu.memref_squeeze %dma_start3A_42 : memref<1x128x16xf32, #tpu.memory_space<vmem>> -> memref<128x16xf32, #tpu.memory_space<vmem>>
    %dma_start3A_44 = arith.constant 0 : i32
    %dma_start3A_45 = tpu.memref_slice %arg12[%dma_start3A_38, %dma_start3A_44] : memref<40x128xi32, #tpu.memory_space<vmem>> -> memref<1x128xi32, #tpu.memory_space<vmem>>
    %dma_start3A_46 = tpu.memref_squeeze %dma_start3A_45 : memref<1x128xi32, #tpu.memory_space<vmem>> -> memref<128xi32, #tpu.memory_space<vmem>>
    %dma_start3A_47 = arith.constant 0 : i32
    %dma_start3A_48 = arith.constant 0 : i32
    %dma_start3A_49 = tpu.memref_slice %arg3[%dma_start3A_47, %dma_start3A_48] : memref<10016x16xf32, #tpu.memory_space<hbm>> -> memref<10016x16xf32, #tpu.memory_space<hbm>>
    tpu.enqueue_indirect_dma source(%dma_start3A_49 : memref<10016x16xf32, #tpu.memory_space<hbm>>) target(%dma_start3A_43 : memref<128x16xf32, #tpu.memory_space<vmem>>) offsets(%dma_start3A_46 : memref<128xi32, #tpu.memory_space<vmem>>) semaphore(%arg19 : memref<!tpu.dma_semaphore, #tpu.memory_space<semaphore_mem>>)
    %scan3A = arith.constant 0 : i32
    %scan3A_50 = arith.constant 0 : i32
    %scan3A_51 = arith.constant 20 : i32
    %scan3A_52 = arith.addi %scan3A_50, %scan3A_51 : i32
    %scan3A_53 = arith.constant 1 : i32
    scf.for %scan3A_86 = %scan3A_50 to %scan3A_52 step %scan3A_53  : i32 {
      %mul3A_87 = arith.constant 2 : i32
      %mul3A_88 = arith.muli %mul3A_87, %scan3A_86 : i32
      %add3A_89 = arith.constant 0 : i32
      %add3A_90 = arith.addi %mul3A_88, %add3A_89 : i32
      %dma_wait3A_91 = arith.constant 0 : i32
      %dma_wait3A_92 = arith.constant 0 : i32
      %dma_wait3A_93 = arith.constant 0 : i32
      %dma_wait3A_94 = tpu.memref_slice %arg13[%dma_wait3A_91, %dma_wait3A_92, %dma_wait3A_93] : memref<2x128x96xbf16, #tpu.memory_space<vmem>> -> memref<1x128x96xbf16, #tpu.memory_space<vmem>>
      %dma_wait3A_95 = tpu.memref_squeeze %dma_wait3A_94 : memref<1x128x96xbf16, #tpu.memory_space<vmem>> -> memref<128x96xbf16, #tpu.memory_space<vmem>>
      %dma_wait3A_96 = arith.constant 0 : i32
      %dma_wait3A_97 = tpu.memref_slice %arg11[%add3A_90, %dma_wait3A_96] : memref<40x128xi32, #tpu.memory_space<vmem>> -> memref<1x128xi32, #tpu.memory_space<vmem>>
      %dma_wait3A_98 = tpu.memref_squeeze %dma_wait3A_97 : memref<1x128xi32, #tpu.memory_space<vmem>> -> memref<128xi32, #tpu.memory_space<vmem>>
      %dma_wait3A_99 = arith.constant 0 : i32
      %dma_wait3A_100 = arith.constant 0 : i32
      %dma_wait3A_101 = tpu.memref_slice %arg10[%dma_wait3A_99, %dma_wait3A_100] : memref<10016x96xbf16, #tpu.memory_space<vmem_shared>> -> memref<10016x96xbf16, #tpu.memory_space<vmem_shared>>
      tpu.wait_indirect_dma semaphore(%arg16 : memref<!tpu.dma_semaphore, #tpu.memory_space<semaphore_mem>>) src(%dma_wait3A_101 : memref<10016x96xbf16, #tpu.memory_space<vmem_shared>>) dst(%dma_wait3A_95 : memref<128x96xbf16, #tpu.memory_space<vmem>>)
      %dma_wait3A_102 = arith.constant 0 : i32
      %dma_wait3A_103 = arith.constant 0 : i32
      %dma_wait3A_104 = arith.constant 0 : i32
      %dma_wait3A_105 = tpu.memref_slice %arg14[%dma_wait3A_102, %dma_wait3A_103, %dma_wait3A_104] : memref<2x128x16xf32, #tpu.memory_space<vmem>> -> memref<1x128x16xf32, #tpu.memory_space<vmem>>
      %dma_wait3A_106 = tpu.memref_squeeze %dma_wait3A_105 : memref<1x128x16xf32, #tpu.memory_space<vmem>> -> memref<128x16xf32, #tpu.memory_space<vmem>>
      %dma_wait3A_107 = arith.constant 0 : i32
      %dma_wait3A_108 = tpu.memref_slice %arg12[%add3A_90, %dma_wait3A_107] : memref<40x128xi32, #tpu.memory_space<vmem>> -> memref<1x128xi32, #tpu.memory_space<vmem>>
      %dma_wait3A_109 = tpu.memref_squeeze %dma_wait3A_108 : memref<1x128xi32, #tpu.memory_space<vmem>> -> memref<128xi32, #tpu.memory_space<vmem>>
      %dma_wait3A_110 = arith.constant 0 : i32
      %dma_wait3A_111 = arith.constant 0 : i32
      %dma_wait3A_112 = tpu.memref_slice %arg3[%dma_wait3A_110, %dma_wait3A_111] : memref<10016x16xf32, #tpu.memory_space<hbm>> -> memref<10016x16xf32, #tpu.memory_space<hbm>>
      tpu.wait_indirect_dma semaphore(%arg18 : memref<!tpu.dma_semaphore, #tpu.memory_space<semaphore_mem>>) src(%dma_wait3A_112 : memref<10016x16xf32, #tpu.memory_space<hbm>>) dst(%dma_wait3A_106 : memref<128x16xf32, #tpu.memory_space<vmem>>)
      %gt3A = arith.constant 0 : i32
      %gt3A_113 = arith.cmpi sgt, %scan3A_86, %gt3A : i32
      %convert_element_type3A_114 = arith.extui %gt3A_113 : i1 to i32
      %cond3A_115 = arith.constant 0 : i32
      %cond3A_116 = arith.cmpi ne, %convert_element_type3A_114, %cond3A_115 : i32
      scf.if %cond3A_116 {
        %dma_wait3A_188 = arith.constant 0 : i32
        %dma_wait3A_189 = arith.constant 0 : i32
        %dma_wait3A_190 = arith.constant 0 : i32
        %dma_wait3A_191 = tpu.memref_slice %arg15[%dma_wait3A_188, %dma_wait3A_189, %dma_wait3A_190] : memref<2x128x72xf32, #tpu.memory_space<vmem>> -> memref<1x128x72xf32, #tpu.memory_space<vmem>>
        %dma_wait3A_192 = tpu.memref_squeeze %dma_wait3A_191 : memref<1x128x72xf32, #tpu.memory_space<vmem>> -> memref<128x72xf32, #tpu.memory_space<vmem>>
        %dma_wait3A_193 = arith.constant 0 : i32
        %dma_wait3A_194 = tpu.memref_slice %arg12[%add3A_90, %dma_wait3A_193] : memref<40x128xi32, #tpu.memory_space<vmem>> -> memref<1x128xi32, #tpu.memory_space<vmem>>
        %dma_wait3A_195 = tpu.memref_squeeze %dma_wait3A_194 : memref<1x128xi32, #tpu.memory_space<vmem>> -> memref<128xi32, #tpu.memory_space<vmem>>
        %dma_wait3A_196 = arith.constant 0 : i32
        %dma_wait3A_197 = arith.constant 0 : i32
        %dma_wait3A_198 = tpu.memref_slice %arg9[%dma_wait3A_196, %dma_wait3A_197] : memref<10016x72xf32, #tpu.memory_space<vmem_shared>> -> memref<10016x72xf32, #tpu.memory_space<vmem_shared>>
        tpu.wait_indirect_dma semaphore(%arg20 : memref<!tpu.dma_semaphore, #tpu.memory_space<semaphore_mem>>) src(%dma_wait3A_192 : memref<128x72xf32, #tpu.memory_space<vmem>>) dst(%dma_wait3A_198 : memref<10016x72xf32, #tpu.memory_space<vmem_shared>>)
      } else {
      }
      %parallel_loop3A = arith.constant 0 : i32
      %parallel_loop3A_117 = arith.constant 128 : i32
      %parallel_loop3A_118 = arith.constant 1 : i32
      scf.for %parallel_loop3A_188 = %parallel_loop3A to %parallel_loop3A_117 step %parallel_loop3A_118  : i32 {
        %parallel_loop3A_189 = arith.constant 0 : i32
        %parallel_loop3A_190 = arith.constant 0 : i32
        %parallel_loop3A_191 = arith.constant 0 : i32
        %parallel_loop3A_192 = tpu.memref_slice %arg13[%parallel_loop3A_189, %parallel_loop3A_190, %parallel_loop3A_191] : memref<2x128x96xbf16, #tpu.memory_space<vmem>> -> memref<1x128x96xbf16, #tpu.memory_space<vmem>>
        %parallel_loop3A_193 = tpu.memref_squeeze %parallel_loop3A_192 : memref<1x128x96xbf16, #tpu.memory_space<vmem>> -> memref<128x96xbf16, #tpu.memory_space<vmem>>
        %parallel_loop3A_194 = arith.index_cast %parallel_loop3A_188 : i32 to index
        %parallel_loop3A_195 = arith.constant 0 : index
        %parallel_loop3A_196 = tpu.vector_load %parallel_loop3A_193[%parallel_loop3A_194, %parallel_loop3A_195] {strides = array<i32>} : memref<128x96xbf16, #tpu.memory_space<vmem>>, vector<1x32xbf16>,
        %parallel_loop3A_197 = vector.shape_cast %parallel_loop3A_196 : vector<1x32xbf16> to vector<32xbf16>
        %parallel_loop3A_198 = arith.extf %parallel_loop3A_197 : vector<32xbf16> to vector<32xf32>
        %parallel_loop3A_199 = arith.constant 0 : i32
        %parallel_loop3A_200 = arith.constant 0 : i32
        %parallel_loop3A_201 = arith.constant 0 : i32
        %parallel_loop3A_202 = tpu.memref_slice %arg13[%parallel_loop3A_199, %parallel_loop3A_200, %parallel_loop3A_201] : memref<2x128x96xbf16, #tpu.memory_space<vmem>> -> memref<1x128x96xbf16, #tpu.memory_space<vmem>>
        %parallel_loop3A_203 = tpu.memref_squeeze %parallel_loop3A_202 : memref<1x128x96xbf16, #tpu.memory_space<vmem>> -> memref<128x96xbf16, #tpu.memory_space<vmem>>
        %parallel_loop3A_204 = arith.index_cast %parallel_loop3A_188 : i32 to index
        %parallel_loop3A_205 = arith.constant 32 : index
        %parallel_loop3A_206 = tpu.vector_load %parallel_loop3A_203[%parallel_loop3A_204, %parallel_loop3A_205] {strides = array<i32>} : memref<128x96xbf16, #tpu.memory_space<vmem>>, vector<1x32xbf16>,
        %parallel_loop3A_207 = vector.shape_cast %parallel_loop3A_206 : vector<1x32xbf16> to vector<32xbf16>
        %parallel_loop3A_208 = arith.extf %parallel_loop3A_207 : vector<32xbf16> to vector<32xf32>
        %parallel_loop3A_209 = arith.constant 0 : i32
        %parallel_loop3A_210 = arith.constant 0 : i32
        %parallel_loop3A_211 = arith.constant 0 : i32
        %parallel_loop3A_212 = tpu.memref_slice %arg13[%parallel_loop3A_209, %parallel_loop3A_210, %parallel_loop3A_211] : memref<2x128x96xbf16, #tpu.memory_space<vmem>> -> memref<1x128x96xbf16, #tpu.memory_space<vmem>>
        %parallel_loop3A_213 = tpu.memref_squeeze %parallel_loop3A_212 : memref<1x128x96xbf16, #tpu.memory_space<vmem>> -> memref<128x96xbf16, #tpu.memory_space<vmem>>
        %parallel_loop3A_214 = arith.index_cast %parallel_loop3A_188 : i32 to index
        %parallel_loop3A_215 = arith.constant 64 : index
        %parallel_loop3A_216 = tpu.vector_load %parallel_loop3A_213[%parallel_loop3A_214, %parallel_loop3A_215] {strides = array<i32>} : memref<128x96xbf16, #tpu.memory_space<vmem>>, vector<1x32xbf16>,
        %parallel_loop3A_217 = vector.shape_cast %parallel_loop3A_216 : vector<1x32xbf16> to vector<32xbf16>
        %parallel_loop3A_218 = arith.extf %parallel_loop3A_217 : vector<32xbf16> to vector<32xf32>
        %parallel_loop3A_219 = vector.extract_strided_slice %parallel_loop3A_198 {offsets = [0], sizes = [16], strides = [1]} : vector<32xf32> to vector<16xf32>
        %parallel_loop3A_220 = vector.extract_strided_slice %parallel_loop3A_198 {offsets = [16], sizes = [16], strides = [1]} : vector<32xf32> to vector<16xf32>
        %parallel_loop3A_221 = vector.extract_strided_slice %parallel_loop3A_208 {offsets = [0], sizes = [16], strides = [1]} : vector<32xf32> to vector<16xf32>
        %parallel_loop3A_222 = vector.extract_strided_slice %parallel_loop3A_208 {offsets = [16], sizes = [16], strides = [1]} : vector<32xf32> to vector<16xf32>
        %parallel_loop3A_223 = vector.extract_strided_slice %parallel_loop3A_218 {offsets = [0], sizes = [16], strides = [1]} : vector<32xf32> to vector<16xf32>
        %parallel_loop3A_224 = arith.constant 0 : i32
        %parallel_loop3A_225 = arith.constant 0 : i32
        %parallel_loop3A_226 = arith.constant 0 : i32
        %parallel_loop3A_227 = tpu.memref_slice %arg14[%parallel_loop3A_224, %parallel_loop3A_225, %parallel_loop3A_226] : memref<2x128x16xf32, #tpu.memory_space<vmem>> -> memref<1x128x16xf32, #tpu.memory_space<vmem>>
        %parallel_loop3A_228 = tpu.memref_squeeze %parallel_loop3A_227 : memref<1x128x16xf32, #tpu.memory_space<vmem>> -> memref<128x16xf32, #tpu.memory_space<vmem>>
        %parallel_loop3A_229 = arith.index_cast %parallel_loop3A_188 : i32 to index
        %parallel_loop3A_230 = arith.constant 0 : index
        %parallel_loop3A_231 = tpu.vector_load %parallel_loop3A_228[%parallel_loop3A_229, %parallel_loop3A_230] {strides = array<i32>} : memref<128x16xf32, #tpu.memory_space<vmem>>, vector<1x16xf32>,
        %parallel_loop3A_232 = vector.shape_cast %parallel_loop3A_231 : vector<1x16xf32> to vector<16xf32>
        %parallel_loop3A_233 = arith.addf %parallel_loop3A_223, %parallel_loop3A_232 : vector<16xf32>
        %parallel_loop3A_234 = arith.constant 2.000000e-01 : f32
        %parallel_loop3A_235 = vector.broadcast %parallel_loop3A_234 : f32 to vector<16xf32>
        %parallel_loop3A_236 = arith.mulf %parallel_loop3A_233, %parallel_loop3A_235 : vector<16xf32>
        %parallel_loop3A_237 = arith.maximumf %parallel_loop3A_233, %parallel_loop3A_236 : vector<16xf32>
        %parallel_loop3A_238 = math.exp %parallel_loop3A_237 : vector<16xf32>
        %parallel_loop3A_239 = tpu.iota {dimensions = array<i32: 0>} : vector<16xi32>
        %parallel_loop3A_240 = arith.constant 3 : i32
        %parallel_loop3A_241 = vector.broadcast %parallel_loop3A_240 : i32 to vector<16xi32>
        %parallel_loop3A_242 = arith.shrui %parallel_loop3A_239, %parallel_loop3A_241 : vector<16xi32>
        %parallel_loop3A_243 = arith.constant 8 : i32
        %parallel_loop3A_244 = vector.broadcast %parallel_loop3A_243 : i32 to vector<16xi32>
        %parallel_loop3A_245 = arith.cmpi slt, %parallel_loop3A_239, %parallel_loop3A_244 : vector<16xi32>
        %parallel_loop3A_246 = arith.constant 0 : i32
        %parallel_loop3A_247 = vector.broadcast %parallel_loop3A_246 : i32 to vector<16xi32>
        %parallel_loop3A_248 = arith.addi %parallel_loop3A_242, %parallel_loop3A_247 : vector<16xi32>
        %parallel_loop3A_249 = vector.shape_cast %parallel_loop3A_248 : vector<16xi32> to vector<16x1xi32>
        %parallel_loop3A_250 = vector.shape_cast %parallel_loop3A_249 : vector<16x1xi32> to vector<16xi32>
        %parallel_loop3A_251 = tpu.dynamic_gather %parallel_loop3A_238[%parallel_loop3A_250] in [0] : vector<16xf32>, vector<16xi32> -> vector<16xf32>
        %parallel_loop3A_252 = arith.mulf %parallel_loop3A_219, %parallel_loop3A_251 : vector<16xf32>
        %parallel_loop3A_253 = arith.constant 0 : i32
        %parallel_loop3A_254 = arith.constant 0 : i32
        %parallel_loop3A_255 = arith.constant 0 : i32
        %parallel_loop3A_256 = tpu.memref_slice %arg15[%parallel_loop3A_253, %parallel_loop3A_254, %parallel_loop3A_255] : memref<2x128x72xf32, #tpu.memory_space<vmem>> -> memref<1x128x72xf32, #tpu.memory_space<vmem>>
        %parallel_loop3A_257 = tpu.memref_squeeze %parallel_loop3A_256 : memref<1x128x72xf32, #tpu.memory_space<vmem>> -> memref<128x72xf32, #tpu.memory_space<vmem>>
        %parallel_loop3A_258 = arith.index_cast %parallel_loop3A_188 : i32 to index
        %parallel_loop3A_259 = arith.constant 0 : index
        %parallel_loop3A_260 = tpu.vector_load %parallel_loop3A_257[%parallel_loop3A_258, %parallel_loop3A_259] {strides = array<i32>} : memref<128x72xf32, #tpu.memory_space<vmem>>, vector<1x16xf32>,
        %parallel_loop3A_261 = vector.shape_cast %parallel_loop3A_260 : vector<1x16xf32> to vector<16xf32>
        %parallel_loop3A_262 = vector.shape_cast %parallel_loop3A_252 : vector<16xf32> to vector<1x16xf32>
        tpu.vector_store %parallel_loop3A_257[%parallel_loop3A_258, %parallel_loop3A_259], %parallel_loop3A_262 {strides = array<i32>} : memref<128x72xf32, #tpu.memory_space<vmem>>, vector<1x16xf32>,
        %parallel_loop3A_263 = arith.constant 2 : i32
        %parallel_loop3A_264 = vector.broadcast %parallel_loop3A_263 : i32 to vector<16xi32>
        %parallel_loop3A_265 = arith.addi %parallel_loop3A_242, %parallel_loop3A_264 : vector<16xi32>
        %parallel_loop3A_266 = vector.shape_cast %parallel_loop3A_265 : vector<16xi32> to vector<16x1xi32>
        %parallel_loop3A_267 = vector.shape_cast %parallel_loop3A_266 : vector<16x1xi32> to vector<16xi32>
        %parallel_loop3A_268 = tpu.dynamic_gather %parallel_loop3A_238[%parallel_loop3A_267] in [0] : vector<16xf32>, vector<16xi32> -> vector<16xf32>
        %parallel_loop3A_269 = arith.mulf %parallel_loop3A_220, %parallel_loop3A_268 : vector<16xf32>
        %parallel_loop3A_270 = arith.constant 0 : i32
        %parallel_loop3A_271 = arith.constant 0 : i32
        %parallel_loop3A_272 = arith.constant 0 : i32
        %parallel_loop3A_273 = tpu.memref_slice %arg15[%parallel_loop3A_270, %parallel_loop3A_271, %parallel_loop3A_272] : memref<2x128x72xf32, #tpu.memory_space<vmem>> -> memref<1x128x72xf32, #tpu.memory_space<vmem>>
        %parallel_loop3A_274 = tpu.memref_squeeze %parallel_loop3A_273 : memref<1x128x72xf32, #tpu.memory_space<vmem>> -> memref<128x72xf32, #tpu.memory_space<vmem>>
        %parallel_loop3A_275 = arith.index_cast %parallel_loop3A_188 : i32 to index
        %parallel_loop3A_276 = arith.constant 16 : index
        %parallel_loop3A_277 = tpu.vector_load %parallel_loop3A_274[%parallel_loop3A_275, %parallel_loop3A_276] {strides = array<i32>} : memref<128x72xf32, #tpu.memory_space<vmem>>, vector<1x16xf32>,
        %parallel_loop3A_278 = vector.shape_cast %parallel_loop3A_277 : vector<1x16xf32> to vector<16xf32>
        %parallel_loop3A_279 = vector.shape_cast %parallel_loop3A_269 : vector<16xf32> to vector<1x16xf32>
        tpu.vector_store %parallel_loop3A_274[%parallel_loop3A_275, %parallel_loop3A_276], %parallel_loop3A_279 {strides = array<i32>} : memref<128x72xf32, #tpu.memory_space<vmem>>, vector<1x16xf32>,
        %parallel_loop3A_280 = arith.constant 4 : i32
        %parallel_loop3A_281 = vector.broadcast %parallel_loop3A_280 : i32 to vector<16xi32>
        %parallel_loop3A_282 = arith.addi %parallel_loop3A_242, %parallel_loop3A_281 : vector<16xi32>
        %parallel_loop3A_283 = vector.shape_cast %parallel_loop3A_282 : vector<16xi32> to vector<16x1xi32>
        %parallel_loop3A_284 = vector.shape_cast %parallel_loop3A_283 : vector<16x1xi32> to vector<16xi32>
        %parallel_loop3A_285 = tpu.dynamic_gather %parallel_loop3A_238[%parallel_loop3A_284] in [0] : vector<16xf32>, vector<16xi32> -> vector<16xf32>
        %parallel_loop3A_286 = arith.mulf %parallel_loop3A_221, %parallel_loop3A_285 : vector<16xf32>
        %parallel_loop3A_287 = arith.constant 0 : i32
        %parallel_loop3A_288 = arith.constant 0 : i32
        %parallel_loop3A_289 = arith.constant 0 : i32
        %parallel_loop3A_290 = tpu.memref_slice %arg15[%parallel_loop3A_287, %parallel_loop3A_288, %parallel_loop3A_289] : memref<2x128x72xf32, #tpu.memory_space<vmem>> -> memref<1x128x72xf32, #tpu.memory_space<vmem>>
        %parallel_loop3A_291 = tpu.memref_squeeze %parallel_loop3A_290 : memref<1x128x72xf32, #tpu.memory_space<vmem>> -> memref<128x72xf32, #tpu.memory_space<vmem>>
        %parallel_loop3A_292 = arith.index_cast %parallel_loop3A_188 : i32 to index
        %parallel_loop3A_293 = arith.constant 32 : index
        %parallel_loop3A_294 = tpu.vector_load %parallel_loop3A_291[%parallel_loop3A_292, %parallel_loop3A_293] {strides = array<i32>} : memref<128x72xf32, #tpu.memory_space<vmem>>, vector<1x16xf32>,
        %parallel_loop3A_295 = vector.shape_cast %parallel_loop3A_294 : vector<1x16xf32> to vector<16xf32>
        %parallel_loop3A_296 = vector.shape_cast %parallel_loop3A_286 : vector<16xf32> to vector<1x16xf32>
        tpu.vector_store %parallel_loop3A_291[%parallel_loop3A_292, %parallel_loop3A_293], %parallel_loop3A_296 {strides = array<i32>} : memref<128x72xf32, #tpu.memory_space<vmem>>, vector<1x16xf32>,
        %parallel_loop3A_297 = arith.constant 6 : i32
        %parallel_loop3A_298 = vector.broadcast %parallel_loop3A_297 : i32 to vector<16xi32>
        %parallel_loop3A_299 = arith.addi %parallel_loop3A_242, %parallel_loop3A_298 : vector<16xi32>
        %parallel_loop3A_300 = vector.shape_cast %parallel_loop3A_299 : vector<16xi32> to vector<16x1xi32>
        %parallel_loop3A_301 = vector.shape_cast %parallel_loop3A_300 : vector<16x1xi32> to vector<16xi32>
        %parallel_loop3A_302 = tpu.dynamic_gather %parallel_loop3A_238[%parallel_loop3A_301] in [0] : vector<16xf32>, vector<16xi32> -> vector<16xf32>
        %parallel_loop3A_303 = arith.mulf %parallel_loop3A_222, %parallel_loop3A_302 : vector<16xf32>
        %parallel_loop3A_304 = arith.constant 0 : i32
        %parallel_loop3A_305 = arith.constant 0 : i32
        %parallel_loop3A_306 = arith.constant 0 : i32
        %parallel_loop3A_307 = tpu.memref_slice %arg15[%parallel_loop3A_304, %parallel_loop3A_305, %parallel_loop3A_306] : memref<2x128x72xf32, #tpu.memory_space<vmem>> -> memref<1x128x72xf32, #tpu.memory_space<vmem>>
        %parallel_loop3A_308 = tpu.memref_squeeze %parallel_loop3A_307 : memref<1x128x72xf32, #tpu.memory_space<vmem>> -> memref<128x72xf32, #tpu.memory_space<vmem>>
        %parallel_loop3A_309 = arith.index_cast %parallel_loop3A_188 : i32 to index
        %parallel_loop3A_310 = arith.constant 48 : index
        %parallel_loop3A_311 = tpu.vector_load %parallel_loop3A_308[%parallel_loop3A_309, %parallel_loop3A_310] {strides = array<i32>} : memref<128x72xf32, #tpu.memory_space<vmem>>, vector<1x16xf32>,
        %parallel_loop3A_312 = vector.shape_cast %parallel_loop3A_311 : vector<1x16xf32> to vector<16xf32>
        %parallel_loop3A_313 = vector.shape_cast %parallel_loop3A_303 : vector<16xf32> to vector<1x16xf32>
        tpu.vector_store %parallel_loop3A_308[%parallel_loop3A_309, %parallel_loop3A_310], %parallel_loop3A_313 {strides = array<i32>} : memref<128x72xf32, #tpu.memory_space<vmem>>, vector<1x16xf32>,
        %parallel_loop3A_314 = arith.constant 8 : i32
        %parallel_loop3A_315 = vector.broadcast %parallel_loop3A_314 : i32 to vector<16xi32>
        %parallel_loop3A_316 = arith.addi %parallel_loop3A_239, %parallel_loop3A_315 : vector<16xi32>
        %parallel_loop3A_317 = arith.constant 0 : i32
        %parallel_loop3A_318 = vector.broadcast %parallel_loop3A_317 : i32 to vector<16xi32>
        %parallel_loop3A_319 = arith.select %parallel_loop3A_245, %parallel_loop3A_316, %parallel_loop3A_318 : vector<16xi1>, vector<16xi32>
        %parallel_loop3A_320 = vector.shape_cast %parallel_loop3A_319 : vector<16xi32> to vector<16x1xi32>
        %parallel_loop3A_321 = vector.shape_cast %parallel_loop3A_320 : vector<16x1xi32> to vector<16xi32>
        %parallel_loop3A_322 = tpu.dynamic_gather %parallel_loop3A_222[%parallel_loop3A_321] in [0] : vector<16xf32>, vector<16xi32> -> vector<16xf32>
        %parallel_loop3A_323 = arith.constant 1.000000e+00 : f32
        %parallel_loop3A_324 = vector.broadcast %parallel_loop3A_323 : f32 to vector<16xf32>
        %parallel_loop3A_325 = arith.select %parallel_loop3A_245, %parallel_loop3A_322, %parallel_loop3A_324 : vector<16xi1>, vector<16xf32>
        %parallel_loop3A_326 = arith.constant 8 : i32
        %parallel_loop3A_327 = vector.broadcast %parallel_loop3A_326 : i32 to vector<16xi32>
        %parallel_loop3A_328 = arith.subi %parallel_loop3A_239, %parallel_loop3A_327 : vector<16xi32>
        %parallel_loop3A_329 = arith.constant 7 : i32
        %parallel_loop3A_330 = vector.broadcast %parallel_loop3A_329 : i32 to vector<16xi32>
        %parallel_loop3A_331 = arith.select %parallel_loop3A_245, %parallel_loop3A_330, %parallel_loop3A_328 : vector<16xi1>, vector<16xi32>
        %parallel_loop3A_332 = vector.shape_cast %parallel_loop3A_331 : vector<16xi32> to vector<16x1xi32>
        %parallel_loop3A_333 = vector.shape_cast %parallel_loop3A_332 : vector<16x1xi32> to vector<16xi32>
        %parallel_loop3A_334 = tpu.dynamic_gather %parallel_loop3A_238[%parallel_loop3A_333] in [0] : vector<16xf32>, vector<16xi32> -> vector<16xf32>
        %parallel_loop3A_335 = arith.mulf %parallel_loop3A_325, %parallel_loop3A_334 : vector<16xf32>
        %parallel_loop3A_336 = arith.constant 0 : i32
        %parallel_loop3A_337 = arith.constant 0 : i32
        %parallel_loop3A_338 = arith.constant 0 : i32
        %parallel_loop3A_339 = tpu.memref_slice %arg15[%parallel_loop3A_336, %parallel_loop3A_337, %parallel_loop3A_338] : memref<2x128x72xf32, #tpu.memory_space<vmem>> -> memref<1x128x72xf32, #tpu.memory_space<vmem>>
        %parallel_loop3A_340 = tpu.memref_squeeze %parallel_loop3A_339 : memref<1x128x72xf32, #tpu.memory_space<vmem>> -> memref<128x72xf32, #tpu.memory_space<vmem>>
        %parallel_loop3A_341 = arith.index_cast %parallel_loop3A_188 : i32 to index
        %parallel_loop3A_342 = arith.constant 56 : index
        %parallel_loop3A_343 = tpu.vector_load %parallel_loop3A_340[%parallel_loop3A_341, %parallel_loop3A_342] {strides = array<i32>} : memref<128x72xf32, #tpu.memory_space<vmem>>, vector<1x16xf32>,
        %parallel_loop3A_344 = vector.shape_cast %parallel_loop3A_343 : vector<1x16xf32> to vector<16xf32>
        %parallel_loop3A_345 = vector.shape_cast %parallel_loop3A_335 : vector<16xf32> to vector<1x16xf32>
        tpu.vector_store %parallel_loop3A_340[%parallel_loop3A_341, %parallel_loop3A_342], %parallel_loop3A_345 {strides = array<i32>} : memref<128x72xf32, #tpu.memory_space<vmem>>, vector<1x16xf32>,
      } {sc.loop_unroll_factor = 4 : i64, sc.parallel_access}
      %dma_start3A_119 = arith.constant 0 : i32
      %dma_start3A_120 = arith.constant 0 : i32
      %dma_start3A_121 = arith.constant 0 : i32
      %dma_start3A_122 = tpu.memref_slice %arg15[%dma_start3A_119, %dma_start3A_120, %dma_start3A_121] : memref<2x128x72xf32, #tpu.memory_space<vmem>> -> memref<1x128x72xf32, #tpu.memory_space<vmem>>
      %dma_start3A_123 = tpu.memref_squeeze %dma_start3A_122 : memref<1x128x72xf32, #tpu.memory_space<vmem>> -> memref<128x72xf32, #tpu.memory_space<vmem>>
      %dma_start3A_124 = arith.constant 0 : i32
      %dma_start3A_125 = tpu.memref_slice %arg12[%add3A_90, %dma_start3A_124] : memref<40x128xi32, #tpu.memory_space<vmem>> -> memref<1x128xi32, #tpu.memory_space<vmem>>
      %dma_start3A_126 = tpu.memref_squeeze %dma_start3A_125 : memref<1x128xi32, #tpu.memory_space<vmem>> -> memref<128xi32, #tpu.memory_space<vmem>>
      %dma_start3A_127 = arith.constant 0 : i32
      %dma_start3A_128 = arith.constant 0 : i32
      %dma_start3A_129 = tpu.memref_slice %arg9[%dma_start3A_127, %dma_start3A_128] : memref<10016x72xf32, #tpu.memory_space<vmem_shared>> -> memref<10016x72xf32, #tpu.memory_space<vmem_shared>>
      tpu.enqueue_indirect_dma source(%dma_start3A_123 : memref<128x72xf32, #tpu.memory_space<vmem>>) target(%dma_start3A_129 : memref<10016x72xf32, #tpu.memory_space<vmem_shared>>) offsets(%dma_start3A_126 : memref<128xi32, #tpu.memory_space<vmem>>) semaphore(%arg20 : memref<!tpu.dma_semaphore, #tpu.memory_space<semaphore_mem>>) {add = true}
      %add3A_130 = arith.constant 2 : i32
      %add3A_131 = arith.addi %add3A_90, %add3A_130 : i32
      %lt3A = arith.constant 40 : i32
      %lt3A_132 = arith.cmpi slt, %add3A_131, %lt3A : i32
      %convert_element_type3A_133 = arith.extui %lt3A_132 : i1 to i32
      %cond3A_134 = arith.constant 0 : i32
      %cond3A_135 = arith.cmpi ne, %convert_element_type3A_133, %cond3A_134 : i32
      scf.if %cond3A_135 {
        %add3A_188 = arith.constant 2 : i32
        %add3A_189 = arith.addi %add3A_90, %add3A_188 : i32
        %dma_start3A_190 = arith.constant 0 : i32
        %dma_start3A_191 = arith.constant 0 : i32
        %dma_start3A_192 = arith.constant 0 : i32
        %dma_start3A_193 = tpu.memref_slice %arg13[%dma_start3A_190, %dma_start3A_191, %dma_start3A_192] : memref<2x128x96xbf16, #tpu.memory_space<vmem>> -> memref<1x128x96xbf16, #tpu.memory_space<vmem>>
        %dma_start3A_194 = tpu.memref_squeeze %dma_start3A_193 : memref<1x128x96xbf16, #tpu.memory_space<vmem>> -> memref<128x96xbf16, #tpu.memory_space<vmem>>
        %dma_start3A_195 = arith.constant 0 : i32
        %dma_start3A_196 = tpu.memref_slice %arg11[%add3A_189, %dma_start3A_195] : memref<40x128xi32, #tpu.memory_space<vmem>> -> memref<1x128xi32, #tpu.memory_space<vmem>>
        %dma_start3A_197 = tpu.memref_squeeze %dma_start3A_196 : memref<1x128xi32, #tpu.memory_space<vmem>> -> memref<128xi32, #tpu.memory_space<vmem>>
        %dma_start3A_198 = arith.constant 0 : i32
        %dma_start3A_199 = arith.constant 0 : i32
        %dma_start3A_200 = tpu.memref_slice %arg10[%dma_start3A_198, %dma_start3A_199] : memref<10016x96xbf16, #tpu.memory_space<vmem_shared>> -> memref<10016x96xbf16, #tpu.memory_space<vmem_shared>>
        tpu.enqueue_indirect_dma source(%dma_start3A_200 : memref<10016x96xbf16, #tpu.memory_space<vmem_shared>>) target(%dma_start3A_194 : memref<128x96xbf16, #tpu.memory_space<vmem>>) offsets(%dma_start3A_197 : memref<128xi32, #tpu.memory_space<vmem>>) semaphore(%arg16 : memref<!tpu.dma_semaphore, #tpu.memory_space<semaphore_mem>>)
        %dma_start3A_201 = arith.constant 0 : i32
        %dma_start3A_202 = arith.constant 0 : i32
        %dma_start3A_203 = arith.constant 0 : i32
        %dma_start3A_204 = tpu.memref_slice %arg14[%dma_start3A_201, %dma_start3A_202, %dma_start3A_203] : memref<2x128x16xf32, #tpu.memory_space<vmem>> -> memref<1x128x16xf32, #tpu.memory_space<vmem>>
        %dma_start3A_205 = tpu.memref_squeeze %dma_start3A_204 : memref<1x128x16xf32, #tpu.memory_space<vmem>> -> memref<128x16xf32, #tpu.memory_space<vmem>>
        %dma_start3A_206 = arith.constant 0 : i32
        %dma_start3A_207 = tpu.memref_slice %arg12[%add3A_189, %dma_start3A_206] : memref<40x128xi32, #tpu.memory_space<vmem>> -> memref<1x128xi32, #tpu.memory_space<vmem>>
        %dma_start3A_208 = tpu.memref_squeeze %dma_start3A_207 : memref<1x128xi32, #tpu.memory_space<vmem>> -> memref<128xi32, #tpu.memory_space<vmem>>
        %dma_start3A_209 = arith.constant 0 : i32
        %dma_start3A_210 = arith.constant 0 : i32
        %dma_start3A_211 = tpu.memref_slice %arg3[%dma_start3A_209, %dma_start3A_210] : memref<10016x16xf32, #tpu.memory_space<hbm>> -> memref<10016x16xf32, #tpu.memory_space<hbm>>
        tpu.enqueue_indirect_dma source(%dma_start3A_211 : memref<10016x16xf32, #tpu.memory_space<hbm>>) target(%dma_start3A_205 : memref<128x16xf32, #tpu.memory_space<vmem>>) offsets(%dma_start3A_208 : memref<128xi32, #tpu.memory_space<vmem>>) semaphore(%arg18 : memref<!tpu.dma_semaphore, #tpu.memory_space<semaphore_mem>>)
      } else {
      }
      %mul3A_136 = arith.constant 2 : i32
      %mul3A_137 = arith.muli %mul3A_136, %scan3A_86 : i32
      %add3A_138 = arith.constant 1 : i32
      %add3A_139 = arith.addi %mul3A_137, %add3A_138 : i32
      %dma_wait3A_140 = arith.constant 1 : i32
      %dma_wait3A_141 = arith.constant 0 : i32
      %dma_wait3A_142 = arith.constant 0 : i32
      %dma_wait3A_143 = tpu.memref_slice %arg13[%dma_wait3A_140, %dma_wait3A_141, %dma_wait3A_142] : memref<2x128x96xbf16, #tpu.memory_space<vmem>> -> memref<1x128x96xbf16, #tpu.memory_space<vmem>>
      %dma_wait3A_144 = tpu.memref_squeeze %dma_wait3A_143 : memref<1x128x96xbf16, #tpu.memory_space<vmem>> -> memref<128x96xbf16, #tpu.memory_space<vmem>>
      %dma_wait3A_145 = arith.constant 0 : i32
      %dma_wait3A_146 = tpu.memref_slice %arg11[%add3A_139, %dma_wait3A_145] : memref<40x128xi32, #tpu.memory_space<vmem>> -> memref<1x128xi32, #tpu.memory_space<vmem>>
      %dma_wait3A_147 = tpu.memref_squeeze %dma_wait3A_146 : memref<1x128xi32, #tpu.memory_space<vmem>> -> memref<128xi32, #tpu.memory_space<vmem>>
      %dma_wait3A_148 = arith.constant 0 : i32
      %dma_wait3A_149 = arith.constant 0 : i32
      %dma_wait3A_150 = tpu.memref_slice %arg10[%dma_wait3A_148, %dma_wait3A_149] : memref<10016x96xbf16, #tpu.memory_space<vmem_shared>> -> memref<10016x96xbf16, #tpu.memory_space<vmem_shared>>
      tpu.wait_indirect_dma semaphore(%arg17 : memref<!tpu.dma_semaphore, #tpu.memory_space<semaphore_mem>>) src(%dma_wait3A_150 : memref<10016x96xbf16, #tpu.memory_space<vmem_shared>>) dst(%dma_wait3A_144 : memref<128x96xbf16, #tpu.memory_space<vmem>>)
      %dma_wait3A_151 = arith.constant 1 : i32
      %dma_wait3A_152 = arith.constant 0 : i32
      %dma_wait3A_153 = arith.constant 0 : i32
      %dma_wait3A_154 = tpu.memref_slice %arg14[%dma_wait3A_151, %dma_wait3A_152, %dma_wait3A_153] : memref<2x128x16xf32, #tpu.memory_space<vmem>> -> memref<1x128x16xf32, #tpu.memory_space<vmem>>
      %dma_wait3A_155 = tpu.memref_squeeze %dma_wait3A_154 : memref<1x128x16xf32, #tpu.memory_space<vmem>> -> memref<128x16xf32, #tpu.memory_space<vmem>>
      %dma_wait3A_156 = arith.constant 0 : i32
      %dma_wait3A_157 = tpu.memref_slice %arg12[%add3A_139, %dma_wait3A_156] : memref<40x128xi32, #tpu.memory_space<vmem>> -> memref<1x128xi32, #tpu.memory_space<vmem>>
      %dma_wait3A_158 = tpu.memref_squeeze %dma_wait3A_157 : memref<1x128xi32, #tpu.memory_space<vmem>> -> memref<128xi32, #tpu.memory_space<vmem>>
      %dma_wait3A_159 = arith.constant 0 : i32
      %dma_wait3A_160 = arith.constant 0 : i32
      %dma_wait3A_161 = tpu.memref_slice %arg3[%dma_wait3A_159, %dma_wait3A_160] : memref<10016x16xf32, #tpu.memory_space<hbm>> -> memref<10016x16xf32, #tpu.memory_space<hbm>>
      tpu.wait_indirect_dma semaphore(%arg19 : memref<!tpu.dma_semaphore, #tpu.memory_space<semaphore_mem>>) src(%dma_wait3A_161 : memref<10016x16xf32, #tpu.memory_space<hbm>>) dst(%dma_wait3A_155 : memref<128x16xf32, #tpu.memory_space<vmem>>)
      %gt3A_162 = arith.constant 0 : i32
      %gt3A_163 = arith.cmpi sgt, %scan3A_86, %gt3A_162 : i32
      %convert_element_type3A_164 = arith.extui %gt3A_163 : i1 to i32
      %cond3A_165 = arith.constant 0 : i32
      %cond3A_166 = arith.cmpi ne, %convert_element_type3A_164, %cond3A_165 : i32
      scf.if %cond3A_166 {
        %dma_wait3A_188 = arith.constant 1 : i32
        %dma_wait3A_189 = arith.constant 0 : i32
        %dma_wait3A_190 = arith.constant 0 : i32
        %dma_wait3A_191 = tpu.memref_slice %arg15[%dma_wait3A_188, %dma_wait3A_189, %dma_wait3A_190] : memref<2x128x72xf32, #tpu.memory_space<vmem>> -> memref<1x128x72xf32, #tpu.memory_space<vmem>>
        %dma_wait3A_192 = tpu.memref_squeeze %dma_wait3A_191 : memref<1x128x72xf32, #tpu.memory_space<vmem>> -> memref<128x72xf32, #tpu.memory_space<vmem>>
        %dma_wait3A_193 = arith.constant 0 : i32
        %dma_wait3A_194 = tpu.memref_slice %arg12[%add3A_139, %dma_wait3A_193] : memref<40x128xi32, #tpu.memory_space<vmem>> -> memref<1x128xi32, #tpu.memory_space<vmem>>
        %dma_wait3A_195 = tpu.memref_squeeze %dma_wait3A_194 : memref<1x128xi32, #tpu.memory_space<vmem>> -> memref<128xi32, #tpu.memory_space<vmem>>
        %dma_wait3A_196 = arith.constant 0 : i32
        %dma_wait3A_197 = arith.constant 0 : i32
        %dma_wait3A_198 = tpu.memref_slice %arg9[%dma_wait3A_196, %dma_wait3A_197] : memref<10016x72xf32, #tpu.memory_space<vmem_shared>> -> memref<10016x72xf32, #tpu.memory_space<vmem_shared>>
        tpu.wait_indirect_dma semaphore(%arg21 : memref<!tpu.dma_semaphore, #tpu.memory_space<semaphore_mem>>) src(%dma_wait3A_192 : memref<128x72xf32, #tpu.memory_space<vmem>>) dst(%dma_wait3A_198 : memref<10016x72xf32, #tpu.memory_space<vmem_shared>>)
      } else {
      }
      %parallel_loop3A_167 = arith.constant 0 : i32
      %parallel_loop3A_168 = arith.constant 128 : i32
      %parallel_loop3A_169 = arith.constant 1 : i32
      scf.for %parallel_loop3A_188 = %parallel_loop3A_167 to %parallel_loop3A_168 step %parallel_loop3A_169  : i32 {
        %parallel_loop3A_189 = arith.constant 1 : i32
        %parallel_loop3A_190 = arith.constant 0 : i32
        %parallel_loop3A_191 = arith.constant 0 : i32
        %parallel_loop3A_192 = tpu.memref_slice %arg13[%parallel_loop3A_189, %parallel_loop3A_190, %parallel_loop3A_191] : memref<2x128x96xbf16, #tpu.memory_space<vmem>> -> memref<1x128x96xbf16, #tpu.memory_space<vmem>>
        %parallel_loop3A_193 = tpu.memref_squeeze %parallel_loop3A_192 : memref<1x128x96xbf16, #tpu.memory_space<vmem>> -> memref<128x96xbf16, #tpu.memory_space<vmem>>
        %parallel_loop3A_194 = arith.index_cast %parallel_loop3A_188 : i32 to index
        %parallel_loop3A_195 = arith.constant 0 : index
        %parallel_loop3A_196 = tpu.vector_load %parallel_loop3A_193[%parallel_loop3A_194, %parallel_loop3A_195] {strides = array<i32>} : memref<128x96xbf16, #tpu.memory_space<vmem>>, vector<1x32xbf16>,
        %parallel_loop3A_197 = vector.shape_cast %parallel_loop3A_196 : vector<1x32xbf16> to vector<32xbf16>
        %parallel_loop3A_198 = arith.extf %parallel_loop3A_197 : vector<32xbf16> to vector<32xf32>
        %parallel_loop3A_199 = arith.constant 1 : i32
        %parallel_loop3A_200 = arith.constant 0 : i32
        %parallel_loop3A_201 = arith.constant 0 : i32
        %parallel_loop3A_202 = tpu.memref_slice %arg13[%parallel_loop3A_199, %parallel_loop3A_200, %parallel_loop3A_201] : memref<2x128x96xbf16, #tpu.memory_space<vmem>> -> memref<1x128x96xbf16, #tpu.memory_space<vmem>>
        %parallel_loop3A_203 = tpu.memref_squeeze %parallel_loop3A_202 : memref<1x128x96xbf16, #tpu.memory_space<vmem>> -> memref<128x96xbf16, #tpu.memory_space<vmem>>
        %parallel_loop3A_204 = arith.index_cast %parallel_loop3A_188 : i32 to index
        %parallel_loop3A_205 = arith.constant 32 : index
        %parallel_loop3A_206 = tpu.vector_load %parallel_loop3A_203[%parallel_loop3A_204, %parallel_loop3A_205] {strides = array<i32>} : memref<128x96xbf16, #tpu.memory_space<vmem>>, vector<1x32xbf16>,
        %parallel_loop3A_207 = vector.shape_cast %parallel_loop3A_206 : vector<1x32xbf16> to vector<32xbf16>
        %parallel_loop3A_208 = arith.extf %parallel_loop3A_207 : vector<32xbf16> to vector<32xf32>
        %parallel_loop3A_209 = arith.constant 1 : i32
        %parallel_loop3A_210 = arith.constant 0 : i32
        %parallel_loop3A_211 = arith.constant 0 : i32
        %parallel_loop3A_212 = tpu.memref_slice %arg13[%parallel_loop3A_209, %parallel_loop3A_210, %parallel_loop3A_211] : memref<2x128x96xbf16, #tpu.memory_space<vmem>> -> memref<1x128x96xbf16, #tpu.memory_space<vmem>>
        %parallel_loop3A_213 = tpu.memref_squeeze %parallel_loop3A_212 : memref<1x128x96xbf16, #tpu.memory_space<vmem>> -> memref<128x96xbf16, #tpu.memory_space<vmem>>
        %parallel_loop3A_214 = arith.index_cast %parallel_loop3A_188 : i32 to index
        %parallel_loop3A_215 = arith.constant 64 : index
        %parallel_loop3A_216 = tpu.vector_load %parallel_loop3A_213[%parallel_loop3A_214, %parallel_loop3A_215] {strides = array<i32>} : memref<128x96xbf16, #tpu.memory_space<vmem>>, vector<1x32xbf16>,
        %parallel_loop3A_217 = vector.shape_cast %parallel_loop3A_216 : vector<1x32xbf16> to vector<32xbf16>
        %parallel_loop3A_218 = arith.extf %parallel_loop3A_217 : vector<32xbf16> to vector<32xf32>
        %parallel_loop3A_219 = vector.extract_strided_slice %parallel_loop3A_198 {offsets = [0], sizes = [16], strides = [1]} : vector<32xf32> to vector<16xf32>
        %parallel_loop3A_220 = vector.extract_strided_slice %parallel_loop3A_198 {offsets = [16], sizes = [16], strides = [1]} : vector<32xf32> to vector<16xf32>
        %parallel_loop3A_221 = vector.extract_strided_slice %parallel_loop3A_208 {offsets = [0], sizes = [16], strides = [1]} : vector<32xf32> to vector<16xf32>
        %parallel_loop3A_222 = vector.extract_strided_slice %parallel_loop3A_208 {offsets = [16], sizes = [16], strides = [1]} : vector<32xf32> to vector<16xf32>
        %parallel_loop3A_223 = vector.extract_strided_slice %parallel_loop3A_218 {offsets = [0], sizes = [16], strides = [1]} : vector<32xf32> to vector<16xf32>
        %parallel_loop3A_224 = arith.constant 1 : i32
        %parallel_loop3A_225 = arith.constant 0 : i32
        %parallel_loop3A_226 = arith.constant 0 : i32
        %parallel_loop3A_227 = tpu.memref_slice %arg14[%parallel_loop3A_224, %parallel_loop3A_225, %parallel_loop3A_226] : memref<2x128x16xf32, #tpu.memory_space<vmem>> -> memref<1x128x16xf32, #tpu.memory_space<vmem>>
        %parallel_loop3A_228 = tpu.memref_squeeze %parallel_loop3A_227 : memref<1x128x16xf32, #tpu.memory_space<vmem>> -> memref<128x16xf32, #tpu.memory_space<vmem>>
        %parallel_loop3A_229 = arith.index_cast %parallel_loop3A_188 : i32 to index
        %parallel_loop3A_230 = arith.constant 0 : index
        %parallel_loop3A_231 = tpu.vector_load %parallel_loop3A_228[%parallel_loop3A_229, %parallel_loop3A_230] {strides = array<i32>} : memref<128x16xf32, #tpu.memory_space<vmem>>, vector<1x16xf32>,
        %parallel_loop3A_232 = vector.shape_cast %parallel_loop3A_231 : vector<1x16xf32> to vector<16xf32>
        %parallel_loop3A_233 = arith.addf %parallel_loop3A_223, %parallel_loop3A_232 : vector<16xf32>
        %parallel_loop3A_234 = arith.constant 2.000000e-01 : f32
        %parallel_loop3A_235 = vector.broadcast %parallel_loop3A_234 : f32 to vector<16xf32>
        %parallel_loop3A_236 = arith.mulf %parallel_loop3A_233, %parallel_loop3A_235 : vector<16xf32>
        %parallel_loop3A_237 = arith.maximumf %parallel_loop3A_233, %parallel_loop3A_236 : vector<16xf32>
        %parallel_loop3A_238 = math.exp %parallel_loop3A_237 : vector<16xf32>
        %parallel_loop3A_239 = tpu.iota {dimensions = array<i32: 0>} : vector<16xi32>
        %parallel_loop3A_240 = arith.constant 3 : i32
        %parallel_loop3A_241 = vector.broadcast %parallel_loop3A_240 : i32 to vector<16xi32>
        %parallel_loop3A_242 = arith.shrui %parallel_loop3A_239, %parallel_loop3A_241 : vector<16xi32>
        %parallel_loop3A_243 = arith.constant 8 : i32
        %parallel_loop3A_244 = vector.broadcast %parallel_loop3A_243 : i32 to vector<16xi32>
        %parallel_loop3A_245 = arith.cmpi slt, %parallel_loop3A_239, %parallel_loop3A_244 : vector<16xi32>
        %parallel_loop3A_246 = arith.constant 0 : i32
        %parallel_loop3A_247 = vector.broadcast %parallel_loop3A_246 : i32 to vector<16xi32>
        %parallel_loop3A_248 = arith.addi %parallel_loop3A_242, %parallel_loop3A_247 : vector<16xi32>
        %parallel_loop3A_249 = vector.shape_cast %parallel_loop3A_248 : vector<16xi32> to vector<16x1xi32>
        %parallel_loop3A_250 = vector.shape_cast %parallel_loop3A_249 : vector<16x1xi32> to vector<16xi32>
        %parallel_loop3A_251 = tpu.dynamic_gather %parallel_loop3A_238[%parallel_loop3A_250] in [0] : vector<16xf32>, vector<16xi32> -> vector<16xf32>
        %parallel_loop3A_252 = arith.mulf %parallel_loop3A_219, %parallel_loop3A_251 : vector<16xf32>
        %parallel_loop3A_253 = arith.constant 1 : i32
        %parallel_loop3A_254 = arith.constant 0 : i32
        %parallel_loop3A_255 = arith.constant 0 : i32
        %parallel_loop3A_256 = tpu.memref_slice %arg15[%parallel_loop3A_253, %parallel_loop3A_254, %parallel_loop3A_255] : memref<2x128x72xf32, #tpu.memory_space<vmem>> -> memref<1x128x72xf32, #tpu.memory_space<vmem>>
        %parallel_loop3A_257 = tpu.memref_squeeze %parallel_loop3A_256 : memref<1x128x72xf32, #tpu.memory_space<vmem>> -> memref<128x72xf32, #tpu.memory_space<vmem>>
        %parallel_loop3A_258 = arith.index_cast %parallel_loop3A_188 : i32 to index
        %parallel_loop3A_259 = arith.constant 0 : index
        %parallel_loop3A_260 = tpu.vector_load %parallel_loop3A_257[%parallel_loop3A_258, %parallel_loop3A_259] {strides = array<i32>} : memref<128x72xf32, #tpu.memory_space<vmem>>, vector<1x16xf32>,
        %parallel_loop3A_261 = vector.shape_cast %parallel_loop3A_260 : vector<1x16xf32> to vector<16xf32>
        %parallel_loop3A_262 = vector.shape_cast %parallel_loop3A_252 : vector<16xf32> to vector<1x16xf32>
        tpu.vector_store %parallel_loop3A_257[%parallel_loop3A_258, %parallel_loop3A_259], %parallel_loop3A_262 {strides = array<i32>} : memref<128x72xf32, #tpu.memory_space<vmem>>, vector<1x16xf32>,
        %parallel_loop3A_263 = arith.constant 2 : i32
        %parallel_loop3A_264 = vector.broadcast %parallel_loop3A_263 : i32 to vector<16xi32>
        %parallel_loop3A_265 = arith.addi %parallel_loop3A_242, %parallel_loop3A_264 : vector<16xi32>
        %parallel_loop3A_266 = vector.shape_cast %parallel_loop3A_265 : vector<16xi32> to vector<16x1xi32>
        %parallel_loop3A_267 = vector.shape_cast %parallel_loop3A_266 : vector<16x1xi32> to vector<16xi32>
        %parallel_loop3A_268 = tpu.dynamic_gather %parallel_loop3A_238[%parallel_loop3A_267] in [0] : vector<16xf32>, vector<16xi32> -> vector<16xf32>
        %parallel_loop3A_269 = arith.mulf %parallel_loop3A_220, %parallel_loop3A_268 : vector<16xf32>
        %parallel_loop3A_270 = arith.constant 1 : i32
        %parallel_loop3A_271 = arith.constant 0 : i32
        %parallel_loop3A_272 = arith.constant 0 : i32
        %parallel_loop3A_273 = tpu.memref_slice %arg15[%parallel_loop3A_270, %parallel_loop3A_271, %parallel_loop3A_272] : memref<2x128x72xf32, #tpu.memory_space<vmem>> -> memref<1x128x72xf32, #tpu.memory_space<vmem>>
        %parallel_loop3A_274 = tpu.memref_squeeze %parallel_loop3A_273 : memref<1x128x72xf32, #tpu.memory_space<vmem>> -> memref<128x72xf32, #tpu.memory_space<vmem>>
        %parallel_loop3A_275 = arith.index_cast %parallel_loop3A_188 : i32 to index
        %parallel_loop3A_276 = arith.constant 16 : index
        %parallel_loop3A_277 = tpu.vector_load %parallel_loop3A_274[%parallel_loop3A_275, %parallel_loop3A_276] {strides = array<i32>} : memref<128x72xf32, #tpu.memory_space<vmem>>, vector<1x16xf32>,
        %parallel_loop3A_278 = vector.shape_cast %parallel_loop3A_277 : vector<1x16xf32> to vector<16xf32>
        %parallel_loop3A_279 = vector.shape_cast %parallel_loop3A_269 : vector<16xf32> to vector<1x16xf32>
        tpu.vector_store %parallel_loop3A_274[%parallel_loop3A_275, %parallel_loop3A_276], %parallel_loop3A_279 {strides = array<i32>} : memref<128x72xf32, #tpu.memory_space<vmem>>, vector<1x16xf32>,
        %parallel_loop3A_280 = arith.constant 4 : i32
        %parallel_loop3A_281 = vector.broadcast %parallel_loop3A_280 : i32 to vector<16xi32>
        %parallel_loop3A_282 = arith.addi %parallel_loop3A_242, %parallel_loop3A_281 : vector<16xi32>
        %parallel_loop3A_283 = vector.shape_cast %parallel_loop3A_282 : vector<16xi32> to vector<16x1xi32>
        %parallel_loop3A_284 = vector.shape_cast %parallel_loop3A_283 : vector<16x1xi32> to vector<16xi32>
        %parallel_loop3A_285 = tpu.dynamic_gather %parallel_loop3A_238[%parallel_loop3A_284] in [0] : vector<16xf32>, vector<16xi32> -> vector<16xf32>
        %parallel_loop3A_286 = arith.mulf %parallel_loop3A_221, %parallel_loop3A_285 : vector<16xf32>
        %parallel_loop3A_287 = arith.constant 1 : i32
        %parallel_loop3A_288 = arith.constant 0 : i32
        %parallel_loop3A_289 = arith.constant 0 : i32
        %parallel_loop3A_290 = tpu.memref_slice %arg15[%parallel_loop3A_287, %parallel_loop3A_288, %parallel_loop3A_289] : memref<2x128x72xf32, #tpu.memory_space<vmem>> -> memref<1x128x72xf32, #tpu.memory_space<vmem>>
        %parallel_loop3A_291 = tpu.memref_squeeze %parallel_loop3A_290 : memref<1x128x72xf32, #tpu.memory_space<vmem>> -> memref<128x72xf32, #tpu.memory_space<vmem>>
        %parallel_loop3A_292 = arith.index_cast %parallel_loop3A_188 : i32 to index
        %parallel_loop3A_293 = arith.constant 32 : index
        %parallel_loop3A_294 = tpu.vector_load %parallel_loop3A_291[%parallel_loop3A_292, %parallel_loop3A_293] {strides = array<i32>} : memref<128x72xf32, #tpu.memory_space<vmem>>, vector<1x16xf32>,
        %parallel_loop3A_295 = vector.shape_cast %parallel_loop3A_294 : vector<1x16xf32> to vector<16xf32>
        %parallel_loop3A_296 = vector.shape_cast %parallel_loop3A_286 : vector<16xf32> to vector<1x16xf32>
        tpu.vector_store %parallel_loop3A_291[%parallel_loop3A_292, %parallel_loop3A_293], %parallel_loop3A_296 {strides = array<i32>} : memref<128x72xf32, #tpu.memory_space<vmem>>, vector<1x16xf32>,
        %parallel_loop3A_297 = arith.constant 6 : i32
        %parallel_loop3A_298 = vector.broadcast %parallel_loop3A_297 : i32 to vector<16xi32>
        %parallel_loop3A_299 = arith.addi %parallel_loop3A_242, %parallel_loop3A_298 : vector<16xi32>
        %parallel_loop3A_300 = vector.shape_cast %parallel_loop3A_299 : vector<16xi32> to vector<16x1xi32>
        %parallel_loop3A_301 = vector.shape_cast %parallel_loop3A_300 : vector<16x1xi32> to vector<16xi32>
        %parallel_loop3A_302 = tpu.dynamic_gather %parallel_loop3A_238[%parallel_loop3A_301] in [0] : vector<16xf32>, vector<16xi32> -> vector<16xf32>
        %parallel_loop3A_303 = arith.mulf %parallel_loop3A_222, %parallel_loop3A_302 : vector<16xf32>
        %parallel_loop3A_304 = arith.constant 1 : i32
        %parallel_loop3A_305 = arith.constant 0 : i32
        %parallel_loop3A_306 = arith.constant 0 : i32
        %parallel_loop3A_307 = tpu.memref_slice %arg15[%parallel_loop3A_304, %parallel_loop3A_305, %parallel_loop3A_306] : memref<2x128x72xf32, #tpu.memory_space<vmem>> -> memref<1x128x72xf32, #tpu.memory_space<vmem>>
        %parallel_loop3A_308 = tpu.memref_squeeze %parallel_loop3A_307 : memref<1x128x72xf32, #tpu.memory_space<vmem>> -> memref<128x72xf32, #tpu.memory_space<vmem>>
        %parallel_loop3A_309 = arith.index_cast %parallel_loop3A_188 : i32 to index
        %parallel_loop3A_310 = arith.constant 48 : index
        %parallel_loop3A_311 = tpu.vector_load %parallel_loop3A_308[%parallel_loop3A_309, %parallel_loop3A_310] {strides = array<i32>} : memref<128x72xf32, #tpu.memory_space<vmem>>, vector<1x16xf32>,
        %parallel_loop3A_312 = vector.shape_cast %parallel_loop3A_311 : vector<1x16xf32> to vector<16xf32>
        %parallel_loop3A_313 = vector.shape_cast %parallel_loop3A_303 : vector<16xf32> to vector<1x16xf32>
        tpu.vector_store %parallel_loop3A_308[%parallel_loop3A_309, %parallel_loop3A_310], %parallel_loop3A_313 {strides = array<i32>} : memref<128x72xf32, #tpu.memory_space<vmem>>, vector<1x16xf32>,
        %parallel_loop3A_314 = arith.constant 8 : i32
        %parallel_loop3A_315 = vector.broadcast %parallel_loop3A_314 : i32 to vector<16xi32>
        %parallel_loop3A_316 = arith.addi %parallel_loop3A_239, %parallel_loop3A_315 : vector<16xi32>
        %parallel_loop3A_317 = arith.constant 0 : i32
        %parallel_loop3A_318 = vector.broadcast %parallel_loop3A_317 : i32 to vector<16xi32>
        %parallel_loop3A_319 = arith.select %parallel_loop3A_245, %parallel_loop3A_316, %parallel_loop3A_318 : vector<16xi1>, vector<16xi32>
        %parallel_loop3A_320 = vector.shape_cast %parallel_loop3A_319 : vector<16xi32> to vector<16x1xi32>
        %parallel_loop3A_321 = vector.shape_cast %parallel_loop3A_320 : vector<16x1xi32> to vector<16xi32>
        %parallel_loop3A_322 = tpu.dynamic_gather %parallel_loop3A_222[%parallel_loop3A_321] in [0] : vector<16xf32>, vector<16xi32> -> vector<16xf32>
        %parallel_loop3A_323 = arith.constant 1.000000e+00 : f32
        %parallel_loop3A_324 = vector.broadcast %parallel_loop3A_323 : f32 to vector<16xf32>
        %parallel_loop3A_325 = arith.select %parallel_loop3A_245, %parallel_loop3A_322, %parallel_loop3A_324 : vector<16xi1>, vector<16xf32>
        %parallel_loop3A_326 = arith.constant 8 : i32
        %parallel_loop3A_327 = vector.broadcast %parallel_loop3A_326 : i32 to vector<16xi32>
        %parallel_loop3A_328 = arith.subi %parallel_loop3A_239, %parallel_loop3A_327 : vector<16xi32>
        %parallel_loop3A_329 = arith.constant 7 : i32
        %parallel_loop3A_330 = vector.broadcast %parallel_loop3A_329 : i32 to vector<16xi32>
        %parallel_loop3A_331 = arith.select %parallel_loop3A_245, %parallel_loop3A_330, %parallel_loop3A_328 : vector<16xi1>, vector<16xi32>
        %parallel_loop3A_332 = vector.shape_cast %parallel_loop3A_331 : vector<16xi32> to vector<16x1xi32>
        %parallel_loop3A_333 = vector.shape_cast %parallel_loop3A_332 : vector<16x1xi32> to vector<16xi32>
        %parallel_loop3A_334 = tpu.dynamic_gather %parallel_loop3A_238[%parallel_loop3A_333] in [0] : vector<16xf32>, vector<16xi32> -> vector<16xf32>
        %parallel_loop3A_335 = arith.mulf %parallel_loop3A_325, %parallel_loop3A_334 : vector<16xf32>
        %parallel_loop3A_336 = arith.constant 1 : i32
        %parallel_loop3A_337 = arith.constant 0 : i32
        %parallel_loop3A_338 = arith.constant 0 : i32
        %parallel_loop3A_339 = tpu.memref_slice %arg15[%parallel_loop3A_336, %parallel_loop3A_337, %parallel_loop3A_338] : memref<2x128x72xf32, #tpu.memory_space<vmem>> -> memref<1x128x72xf32, #tpu.memory_space<vmem>>
        %parallel_loop3A_340 = tpu.memref_squeeze %parallel_loop3A_339 : memref<1x128x72xf32, #tpu.memory_space<vmem>> -> memref<128x72xf32, #tpu.memory_space<vmem>>
        %parallel_loop3A_341 = arith.index_cast %parallel_loop3A_188 : i32 to index
        %parallel_loop3A_342 = arith.constant 56 : index
        %parallel_loop3A_343 = tpu.vector_load %parallel_loop3A_340[%parallel_loop3A_341, %parallel_loop3A_342] {strides = array<i32>} : memref<128x72xf32, #tpu.memory_space<vmem>>, vector<1x16xf32>,
        %parallel_loop3A_344 = vector.shape_cast %parallel_loop3A_343 : vector<1x16xf32> to vector<16xf32>
        %parallel_loop3A_345 = vector.shape_cast %parallel_loop3A_335 : vector<16xf32> to vector<1x16xf32>
        tpu.vector_store %parallel_loop3A_340[%parallel_loop3A_341, %parallel_loop3A_342], %parallel_loop3A_345 {strides = array<i32>} : memref<128x72xf32, #tpu.memory_space<vmem>>, vector<1x16xf32>,
      } {sc.loop_unroll_factor = 4 : i64, sc.parallel_access}
      %dma_start3A_170 = arith.constant 1 : i32
      %dma_start3A_171 = arith.constant 0 : i32
      %dma_start3A_172 = arith.constant 0 : i32
      %dma_start3A_173 = tpu.memref_slice %arg15[%dma_start3A_170, %dma_start3A_171, %dma_start3A_172] : memref<2x128x72xf32, #tpu.memory_space<vmem>> -> memref<1x128x72xf32, #tpu.memory_space<vmem>>
      %dma_start3A_174 = tpu.memref_squeeze %dma_start3A_173 : memref<1x128x72xf32, #tpu.memory_space<vmem>> -> memref<128x72xf32, #tpu.memory_space<vmem>>
      %dma_start3A_175 = arith.constant 0 : i32
      %dma_start3A_176 = tpu.memref_slice %arg12[%add3A_139, %dma_start3A_175] : memref<40x128xi32, #tpu.memory_space<vmem>> -> memref<1x128xi32, #tpu.memory_space<vmem>>
      %dma_start3A_177 = tpu.memref_squeeze %dma_start3A_176 : memref<1x128xi32, #tpu.memory_space<vmem>> -> memref<128xi32, #tpu.memory_space<vmem>>
      %dma_start3A_178 = arith.constant 0 : i32
      %dma_start3A_179 = arith.constant 0 : i32
      %dma_start3A_180 = tpu.memref_slice %arg9[%dma_start3A_178, %dma_start3A_179] : memref<10016x72xf32, #tpu.memory_space<vmem_shared>> -> memref<10016x72xf32, #tpu.memory_space<vmem_shared>>
      tpu.enqueue_indirect_dma source(%dma_start3A_174 : memref<128x72xf32, #tpu.memory_space<vmem>>) target(%dma_start3A_180 : memref<10016x72xf32, #tpu.memory_space<vmem_shared>>) offsets(%dma_start3A_177 : memref<128xi32, #tpu.memory_space<vmem>>) semaphore(%arg21 : memref<!tpu.dma_semaphore, #tpu.memory_space<semaphore_mem>>) {add = true}
      %add3A_181 = arith.constant 2 : i32
      %add3A_182 = arith.addi %add3A_139, %add3A_181 : i32
      %lt3A_183 = arith.constant 40 : i32
      %lt3A_184 = arith.cmpi slt, %add3A_182, %lt3A_183 : i32
      %convert_element_type3A_185 = arith.extui %lt3A_184 : i1 to i32
      %cond3A_186 = arith.constant 0 : i32
      %cond3A_187 = arith.cmpi ne, %convert_element_type3A_185, %cond3A_186 : i32
      scf.if %cond3A_187 {
        %add3A_188 = arith.constant 2 : i32
        %add3A_189 = arith.addi %add3A_139, %add3A_188 : i32
        %dma_start3A_190 = arith.constant 1 : i32
        %dma_start3A_191 = arith.constant 0 : i32
        %dma_start3A_192 = arith.constant 0 : i32
        %dma_start3A_193 = tpu.memref_slice %arg13[%dma_start3A_190, %dma_start3A_191, %dma_start3A_192] : memref<2x128x96xbf16, #tpu.memory_space<vmem>> -> memref<1x128x96xbf16, #tpu.memory_space<vmem>>
        %dma_start3A_194 = tpu.memref_squeeze %dma_start3A_193 : memref<1x128x96xbf16, #tpu.memory_space<vmem>> -> memref<128x96xbf16, #tpu.memory_space<vmem>>
        %dma_start3A_195 = arith.constant 0 : i32
        %dma_start3A_196 = tpu.memref_slice %arg11[%add3A_189, %dma_start3A_195] : memref<40x128xi32, #tpu.memory_space<vmem>> -> memref<1x128xi32, #tpu.memory_space<vmem>>
        %dma_start3A_197 = tpu.memref_squeeze %dma_start3A_196 : memref<1x128xi32, #tpu.memory_space<vmem>> -> memref<128xi32, #tpu.memory_space<vmem>>
        %dma_start3A_198 = arith.constant 0 : i32
        %dma_start3A_199 = arith.constant 0 : i32
        %dma_start3A_200 = tpu.memref_slice %arg10[%dma_start3A_198, %dma_start3A_199] : memref<10016x96xbf16, #tpu.memory_space<vmem_shared>> -> memref<10016x96xbf16, #tpu.memory_space<vmem_shared>>
        tpu.enqueue_indirect_dma source(%dma_start3A_200 : memref<10016x96xbf16, #tpu.memory_space<vmem_shared>>) target(%dma_start3A_194 : memref<128x96xbf16, #tpu.memory_space<vmem>>) offsets(%dma_start3A_197 : memref<128xi32, #tpu.memory_space<vmem>>) semaphore(%arg17 : memref<!tpu.dma_semaphore, #tpu.memory_space<semaphore_mem>>)
        %dma_start3A_201 = arith.constant 1 : i32
        %dma_start3A_202 = arith.constant 0 : i32
        %dma_start3A_203 = arith.constant 0 : i32
        %dma_start3A_204 = tpu.memref_slice %arg14[%dma_start3A_201, %dma_start3A_202, %dma_start3A_203] : memref<2x128x16xf32, #tpu.memory_space<vmem>> -> memref<1x128x16xf32, #tpu.memory_space<vmem>>
        %dma_start3A_205 = tpu.memref_squeeze %dma_start3A_204 : memref<1x128x16xf32, #tpu.memory_space<vmem>> -> memref<128x16xf32, #tpu.memory_space<vmem>>
        %dma_start3A_206 = arith.constant 0 : i32
        %dma_start3A_207 = tpu.memref_slice %arg12[%add3A_189, %dma_start3A_206] : memref<40x128xi32, #tpu.memory_space<vmem>> -> memref<1x128xi32, #tpu.memory_space<vmem>>
        %dma_start3A_208 = tpu.memref_squeeze %dma_start3A_207 : memref<1x128xi32, #tpu.memory_space<vmem>> -> memref<128xi32, #tpu.memory_space<vmem>>
        %dma_start3A_209 = arith.constant 0 : i32
        %dma_start3A_210 = arith.constant 0 : i32
        %dma_start3A_211 = tpu.memref_slice %arg3[%dma_start3A_209, %dma_start3A_210] : memref<10016x16xf32, #tpu.memory_space<hbm>> -> memref<10016x16xf32, #tpu.memory_space<hbm>>
        tpu.enqueue_indirect_dma source(%dma_start3A_211 : memref<10016x16xf32, #tpu.memory_space<hbm>>) target(%dma_start3A_205 : memref<128x16xf32, #tpu.memory_space<vmem>>) offsets(%dma_start3A_208 : memref<128xi32, #tpu.memory_space<vmem>>) semaphore(%arg19 : memref<!tpu.dma_semaphore, #tpu.memory_space<semaphore_mem>>)
      } else {
      }
    }
    %scan3A_54 = arith.constant 20 : i32
    %dma_wait3A = arith.constant 0 : i32
    %dma_wait3A_55 = arith.constant 38 : i32
    %dma_wait3A_56 = arith.constant 0 : i32
    %dma_wait3A_57 = arith.constant 0 : i32
    %dma_wait3A_58 = tpu.memref_slice %arg15[%dma_wait3A, %dma_wait3A_56, %dma_wait3A_57] : memref<2x128x72xf32, #tpu.memory_space<vmem>> -> memref<1x128x72xf32, #tpu.memory_space<vmem>>
    %dma_wait3A_59 = tpu.memref_squeeze %dma_wait3A_58 : memref<1x128x72xf32, #tpu.memory_space<vmem>> -> memref<128x72xf32, #tpu.memory_space<vmem>>
    %dma_wait3A_60 = arith.constant 0 : i32
    %dma_wait3A_61 = tpu.memref_slice %arg12[%dma_wait3A_55, %dma_wait3A_60] : memref<40x128xi32, #tpu.memory_space<vmem>> -> memref<1x128xi32, #tpu.memory_space<vmem>>
    %dma_wait3A_62 = tpu.memref_squeeze %dma_wait3A_61 : memref<1x128xi32, #tpu.memory_space<vmem>> -> memref<128xi32, #tpu.memory_space<vmem>>
    %dma_wait3A_63 = arith.constant 0 : i32
    %dma_wait3A_64 = arith.constant 0 : i32
    %dma_wait3A_65 = tpu.memref_slice %arg9[%dma_wait3A_63, %dma_wait3A_64] : memref<10016x72xf32, #tpu.memory_space<vmem_shared>> -> memref<10016x72xf32, #tpu.memory_space<vmem_shared>>
    tpu.wait_indirect_dma semaphore(%arg20 : memref<!tpu.dma_semaphore, #tpu.memory_space<semaphore_mem>>) src(%dma_wait3A_59 : memref<128x72xf32, #tpu.memory_space<vmem>>) dst(%dma_wait3A_65 : memref<10016x72xf32, #tpu.memory_space<vmem_shared>>)
    %dma_wait3A_66 = arith.constant 1 : i32
    %dma_wait3A_67 = arith.constant 39 : i32
    %dma_wait3A_68 = arith.constant 0 : i32
    %dma_wait3A_69 = arith.constant 0 : i32
    %dma_wait3A_70 = tpu.memref_slice %arg15[%dma_wait3A_66, %dma_wait3A_68, %dma_wait3A_69] : memref<2x128x72xf32, #tpu.memory_space<vmem>> -> memref<1x128x72xf32, #tpu.memory_space<vmem>>
    %dma_wait3A_71 = tpu.memref_squeeze %dma_wait3A_70 : memref<1x128x72xf32, #tpu.memory_space<vmem>> -> memref<128x72xf32, #tpu.memory_space<vmem>>
    %dma_wait3A_72 = arith.constant 0 : i32
    %dma_wait3A_73 = tpu.memref_slice %arg12[%dma_wait3A_67, %dma_wait3A_72] : memref<40x128xi32, #tpu.memory_space<vmem>> -> memref<1x128xi32, #tpu.memory_space<vmem>>
    %dma_wait3A_74 = tpu.memref_squeeze %dma_wait3A_73 : memref<1x128xi32, #tpu.memory_space<vmem>> -> memref<128xi32, #tpu.memory_space<vmem>>
    %dma_wait3A_75 = arith.constant 0 : i32
    %dma_wait3A_76 = arith.constant 0 : i32
    %dma_wait3A_77 = tpu.memref_slice %arg9[%dma_wait3A_75, %dma_wait3A_76] : memref<10016x72xf32, #tpu.memory_space<vmem_shared>> -> memref<10016x72xf32, #tpu.memory_space<vmem_shared>>
    tpu.wait_indirect_dma semaphore(%arg21 : memref<!tpu.dma_semaphore, #tpu.memory_space<semaphore_mem>>) src(%dma_wait3A_71 : memref<128x72xf32, #tpu.memory_space<vmem>>) dst(%dma_wait3A_77 : memref<10016x72xf32, #tpu.memory_space<vmem_shared>>)
    %barrier3A_78 = arith.constant 0 : index
    tpu.barrier barrier_id(%barrier3A_78)
    %eq3A = arith.constant 0 : i32
    %eq3A_79 = arith.cmpi eq, %arg0, %eq3A : i32
    %convert_element_type3A = arith.extui %eq3A_79 : i1 to i32
    %cond3A = arith.constant 0 : i32
    %cond3A_80 = arith.cmpi ne, %convert_element_type3A, %cond3A : i32
    scf.if %cond3A_80 {
      "tpu.region"() ({
        %run_scoped3A = tpu.sem_alloc : memref<!tpu.dma_semaphore, #tpu.memory_space<semaphore_mem>>
        %dma_start3A_86 = arith.constant 0 : i32
        %dma_start3A_87 = tpu.memref_slice %arg7[%mul3A_2, %dma_start3A_86] : memref<10016x72xf32, #tpu.memory_space<hbm>> -> memref<626x72xf32, #tpu.memory_space<hbm>>
        %dma_start3A_88 = arith.constant 0 : i32
        %dma_start3A_89 = tpu.memref_slice %arg9[%mul3A_2, %dma_start3A_88] : memref<10016x72xf32, #tpu.memory_space<vmem_shared>> -> memref<626x72xf32, #tpu.memory_space<vmem_shared>>
        tpu.enqueue_dma source(%dma_start3A_89 : memref<626x72xf32, #tpu.memory_space<vmem_shared>>) target(%dma_start3A_87 : memref<626x72xf32, #tpu.memory_space<hbm>>) target_semaphore(%run_scoped3A : memref<!tpu.dma_semaphore, #tpu.memory_space<semaphore_mem>>)
        %dma_wait3A_90 = arith.constant 0 : i32
        %dma_wait3A_91 = tpu.memref_slice %arg7[%mul3A_2, %dma_wait3A_90] : memref<10016x72xf32, #tpu.memory_space<hbm>> -> memref<626x72xf32, #tpu.memory_space<hbm>>
        %dma_wait3A_92 = arith.constant 0 : i32
        %dma_wait3A_93 = tpu.memref_slice %arg9[%mul3A_2, %dma_wait3A_92] : memref<10016x72xf32, #tpu.memory_space<vmem_shared>> -> memref<626x72xf32, #tpu.memory_space<vmem_shared>>
        tpu.wait_dma2 semaphore(%run_scoped3A : memref<!tpu.dma_semaphore, #tpu.memory_space<semaphore_mem>>) src(%dma_wait3A_93 : memref<626x72xf32, #tpu.memory_space<vmem_shared>>) dst(%dma_wait3A_91 : memref<626x72xf32, #tpu.memory_space<hbm>>)
        tpu.yield
      }) : () -> ()
    } else {
    }
    %eq3A_81 = arith.constant 1 : i32
    %eq3A_82 = arith.cmpi eq, %arg0, %eq3A_81 : i32
    %convert_element_type3A_83 = arith.extui %eq3A_82 : i1 to i32
    %cond3A_84 = arith.constant 0 : i32
    %cond3A_85 = arith.cmpi ne, %convert_element_type3A_83, %cond3A_84 : i32
    scf.if %cond3A_85 {
      "tpu.region"() ({
        %run_scoped3A = tpu.sem_alloc : memref<!tpu.dma_semaphore, #tpu.memory_space<semaphore_mem>>
        %dma_start3A_86 = arith.constant 0 : i32
        %dma_start3A_87 = tpu.memref_slice %arg8[%mul3A_2, %dma_start3A_86] : memref<10016x72xf32, #tpu.memory_space<hbm>> -> memref<626x72xf32, #tpu.memory_space<hbm>>
        %dma_start3A_88 = arith.constant 0 : i32
        %dma_start3A_89 = tpu.memref_slice %arg9[%mul3A_2, %dma_start3A_88] : memref<10016x72xf32, #tpu.memory_space<vmem_shared>> -> memref<626x72xf32, #tpu.memory_space<vmem_shared>>
        tpu.enqueue_dma source(%dma_start3A_89 : memref<626x72xf32, #tpu.memory_space<vmem_shared>>) target(%dma_start3A_87 : memref<626x72xf32, #tpu.memory_space<hbm>>) target_semaphore(%run_scoped3A : memref<!tpu.dma_semaphore, #tpu.memory_space<semaphore_mem>>)
        %dma_wait3A_90 = arith.constant 0 : i32
        %dma_wait3A_91 = tpu.memref_slice %arg8[%mul3A_2, %dma_wait3A_90] : memref<10016x72xf32, #tpu.memory_space<hbm>> -> memref<626x72xf32, #tpu.memory_space<hbm>>
        %dma_wait3A_92 = arith.constant 0 : i32
        %dma_wait3A_93 = tpu.memref_slice %arg9[%mul3A_2, %dma_wait3A_92] : memref<10016x72xf32, #tpu.memory_space<vmem_shared>> -> memref<626x72xf32, #tpu.memory_space<vmem_shared>>
        tpu.wait_dma2 semaphore(%run_scoped3A : memref<!tpu.dma_semaphore, #tpu.memory_space<semaphore_mem>>) src(%dma_wait3A_93 : memref<626x72xf32, #tpu.memory_space<vmem_shared>>) dst(%dma_wait3A_91 : memref<626x72xf32, #tpu.memory_space<hbm>>)
        tpu.yield
      }) : () -> ()
    } else {
    }
    return
  }
}

#map = affine_map<(d0, d1) -> (0, 0)>
#map1 = affine_map<(d0, d1) -> (0, 0, 0)>
module attributes {stable_mosaic.version = 14 : i64} {
  func.func @sc_pass(%arg0: i32, %arg1: i32, %arg2: memref<10016x64xbf16, #tpu.memory_space<hbm>>, %arg3: memref<10016x16xf32, #tpu.memory_space<hbm>>, %arg4: memref<32x40x128xi32, #tpu.memory_space<hbm>>, %arg5: memref<32x40x128xi32, #tpu.memory_space<hbm>>, %arg6: memref<626x48xf32, #tpu.memory_space<hbm>>, %arg7: memref<10016x48xf32, #tpu.memory_space<hbm>>, %arg8: memref<10016x48xf32, #tpu.memory_space<hbm>>, %arg9: memref<10016x48xf32, #tpu.memory_space<vmem_shared>>, %arg10: memref<10016x64xbf16, #tpu.memory_space<vmem_shared>>, %arg11: memref<40x128xi32, #tpu.memory_space<vmem>>, %arg12: memref<40x128xi32, #tpu.memory_space<vmem>>, %arg13: memref<2x128x64xbf16, #tpu.memory_space<vmem>>, %arg14: memref<2x128x16xf32, #tpu.memory_space<vmem>>, %arg15: memref<2x128x48xf32, #tpu.memory_space<vmem>>, %arg16: memref<!tpu.dma_semaphore, #tpu.memory_space<semaphore_mem>>, %arg17: memref<!tpu.dma_semaphore, #tpu.memory_space<semaphore_mem>>, %arg18: memref<!tpu.dma_semaphore, #tpu.memory_space<semaphore_mem>>, %arg19: memref<!tpu.dma_semaphore, #tpu.memory_space<semaphore_mem>>, %arg20: memref<!tpu.dma_semaphore, #tpu.memory_space<semaphore_mem>>, %arg21: memref<!tpu.dma_semaphore, #tpu.memory_space<semaphore_mem>>) attributes {dimension_semantics = [#tpu.dimension_semantics<core_parallel>, #tpu.dimension_semantics<subcore_parallel>], iteration_bounds = array<i64: 2, 16>, scalar_prefetch = 0 : i64, scratch_operands = 13 : i64, tpu.core_type = #tpu.core_type<sc_vector_subcore>, window_params = [{transform_indices = #map}, {transform_indices = #map}, {transform_indices = #map1}, {transform_indices = #map1}, {transform_indices = #map}, {transform_indices = #map}, {transform_indices = #map}]} {
    %mul3A = arith.constant 2 : i32
    %mul3A_0 = arith.muli %arg1, %mul3A : i32
    %add3A = arith.addi %mul3A_0, %arg0 : i32
    %mul3A_1 = arith.constant 626 : i32
    %mul3A_2 = arith.muli %arg1, %mul3A_1 : i32
    "tpu.region"() ({
      %run_scoped3A = tpu.sem_alloc : memref<!tpu.dma_semaphore, #tpu.memory_space<semaphore_mem>>
      %dma_start3A_86 = arith.constant 0 : i32
      %dma_start3A_87 = tpu.memref_slice %arg9[%mul3A_2, %dma_start3A_86] : memref<10016x48xf32, #tpu.memory_space<vmem_shared>> -> memref<626x48xf32, #tpu.memory_space<vmem_shared>>
      tpu.enqueue_dma source(%arg6 : memref<626x48xf32, #tpu.memory_space<hbm>>) target(%dma_start3A_87 : memref<626x48xf32, #tpu.memory_space<vmem_shared>>) target_semaphore(%run_scoped3A : memref<!tpu.dma_semaphore, #tpu.memory_space<semaphore_mem>>)
      %dma_wait3A_88 = arith.constant 0 : i32
      %dma_wait3A_89 = tpu.memref_slice %arg9[%mul3A_2, %dma_wait3A_88] : memref<10016x48xf32, #tpu.memory_space<vmem_shared>> -> memref<626x48xf32, #tpu.memory_space<vmem_shared>>
      tpu.wait_dma2 semaphore(%run_scoped3A : memref<!tpu.dma_semaphore, #tpu.memory_space<semaphore_mem>>) src(%arg6 : memref<626x48xf32, #tpu.memory_space<hbm>>) dst(%dma_wait3A_89 : memref<626x48xf32, #tpu.memory_space<vmem_shared>>)
      tpu.yield
    }) : () -> ()
    "tpu.region"() ({
      %run_scoped3A = tpu.sem_alloc : memref<!tpu.dma_semaphore, #tpu.memory_space<semaphore_mem>>
      %dma_start3A_86 = arith.constant 0 : i32
      %dma_start3A_87 = tpu.memref_slice %arg10[%mul3A_2, %dma_start3A_86] : memref<10016x64xbf16, #tpu.memory_space<vmem_shared>> -> memref<626x64xbf16, #tpu.memory_space<vmem_shared>>
      %dma_start3A_88 = arith.constant 0 : i32
      %dma_start3A_89 = tpu.memref_slice %arg2[%mul3A_2, %dma_start3A_88] : memref<10016x64xbf16, #tpu.memory_space<hbm>> -> memref<626x64xbf16, #tpu.memory_space<hbm>>
      tpu.enqueue_dma source(%dma_start3A_89 : memref<626x64xbf16, #tpu.memory_space<hbm>>) target(%dma_start3A_87 : memref<626x64xbf16, #tpu.memory_space<vmem_shared>>) target_semaphore(%run_scoped3A : memref<!tpu.dma_semaphore, #tpu.memory_space<semaphore_mem>>)
      %dma_wait3A_90 = arith.constant 0 : i32
      %dma_wait3A_91 = tpu.memref_slice %arg10[%mul3A_2, %dma_wait3A_90] : memref<10016x64xbf16, #tpu.memory_space<vmem_shared>> -> memref<626x64xbf16, #tpu.memory_space<vmem_shared>>
      %dma_wait3A_92 = arith.constant 0 : i32
      %dma_wait3A_93 = tpu.memref_slice %arg2[%mul3A_2, %dma_wait3A_92] : memref<10016x64xbf16, #tpu.memory_space<hbm>> -> memref<626x64xbf16, #tpu.memory_space<hbm>>
      tpu.wait_dma2 semaphore(%run_scoped3A : memref<!tpu.dma_semaphore, #tpu.memory_space<semaphore_mem>>) src(%dma_wait3A_93 : memref<626x64xbf16, #tpu.memory_space<hbm>>) dst(%dma_wait3A_91 : memref<626x64xbf16, #tpu.memory_space<vmem_shared>>)
      tpu.yield
    }) : () -> ()
    "tpu.region"() ({
      %run_scoped3A = tpu.sem_alloc : memref<!tpu.dma_semaphore, #tpu.memory_space<semaphore_mem>>
      %dma_start3A_86 = arith.constant 0 : i32
      %dma_start3A_87 = arith.constant 0 : i32
      %dma_start3A_88 = tpu.memref_slice %arg4[%add3A, %dma_start3A_86, %dma_start3A_87] : memref<32x40x128xi32, #tpu.memory_space<hbm>> -> memref<1x40x128xi32, #tpu.memory_space<hbm>>
      %dma_start3A_89 = tpu.memref_squeeze %dma_start3A_88 : memref<1x40x128xi32, #tpu.memory_space<hbm>> -> memref<40x128xi32, #tpu.memory_space<hbm>>
      %dma_start3A_90 = arith.constant 0 : i32
      %dma_start3A_91 = arith.constant 0 : i32
      %dma_start3A_92 = tpu.memref_slice %arg4[%add3A, %dma_start3A_90, %dma_start3A_91] : memref<32x40x128xi32, #tpu.memory_space<hbm>> -> memref<1x40x128xi32, #tpu.memory_space<hbm>>
      %dma_start3A_93 = tpu.memref_squeeze %dma_start3A_92 : memref<1x40x128xi32, #tpu.memory_space<hbm>> -> memref<40x128xi32, #tpu.memory_space<hbm>>
      tpu.enqueue_dma source(%dma_start3A_93 : memref<40x128xi32, #tpu.memory_space<hbm>>) target(%arg11 : memref<40x128xi32, #tpu.memory_space<vmem>>) target_semaphore(%run_scoped3A : memref<!tpu.dma_semaphore, #tpu.memory_space<semaphore_mem>>)
      %dma_wait3A_94 = arith.constant 0 : i32
      %dma_wait3A_95 = arith.constant 0 : i32
      %dma_wait3A_96 = tpu.memref_slice %arg4[%add3A, %dma_wait3A_94, %dma_wait3A_95] : memref<32x40x128xi32, #tpu.memory_space<hbm>> -> memref<1x40x128xi32, #tpu.memory_space<hbm>>
      %dma_wait3A_97 = tpu.memref_squeeze %dma_wait3A_96 : memref<1x40x128xi32, #tpu.memory_space<hbm>> -> memref<40x128xi32, #tpu.memory_space<hbm>>
      %dma_wait3A_98 = arith.constant 0 : i32
      %dma_wait3A_99 = arith.constant 0 : i32
      %dma_wait3A_100 = tpu.memref_slice %arg4[%add3A, %dma_wait3A_98, %dma_wait3A_99] : memref<32x40x128xi32, #tpu.memory_space<hbm>> -> memref<1x40x128xi32, #tpu.memory_space<hbm>>
      %dma_wait3A_101 = tpu.memref_squeeze %dma_wait3A_100 : memref<1x40x128xi32, #tpu.memory_space<hbm>> -> memref<40x128xi32, #tpu.memory_space<hbm>>
      tpu.wait_dma2 semaphore(%run_scoped3A : memref<!tpu.dma_semaphore, #tpu.memory_space<semaphore_mem>>) src(%dma_wait3A_101 : memref<40x128xi32, #tpu.memory_space<hbm>>) dst(%arg11 : memref<40x128xi32, #tpu.memory_space<vmem>>)
      tpu.yield
    }) : () -> ()
    "tpu.region"() ({
      %run_scoped3A = tpu.sem_alloc : memref<!tpu.dma_semaphore, #tpu.memory_space<semaphore_mem>>
      %dma_start3A_86 = arith.constant 0 : i32
      %dma_start3A_87 = arith.constant 0 : i32
      %dma_start3A_88 = tpu.memref_slice %arg5[%add3A, %dma_start3A_86, %dma_start3A_87] : memref<32x40x128xi32, #tpu.memory_space<hbm>> -> memref<1x40x128xi32, #tpu.memory_space<hbm>>
      %dma_start3A_89 = tpu.memref_squeeze %dma_start3A_88 : memref<1x40x128xi32, #tpu.memory_space<hbm>> -> memref<40x128xi32, #tpu.memory_space<hbm>>
      %dma_start3A_90 = arith.constant 0 : i32
      %dma_start3A_91 = arith.constant 0 : i32
      %dma_start3A_92 = tpu.memref_slice %arg5[%add3A, %dma_start3A_90, %dma_start3A_91] : memref<32x40x128xi32, #tpu.memory_space<hbm>> -> memref<1x40x128xi32, #tpu.memory_space<hbm>>
      %dma_start3A_93 = tpu.memref_squeeze %dma_start3A_92 : memref<1x40x128xi32, #tpu.memory_space<hbm>> -> memref<40x128xi32, #tpu.memory_space<hbm>>
      tpu.enqueue_dma source(%dma_start3A_93 : memref<40x128xi32, #tpu.memory_space<hbm>>) target(%arg12 : memref<40x128xi32, #tpu.memory_space<vmem>>) target_semaphore(%run_scoped3A : memref<!tpu.dma_semaphore, #tpu.memory_space<semaphore_mem>>)
      %dma_wait3A_94 = arith.constant 0 : i32
      %dma_wait3A_95 = arith.constant 0 : i32
      %dma_wait3A_96 = tpu.memref_slice %arg5[%add3A, %dma_wait3A_94, %dma_wait3A_95] : memref<32x40x128xi32, #tpu.memory_space<hbm>> -> memref<1x40x128xi32, #tpu.memory_space<hbm>>
      %dma_wait3A_97 = tpu.memref_squeeze %dma_wait3A_96 : memref<1x40x128xi32, #tpu.memory_space<hbm>> -> memref<40x128xi32, #tpu.memory_space<hbm>>
      %dma_wait3A_98 = arith.constant 0 : i32
      %dma_wait3A_99 = arith.constant 0 : i32
      %dma_wait3A_100 = tpu.memref_slice %arg5[%add3A, %dma_wait3A_98, %dma_wait3A_99] : memref<32x40x128xi32, #tpu.memory_space<hbm>> -> memref<1x40x128xi32, #tpu.memory_space<hbm>>
      %dma_wait3A_101 = tpu.memref_squeeze %dma_wait3A_100 : memref<1x40x128xi32, #tpu.memory_space<hbm>> -> memref<40x128xi32, #tpu.memory_space<hbm>>
      tpu.wait_dma2 semaphore(%run_scoped3A : memref<!tpu.dma_semaphore, #tpu.memory_space<semaphore_mem>>) src(%dma_wait3A_101 : memref<40x128xi32, #tpu.memory_space<hbm>>) dst(%arg12 : memref<40x128xi32, #tpu.memory_space<vmem>>)
      tpu.yield
    }) : () -> ()
    %barrier3A = arith.constant 0 : index
    tpu.barrier barrier_id(%barrier3A)
    %dma_start3A = arith.constant 0 : i32
    %dma_start3A_3 = arith.constant 0 : i32
    %dma_start3A_4 = arith.constant 0 : i32
    %dma_start3A_5 = arith.constant 0 : i32
    %dma_start3A_6 = tpu.memref_slice %arg13[%dma_start3A_3, %dma_start3A_4, %dma_start3A_5] : memref<2x128x64xbf16, #tpu.memory_space<vmem>> -> memref<1x128x64xbf16, #tpu.memory_space<vmem>>
    %dma_start3A_7 = tpu.memref_squeeze %dma_start3A_6 : memref<1x128x64xbf16, #tpu.memory_space<vmem>> -> memref<128x64xbf16, #tpu.memory_space<vmem>>
    %dma_start3A_8 = arith.constant 0 : i32
    %dma_start3A_9 = tpu.memref_slice %arg11[%dma_start3A, %dma_start3A_8] : memref<40x128xi32, #tpu.memory_space<vmem>> -> memref<1x128xi32, #tpu.memory_space<vmem>>
    %dma_start3A_10 = tpu.memref_squeeze %dma_start3A_9 : memref<1x128xi32, #tpu.memory_space<vmem>> -> memref<128xi32, #tpu.memory_space<vmem>>
    %dma_start3A_11 = arith.constant 0 : i32
    %dma_start3A_12 = arith.constant 0 : i32
    %dma_start3A_13 = tpu.memref_slice %arg10[%dma_start3A_11, %dma_start3A_12] : memref<10016x64xbf16, #tpu.memory_space<vmem_shared>> -> memref<10016x64xbf16, #tpu.memory_space<vmem_shared>>
    tpu.enqueue_indirect_dma source(%dma_start3A_13 : memref<10016x64xbf16, #tpu.memory_space<vmem_shared>>) target(%dma_start3A_7 : memref<128x64xbf16, #tpu.memory_space<vmem>>) offsets(%dma_start3A_10 : memref<128xi32, #tpu.memory_space<vmem>>) semaphore(%arg16 : memref<!tpu.dma_semaphore, #tpu.memory_space<semaphore_mem>>)
    %dma_start3A_14 = arith.constant 0 : i32
    %dma_start3A_15 = arith.constant 0 : i32
    %dma_start3A_16 = arith.constant 0 : i32
    %dma_start3A_17 = arith.constant 0 : i32
    %dma_start3A_18 = tpu.memref_slice %arg14[%dma_start3A_15, %dma_start3A_16, %dma_start3A_17] : memref<2x128x16xf32, #tpu.memory_space<vmem>> -> memref<1x128x16xf32, #tpu.memory_space<vmem>>
    %dma_start3A_19 = tpu.memref_squeeze %dma_start3A_18 : memref<1x128x16xf32, #tpu.memory_space<vmem>> -> memref<128x16xf32, #tpu.memory_space<vmem>>
    %dma_start3A_20 = arith.constant 0 : i32
    %dma_start3A_21 = tpu.memref_slice %arg12[%dma_start3A_14, %dma_start3A_20] : memref<40x128xi32, #tpu.memory_space<vmem>> -> memref<1x128xi32, #tpu.memory_space<vmem>>
    %dma_start3A_22 = tpu.memref_squeeze %dma_start3A_21 : memref<1x128xi32, #tpu.memory_space<vmem>> -> memref<128xi32, #tpu.memory_space<vmem>>
    %dma_start3A_23 = arith.constant 0 : i32
    %dma_start3A_24 = arith.constant 0 : i32
    %dma_start3A_25 = tpu.memref_slice %arg3[%dma_start3A_23, %dma_start3A_24] : memref<10016x16xf32, #tpu.memory_space<hbm>> -> memref<10016x16xf32, #tpu.memory_space<hbm>>
    tpu.enqueue_indirect_dma source(%dma_start3A_25 : memref<10016x16xf32, #tpu.memory_space<hbm>>) target(%dma_start3A_19 : memref<128x16xf32, #tpu.memory_space<vmem>>) offsets(%dma_start3A_22 : memref<128xi32, #tpu.memory_space<vmem>>) semaphore(%arg18 : memref<!tpu.dma_semaphore, #tpu.memory_space<semaphore_mem>>)
    %dma_start3A_26 = arith.constant 1 : i32
    %dma_start3A_27 = arith.constant 1 : i32
    %dma_start3A_28 = arith.constant 0 : i32
    %dma_start3A_29 = arith.constant 0 : i32
    %dma_start3A_30 = tpu.memref_slice %arg13[%dma_start3A_27, %dma_start3A_28, %dma_start3A_29] : memref<2x128x64xbf16, #tpu.memory_space<vmem>> -> memref<1x128x64xbf16, #tpu.memory_space<vmem>>
    %dma_start3A_31 = tpu.memref_squeeze %dma_start3A_30 : memref<1x128x64xbf16, #tpu.memory_space<vmem>> -> memref<128x64xbf16, #tpu.memory_space<vmem>>
    %dma_start3A_32 = arith.constant 0 : i32
    %dma_start3A_33 = tpu.memref_slice %arg11[%dma_start3A_26, %dma_start3A_32] : memref<40x128xi32, #tpu.memory_space<vmem>> -> memref<1x128xi32, #tpu.memory_space<vmem>>
    %dma_start3A_34 = tpu.memref_squeeze %dma_start3A_33 : memref<1x128xi32, #tpu.memory_space<vmem>> -> memref<128xi32, #tpu.memory_space<vmem>>
    %dma_start3A_35 = arith.constant 0 : i32
    %dma_start3A_36 = arith.constant 0 : i32
    %dma_start3A_37 = tpu.memref_slice %arg10[%dma_start3A_35, %dma_start3A_36] : memref<10016x64xbf16, #tpu.memory_space<vmem_shared>> -> memref<10016x64xbf16, #tpu.memory_space<vmem_shared>>
    tpu.enqueue_indirect_dma source(%dma_start3A_37 : memref<10016x64xbf16, #tpu.memory_space<vmem_shared>>) target(%dma_start3A_31 : memref<128x64xbf16, #tpu.memory_space<vmem>>) offsets(%dma_start3A_34 : memref<128xi32, #tpu.memory_space<vmem>>) semaphore(%arg17 : memref<!tpu.dma_semaphore, #tpu.memory_space<semaphore_mem>>)
    %dma_start3A_38 = arith.constant 1 : i32
    %dma_start3A_39 = arith.constant 1 : i32
    %dma_start3A_40 = arith.constant 0 : i32
    %dma_start3A_41 = arith.constant 0 : i32
    %dma_start3A_42 = tpu.memref_slice %arg14[%dma_start3A_39, %dma_start3A_40, %dma_start3A_41] : memref<2x128x16xf32, #tpu.memory_space<vmem>> -> memref<1x128x16xf32, #tpu.memory_space<vmem>>
    %dma_start3A_43 = tpu.memref_squeeze %dma_start3A_42 : memref<1x128x16xf32, #tpu.memory_space<vmem>> -> memref<128x16xf32, #tpu.memory_space<vmem>>
    %dma_start3A_44 = arith.constant 0 : i32
    %dma_start3A_45 = tpu.memref_slice %arg12[%dma_start3A_38, %dma_start3A_44] : memref<40x128xi32, #tpu.memory_space<vmem>> -> memref<1x128xi32, #tpu.memory_space<vmem>>
    %dma_start3A_46 = tpu.memref_squeeze %dma_start3A_45 : memref<1x128xi32, #tpu.memory_space<vmem>> -> memref<128xi32, #tpu.memory_space<vmem>>
    %dma_start3A_47 = arith.constant 0 : i32
    %dma_start3A_48 = arith.constant 0 : i32
    %dma_start3A_49 = tpu.memref_slice %arg3[%dma_start3A_47, %dma_start3A_48] : memref<10016x16xf32, #tpu.memory_space<hbm>> -> memref<10016x16xf32, #tpu.memory_space<hbm>>
    tpu.enqueue_indirect_dma source(%dma_start3A_49 : memref<10016x16xf32, #tpu.memory_space<hbm>>) target(%dma_start3A_43 : memref<128x16xf32, #tpu.memory_space<vmem>>) offsets(%dma_start3A_46 : memref<128xi32, #tpu.memory_space<vmem>>) semaphore(%arg19 : memref<!tpu.dma_semaphore, #tpu.memory_space<semaphore_mem>>)
    %scan3A = arith.constant 0 : i32
    %scan3A_50 = arith.constant 0 : i32
    %scan3A_51 = arith.constant 20 : i32
    %scan3A_52 = arith.addi %scan3A_50, %scan3A_51 : i32
    %scan3A_53 = arith.constant 1 : i32
    scf.for %scan3A_86 = %scan3A_50 to %scan3A_52 step %scan3A_53  : i32 {
      %mul3A_87 = arith.constant 2 : i32
      %mul3A_88 = arith.muli %mul3A_87, %scan3A_86 : i32
      %add3A_89 = arith.constant 0 : i32
      %add3A_90 = arith.addi %mul3A_88, %add3A_89 : i32
      %dma_wait3A_91 = arith.constant 0 : i32
      %dma_wait3A_92 = arith.constant 0 : i32
      %dma_wait3A_93 = arith.constant 0 : i32
      %dma_wait3A_94 = tpu.memref_slice %arg13[%dma_wait3A_91, %dma_wait3A_92, %dma_wait3A_93] : memref<2x128x64xbf16, #tpu.memory_space<vmem>> -> memref<1x128x64xbf16, #tpu.memory_space<vmem>>
      %dma_wait3A_95 = tpu.memref_squeeze %dma_wait3A_94 : memref<1x128x64xbf16, #tpu.memory_space<vmem>> -> memref<128x64xbf16, #tpu.memory_space<vmem>>
      %dma_wait3A_96 = arith.constant 0 : i32
      %dma_wait3A_97 = tpu.memref_slice %arg11[%add3A_90, %dma_wait3A_96] : memref<40x128xi32, #tpu.memory_space<vmem>> -> memref<1x128xi32, #tpu.memory_space<vmem>>
      %dma_wait3A_98 = tpu.memref_squeeze %dma_wait3A_97 : memref<1x128xi32, #tpu.memory_space<vmem>> -> memref<128xi32, #tpu.memory_space<vmem>>
      %dma_wait3A_99 = arith.constant 0 : i32
      %dma_wait3A_100 = arith.constant 0 : i32
      %dma_wait3A_101 = tpu.memref_slice %arg10[%dma_wait3A_99, %dma_wait3A_100] : memref<10016x64xbf16, #tpu.memory_space<vmem_shared>> -> memref<10016x64xbf16, #tpu.memory_space<vmem_shared>>
      tpu.wait_indirect_dma semaphore(%arg16 : memref<!tpu.dma_semaphore, #tpu.memory_space<semaphore_mem>>) src(%dma_wait3A_101 : memref<10016x64xbf16, #tpu.memory_space<vmem_shared>>) dst(%dma_wait3A_95 : memref<128x64xbf16, #tpu.memory_space<vmem>>)
      %dma_wait3A_102 = arith.constant 0 : i32
      %dma_wait3A_103 = arith.constant 0 : i32
      %dma_wait3A_104 = arith.constant 0 : i32
      %dma_wait3A_105 = tpu.memref_slice %arg14[%dma_wait3A_102, %dma_wait3A_103, %dma_wait3A_104] : memref<2x128x16xf32, #tpu.memory_space<vmem>> -> memref<1x128x16xf32, #tpu.memory_space<vmem>>
      %dma_wait3A_106 = tpu.memref_squeeze %dma_wait3A_105 : memref<1x128x16xf32, #tpu.memory_space<vmem>> -> memref<128x16xf32, #tpu.memory_space<vmem>>
      %dma_wait3A_107 = arith.constant 0 : i32
      %dma_wait3A_108 = tpu.memref_slice %arg12[%add3A_90, %dma_wait3A_107] : memref<40x128xi32, #tpu.memory_space<vmem>> -> memref<1x128xi32, #tpu.memory_space<vmem>>
      %dma_wait3A_109 = tpu.memref_squeeze %dma_wait3A_108 : memref<1x128xi32, #tpu.memory_space<vmem>> -> memref<128xi32, #tpu.memory_space<vmem>>
      %dma_wait3A_110 = arith.constant 0 : i32
      %dma_wait3A_111 = arith.constant 0 : i32
      %dma_wait3A_112 = tpu.memref_slice %arg3[%dma_wait3A_110, %dma_wait3A_111] : memref<10016x16xf32, #tpu.memory_space<hbm>> -> memref<10016x16xf32, #tpu.memory_space<hbm>>
      tpu.wait_indirect_dma semaphore(%arg18 : memref<!tpu.dma_semaphore, #tpu.memory_space<semaphore_mem>>) src(%dma_wait3A_112 : memref<10016x16xf32, #tpu.memory_space<hbm>>) dst(%dma_wait3A_106 : memref<128x16xf32, #tpu.memory_space<vmem>>)
      %gt3A = arith.constant 0 : i32
      %gt3A_113 = arith.cmpi sgt, %scan3A_86, %gt3A : i32
      %convert_element_type3A_114 = arith.extui %gt3A_113 : i1 to i32
      %cond3A_115 = arith.constant 0 : i32
      %cond3A_116 = arith.cmpi ne, %convert_element_type3A_114, %cond3A_115 : i32
      scf.if %cond3A_116 {
        %dma_wait3A_188 = arith.constant 0 : i32
        %dma_wait3A_189 = arith.constant 0 : i32
        %dma_wait3A_190 = arith.constant 0 : i32
        %dma_wait3A_191 = tpu.memref_slice %arg15[%dma_wait3A_188, %dma_wait3A_189, %dma_wait3A_190] : memref<2x128x48xf32, #tpu.memory_space<vmem>> -> memref<1x128x48xf32, #tpu.memory_space<vmem>>
        %dma_wait3A_192 = tpu.memref_squeeze %dma_wait3A_191 : memref<1x128x48xf32, #tpu.memory_space<vmem>> -> memref<128x48xf32, #tpu.memory_space<vmem>>
        %dma_wait3A_193 = arith.constant 0 : i32
        %dma_wait3A_194 = tpu.memref_slice %arg12[%add3A_90, %dma_wait3A_193] : memref<40x128xi32, #tpu.memory_space<vmem>> -> memref<1x128xi32, #tpu.memory_space<vmem>>
        %dma_wait3A_195 = tpu.memref_squeeze %dma_wait3A_194 : memref<1x128xi32, #tpu.memory_space<vmem>> -> memref<128xi32, #tpu.memory_space<vmem>>
        %dma_wait3A_196 = arith.constant 0 : i32
        %dma_wait3A_197 = arith.constant 0 : i32
        %dma_wait3A_198 = tpu.memref_slice %arg9[%dma_wait3A_196, %dma_wait3A_197] : memref<10016x48xf32, #tpu.memory_space<vmem_shared>> -> memref<10016x48xf32, #tpu.memory_space<vmem_shared>>
        tpu.wait_indirect_dma semaphore(%arg20 : memref<!tpu.dma_semaphore, #tpu.memory_space<semaphore_mem>>) src(%dma_wait3A_192 : memref<128x48xf32, #tpu.memory_space<vmem>>) dst(%dma_wait3A_198 : memref<10016x48xf32, #tpu.memory_space<vmem_shared>>)
      } else {
      }
      %parallel_loop3A = arith.constant 0 : i32
      %parallel_loop3A_117 = arith.constant 128 : i32
      %parallel_loop3A_118 = arith.constant 1 : i32
      scf.for %parallel_loop3A_188 = %parallel_loop3A to %parallel_loop3A_117 step %parallel_loop3A_118  : i32 {
        %parallel_loop3A_189 = arith.constant 0 : i32
        %parallel_loop3A_190 = arith.constant 0 : i32
        %parallel_loop3A_191 = arith.constant 0 : i32
        %parallel_loop3A_192 = tpu.memref_slice %arg13[%parallel_loop3A_189, %parallel_loop3A_190, %parallel_loop3A_191] : memref<2x128x64xbf16, #tpu.memory_space<vmem>> -> memref<1x128x64xbf16, #tpu.memory_space<vmem>>
        %parallel_loop3A_193 = tpu.memref_squeeze %parallel_loop3A_192 : memref<1x128x64xbf16, #tpu.memory_space<vmem>> -> memref<128x64xbf16, #tpu.memory_space<vmem>>
        %parallel_loop3A_194 = arith.index_cast %parallel_loop3A_188 : i32 to index
        %parallel_loop3A_195 = arith.constant 0 : index
        %parallel_loop3A_196 = tpu.vector_load %parallel_loop3A_193[%parallel_loop3A_194, %parallel_loop3A_195] {strides = array<i32>} : memref<128x64xbf16, #tpu.memory_space<vmem>>, vector<1x32xbf16>,
        %parallel_loop3A_197 = vector.shape_cast %parallel_loop3A_196 : vector<1x32xbf16> to vector<32xbf16>
        %parallel_loop3A_198 = arith.extf %parallel_loop3A_197 : vector<32xbf16> to vector<32xf32>
        %parallel_loop3A_199 = arith.constant 0 : i32
        %parallel_loop3A_200 = arith.constant 0 : i32
        %parallel_loop3A_201 = arith.constant 0 : i32
        %parallel_loop3A_202 = tpu.memref_slice %arg13[%parallel_loop3A_199, %parallel_loop3A_200, %parallel_loop3A_201] : memref<2x128x64xbf16, #tpu.memory_space<vmem>> -> memref<1x128x64xbf16, #tpu.memory_space<vmem>>
        %parallel_loop3A_203 = tpu.memref_squeeze %parallel_loop3A_202 : memref<1x128x64xbf16, #tpu.memory_space<vmem>> -> memref<128x64xbf16, #tpu.memory_space<vmem>>
        %parallel_loop3A_204 = arith.index_cast %parallel_loop3A_188 : i32 to index
        %parallel_loop3A_205 = arith.constant 32 : index
        %parallel_loop3A_206 = tpu.vector_load %parallel_loop3A_203[%parallel_loop3A_204, %parallel_loop3A_205] {strides = array<i32>} : memref<128x64xbf16, #tpu.memory_space<vmem>>, vector<1x32xbf16>,
        %parallel_loop3A_207 = vector.shape_cast %parallel_loop3A_206 : vector<1x32xbf16> to vector<32xbf16>
        %parallel_loop3A_208 = arith.extf %parallel_loop3A_207 : vector<32xbf16> to vector<32xf32>
        %parallel_loop3A_209 = vector.extract_strided_slice %parallel_loop3A_198 {offsets = [0], sizes = [16], strides = [1]} : vector<32xf32> to vector<16xf32>
        %parallel_loop3A_210 = vector.extract_strided_slice %parallel_loop3A_198 {offsets = [16], sizes = [16], strides = [1]} : vector<32xf32> to vector<16xf32>
        %parallel_loop3A_211 = vector.extract_strided_slice %parallel_loop3A_208 {offsets = [0], sizes = [16], strides = [1]} : vector<32xf32> to vector<16xf32>
        %parallel_loop3A_212 = arith.constant 0 : i32
        %parallel_loop3A_213 = arith.constant 0 : i32
        %parallel_loop3A_214 = arith.constant 0 : i32
        %parallel_loop3A_215 = tpu.memref_slice %arg14[%parallel_loop3A_212, %parallel_loop3A_213, %parallel_loop3A_214] : memref<2x128x16xf32, #tpu.memory_space<vmem>> -> memref<1x128x16xf32, #tpu.memory_space<vmem>>
        %parallel_loop3A_216 = tpu.memref_squeeze %parallel_loop3A_215 : memref<1x128x16xf32, #tpu.memory_space<vmem>> -> memref<128x16xf32, #tpu.memory_space<vmem>>
        %parallel_loop3A_217 = arith.index_cast %parallel_loop3A_188 : i32 to index
        %parallel_loop3A_218 = arith.constant 0 : index
        %parallel_loop3A_219 = tpu.vector_load %parallel_loop3A_216[%parallel_loop3A_217, %parallel_loop3A_218] {strides = array<i32>} : memref<128x16xf32, #tpu.memory_space<vmem>>, vector<1x16xf32>,
        %parallel_loop3A_220 = vector.shape_cast %parallel_loop3A_219 : vector<1x16xf32> to vector<16xf32>
        %parallel_loop3A_221 = arith.addf %parallel_loop3A_211, %parallel_loop3A_220 : vector<16xf32>
        %parallel_loop3A_222 = arith.constant 2.000000e-01 : f32
        %parallel_loop3A_223 = vector.broadcast %parallel_loop3A_222 : f32 to vector<16xf32>
        %parallel_loop3A_224 = arith.mulf %parallel_loop3A_221, %parallel_loop3A_223 : vector<16xf32>
        %parallel_loop3A_225 = arith.maximumf %parallel_loop3A_221, %parallel_loop3A_224 : vector<16xf32>
        %parallel_loop3A_226 = math.exp %parallel_loop3A_225 : vector<16xf32>
        %parallel_loop3A_227 = arith.constant 9 : i32
        %parallel_loop3A_228 = vector.broadcast %parallel_loop3A_227 : i32 to vector<16xi32>
        %parallel_loop3A_229 = vector.shape_cast %parallel_loop3A_228 : vector<16xi32> to vector<16x1xi32>
        %parallel_loop3A_230 = vector.shape_cast %parallel_loop3A_229 : vector<16x1xi32> to vector<16xi32>
        %parallel_loop3A_231 = tpu.dynamic_gather %parallel_loop3A_226[%parallel_loop3A_230] in [0] : vector<16xf32>, vector<16xi32> -> vector<16xf32>
        %parallel_loop3A_232 = arith.mulf %parallel_loop3A_209, %parallel_loop3A_231 : vector<16xf32>
        %parallel_loop3A_233 = arith.constant 0 : i32
        %parallel_loop3A_234 = arith.constant 0 : i32
        %parallel_loop3A_235 = arith.constant 0 : i32
        %parallel_loop3A_236 = tpu.memref_slice %arg15[%parallel_loop3A_233, %parallel_loop3A_234, %parallel_loop3A_235] : memref<2x128x48xf32, #tpu.memory_space<vmem>> -> memref<1x128x48xf32, #tpu.memory_space<vmem>>
        %parallel_loop3A_237 = tpu.memref_squeeze %parallel_loop3A_236 : memref<1x128x48xf32, #tpu.memory_space<vmem>> -> memref<128x48xf32, #tpu.memory_space<vmem>>
        %parallel_loop3A_238 = arith.index_cast %parallel_loop3A_188 : i32 to index
        %parallel_loop3A_239 = arith.constant 0 : index
        %parallel_loop3A_240 = tpu.vector_load %parallel_loop3A_237[%parallel_loop3A_238, %parallel_loop3A_239] {strides = array<i32>} : memref<128x48xf32, #tpu.memory_space<vmem>>, vector<1x16xf32>,
        %parallel_loop3A_241 = vector.shape_cast %parallel_loop3A_240 : vector<1x16xf32> to vector<16xf32>
        %parallel_loop3A_242 = vector.shape_cast %parallel_loop3A_232 : vector<16xf32> to vector<1x16xf32>
        tpu.vector_store %parallel_loop3A_237[%parallel_loop3A_238, %parallel_loop3A_239], %parallel_loop3A_242 {strides = array<i32>} : memref<128x48xf32, #tpu.memory_space<vmem>>, vector<1x16xf32>,
        %parallel_loop3A_243 = arith.mulf %parallel_loop3A_210, %parallel_loop3A_231 : vector<16xf32>
        %parallel_loop3A_244 = arith.constant 0 : i32
        %parallel_loop3A_245 = arith.constant 0 : i32
        %parallel_loop3A_246 = arith.constant 0 : i32
        %parallel_loop3A_247 = tpu.memref_slice %arg15[%parallel_loop3A_244, %parallel_loop3A_245, %parallel_loop3A_246] : memref<2x128x48xf32, #tpu.memory_space<vmem>> -> memref<1x128x48xf32, #tpu.memory_space<vmem>>
        %parallel_loop3A_248 = tpu.memref_squeeze %parallel_loop3A_247 : memref<1x128x48xf32, #tpu.memory_space<vmem>> -> memref<128x48xf32, #tpu.memory_space<vmem>>
        %parallel_loop3A_249 = arith.index_cast %parallel_loop3A_188 : i32 to index
        %parallel_loop3A_250 = arith.constant 16 : index
        %parallel_loop3A_251 = tpu.vector_load %parallel_loop3A_248[%parallel_loop3A_249, %parallel_loop3A_250] {strides = array<i32>} : memref<128x48xf32, #tpu.memory_space<vmem>>, vector<1x16xf32>,
        %parallel_loop3A_252 = vector.shape_cast %parallel_loop3A_251 : vector<1x16xf32> to vector<16xf32>
        %parallel_loop3A_253 = vector.shape_cast %parallel_loop3A_243 : vector<16xf32> to vector<1x16xf32>
        tpu.vector_store %parallel_loop3A_248[%parallel_loop3A_249, %parallel_loop3A_250], %parallel_loop3A_253 {strides = array<i32>} : memref<128x48xf32, #tpu.memory_space<vmem>>, vector<1x16xf32>,
        %parallel_loop3A_254 = arith.mulf %parallel_loop3A_211, %parallel_loop3A_231 : vector<16xf32>
        %parallel_loop3A_255 = arith.constant 0 : i32
        %parallel_loop3A_256 = arith.constant 0 : i32
        %parallel_loop3A_257 = arith.constant 0 : i32
        %parallel_loop3A_258 = tpu.memref_slice %arg15[%parallel_loop3A_255, %parallel_loop3A_256, %parallel_loop3A_257] : memref<2x128x48xf32, #tpu.memory_space<vmem>> -> memref<1x128x48xf32, #tpu.memory_space<vmem>>
        %parallel_loop3A_259 = tpu.memref_squeeze %parallel_loop3A_258 : memref<1x128x48xf32, #tpu.memory_space<vmem>> -> memref<128x48xf32, #tpu.memory_space<vmem>>
        %parallel_loop3A_260 = arith.index_cast %parallel_loop3A_188 : i32 to index
        %parallel_loop3A_261 = arith.constant 32 : index
        %parallel_loop3A_262 = tpu.vector_load %parallel_loop3A_259[%parallel_loop3A_260, %parallel_loop3A_261] {strides = array<i32>} : memref<128x48xf32, #tpu.memory_space<vmem>>, vector<1x16xf32>,
        %parallel_loop3A_263 = vector.shape_cast %parallel_loop3A_262 : vector<1x16xf32> to vector<16xf32>
        %parallel_loop3A_264 = vector.shape_cast %parallel_loop3A_254 : vector<16xf32> to vector<1x16xf32>
        tpu.vector_store %parallel_loop3A_259[%parallel_loop3A_260, %parallel_loop3A_261], %parallel_loop3A_264 {strides = array<i32>} : memref<128x48xf32, #tpu.memory_space<vmem>>, vector<1x16xf32>,
      } {sc.loop_unroll_factor = 4 : i64, sc.parallel_access}
      %dma_start3A_119 = arith.constant 0 : i32
      %dma_start3A_120 = arith.constant 0 : i32
      %dma_start3A_121 = arith.constant 0 : i32
      %dma_start3A_122 = tpu.memref_slice %arg15[%dma_start3A_119, %dma_start3A_120, %dma_start3A_121] : memref<2x128x48xf32, #tpu.memory_space<vmem>> -> memref<1x128x48xf32, #tpu.memory_space<vmem>>
      %dma_start3A_123 = tpu.memref_squeeze %dma_start3A_122 : memref<1x128x48xf32, #tpu.memory_space<vmem>> -> memref<128x48xf32, #tpu.memory_space<vmem>>
      %dma_start3A_124 = arith.constant 0 : i32
      %dma_start3A_125 = tpu.memref_slice %arg12[%add3A_90, %dma_start3A_124] : memref<40x128xi32, #tpu.memory_space<vmem>> -> memref<1x128xi32, #tpu.memory_space<vmem>>
      %dma_start3A_126 = tpu.memref_squeeze %dma_start3A_125 : memref<1x128xi32, #tpu.memory_space<vmem>> -> memref<128xi32, #tpu.memory_space<vmem>>
      %dma_start3A_127 = arith.constant 0 : i32
      %dma_start3A_128 = arith.constant 0 : i32
      %dma_start3A_129 = tpu.memref_slice %arg9[%dma_start3A_127, %dma_start3A_128] : memref<10016x48xf32, #tpu.memory_space<vmem_shared>> -> memref<10016x48xf32, #tpu.memory_space<vmem_shared>>
      tpu.enqueue_indirect_dma source(%dma_start3A_123 : memref<128x48xf32, #tpu.memory_space<vmem>>) target(%dma_start3A_129 : memref<10016x48xf32, #tpu.memory_space<vmem_shared>>) offsets(%dma_start3A_126 : memref<128xi32, #tpu.memory_space<vmem>>) semaphore(%arg20 : memref<!tpu.dma_semaphore, #tpu.memory_space<semaphore_mem>>) {add = true}
      %add3A_130 = arith.constant 2 : i32
      %add3A_131 = arith.addi %add3A_90, %add3A_130 : i32
      %lt3A = arith.constant 40 : i32
      %lt3A_132 = arith.cmpi slt, %add3A_131, %lt3A : i32
      %convert_element_type3A_133 = arith.extui %lt3A_132 : i1 to i32
      %cond3A_134 = arith.constant 0 : i32
      %cond3A_135 = arith.cmpi ne, %convert_element_type3A_133, %cond3A_134 : i32
      scf.if %cond3A_135 {
        %add3A_188 = arith.constant 2 : i32
        %add3A_189 = arith.addi %add3A_90, %add3A_188 : i32
        %dma_start3A_190 = arith.constant 0 : i32
        %dma_start3A_191 = arith.constant 0 : i32
        %dma_start3A_192 = arith.constant 0 : i32
        %dma_start3A_193 = tpu.memref_slice %arg13[%dma_start3A_190, %dma_start3A_191, %dma_start3A_192] : memref<2x128x64xbf16, #tpu.memory_space<vmem>> -> memref<1x128x64xbf16, #tpu.memory_space<vmem>>
        %dma_start3A_194 = tpu.memref_squeeze %dma_start3A_193 : memref<1x128x64xbf16, #tpu.memory_space<vmem>> -> memref<128x64xbf16, #tpu.memory_space<vmem>>
        %dma_start3A_195 = arith.constant 0 : i32
        %dma_start3A_196 = tpu.memref_slice %arg11[%add3A_189, %dma_start3A_195] : memref<40x128xi32, #tpu.memory_space<vmem>> -> memref<1x128xi32, #tpu.memory_space<vmem>>
        %dma_start3A_197 = tpu.memref_squeeze %dma_start3A_196 : memref<1x128xi32, #tpu.memory_space<vmem>> -> memref<128xi32, #tpu.memory_space<vmem>>
        %dma_start3A_198 = arith.constant 0 : i32
        %dma_start3A_199 = arith.constant 0 : i32
        %dma_start3A_200 = tpu.memref_slice %arg10[%dma_start3A_198, %dma_start3A_199] : memref<10016x64xbf16, #tpu.memory_space<vmem_shared>> -> memref<10016x64xbf16, #tpu.memory_space<vmem_shared>>
        tpu.enqueue_indirect_dma source(%dma_start3A_200 : memref<10016x64xbf16, #tpu.memory_space<vmem_shared>>) target(%dma_start3A_194 : memref<128x64xbf16, #tpu.memory_space<vmem>>) offsets(%dma_start3A_197 : memref<128xi32, #tpu.memory_space<vmem>>) semaphore(%arg16 : memref<!tpu.dma_semaphore, #tpu.memory_space<semaphore_mem>>)
        %dma_start3A_201 = arith.constant 0 : i32
        %dma_start3A_202 = arith.constant 0 : i32
        %dma_start3A_203 = arith.constant 0 : i32
        %dma_start3A_204 = tpu.memref_slice %arg14[%dma_start3A_201, %dma_start3A_202, %dma_start3A_203] : memref<2x128x16xf32, #tpu.memory_space<vmem>> -> memref<1x128x16xf32, #tpu.memory_space<vmem>>
        %dma_start3A_205 = tpu.memref_squeeze %dma_start3A_204 : memref<1x128x16xf32, #tpu.memory_space<vmem>> -> memref<128x16xf32, #tpu.memory_space<vmem>>
        %dma_start3A_206 = arith.constant 0 : i32
        %dma_start3A_207 = tpu.memref_slice %arg12[%add3A_189, %dma_start3A_206] : memref<40x128xi32, #tpu.memory_space<vmem>> -> memref<1x128xi32, #tpu.memory_space<vmem>>
        %dma_start3A_208 = tpu.memref_squeeze %dma_start3A_207 : memref<1x128xi32, #tpu.memory_space<vmem>> -> memref<128xi32, #tpu.memory_space<vmem>>
        %dma_start3A_209 = arith.constant 0 : i32
        %dma_start3A_210 = arith.constant 0 : i32
        %dma_start3A_211 = tpu.memref_slice %arg3[%dma_start3A_209, %dma_start3A_210] : memref<10016x16xf32, #tpu.memory_space<hbm>> -> memref<10016x16xf32, #tpu.memory_space<hbm>>
        tpu.enqueue_indirect_dma source(%dma_start3A_211 : memref<10016x16xf32, #tpu.memory_space<hbm>>) target(%dma_start3A_205 : memref<128x16xf32, #tpu.memory_space<vmem>>) offsets(%dma_start3A_208 : memref<128xi32, #tpu.memory_space<vmem>>) semaphore(%arg18 : memref<!tpu.dma_semaphore, #tpu.memory_space<semaphore_mem>>)
      } else {
      }
      %mul3A_136 = arith.constant 2 : i32
      %mul3A_137 = arith.muli %mul3A_136, %scan3A_86 : i32
      %add3A_138 = arith.constant 1 : i32
      %add3A_139 = arith.addi %mul3A_137, %add3A_138 : i32
      %dma_wait3A_140 = arith.constant 1 : i32
      %dma_wait3A_141 = arith.constant 0 : i32
      %dma_wait3A_142 = arith.constant 0 : i32
      %dma_wait3A_143 = tpu.memref_slice %arg13[%dma_wait3A_140, %dma_wait3A_141, %dma_wait3A_142] : memref<2x128x64xbf16, #tpu.memory_space<vmem>> -> memref<1x128x64xbf16, #tpu.memory_space<vmem>>
      %dma_wait3A_144 = tpu.memref_squeeze %dma_wait3A_143 : memref<1x128x64xbf16, #tpu.memory_space<vmem>> -> memref<128x64xbf16, #tpu.memory_space<vmem>>
      %dma_wait3A_145 = arith.constant 0 : i32
      %dma_wait3A_146 = tpu.memref_slice %arg11[%add3A_139, %dma_wait3A_145] : memref<40x128xi32, #tpu.memory_space<vmem>> -> memref<1x128xi32, #tpu.memory_space<vmem>>
      %dma_wait3A_147 = tpu.memref_squeeze %dma_wait3A_146 : memref<1x128xi32, #tpu.memory_space<vmem>> -> memref<128xi32, #tpu.memory_space<vmem>>
      %dma_wait3A_148 = arith.constant 0 : i32
      %dma_wait3A_149 = arith.constant 0 : i32
      %dma_wait3A_150 = tpu.memref_slice %arg10[%dma_wait3A_148, %dma_wait3A_149] : memref<10016x64xbf16, #tpu.memory_space<vmem_shared>> -> memref<10016x64xbf16, #tpu.memory_space<vmem_shared>>
      tpu.wait_indirect_dma semaphore(%arg17 : memref<!tpu.dma_semaphore, #tpu.memory_space<semaphore_mem>>) src(%dma_wait3A_150 : memref<10016x64xbf16, #tpu.memory_space<vmem_shared>>) dst(%dma_wait3A_144 : memref<128x64xbf16, #tpu.memory_space<vmem>>)
      %dma_wait3A_151 = arith.constant 1 : i32
      %dma_wait3A_152 = arith.constant 0 : i32
      %dma_wait3A_153 = arith.constant 0 : i32
      %dma_wait3A_154 = tpu.memref_slice %arg14[%dma_wait3A_151, %dma_wait3A_152, %dma_wait3A_153] : memref<2x128x16xf32, #tpu.memory_space<vmem>> -> memref<1x128x16xf32, #tpu.memory_space<vmem>>
      %dma_wait3A_155 = tpu.memref_squeeze %dma_wait3A_154 : memref<1x128x16xf32, #tpu.memory_space<vmem>> -> memref<128x16xf32, #tpu.memory_space<vmem>>
      %dma_wait3A_156 = arith.constant 0 : i32
      %dma_wait3A_157 = tpu.memref_slice %arg12[%add3A_139, %dma_wait3A_156] : memref<40x128xi32, #tpu.memory_space<vmem>> -> memref<1x128xi32, #tpu.memory_space<vmem>>
      %dma_wait3A_158 = tpu.memref_squeeze %dma_wait3A_157 : memref<1x128xi32, #tpu.memory_space<vmem>> -> memref<128xi32, #tpu.memory_space<vmem>>
      %dma_wait3A_159 = arith.constant 0 : i32
      %dma_wait3A_160 = arith.constant 0 : i32
      %dma_wait3A_161 = tpu.memref_slice %arg3[%dma_wait3A_159, %dma_wait3A_160] : memref<10016x16xf32, #tpu.memory_space<hbm>> -> memref<10016x16xf32, #tpu.memory_space<hbm>>
      tpu.wait_indirect_dma semaphore(%arg19 : memref<!tpu.dma_semaphore, #tpu.memory_space<semaphore_mem>>) src(%dma_wait3A_161 : memref<10016x16xf32, #tpu.memory_space<hbm>>) dst(%dma_wait3A_155 : memref<128x16xf32, #tpu.memory_space<vmem>>)
      %gt3A_162 = arith.constant 0 : i32
      %gt3A_163 = arith.cmpi sgt, %scan3A_86, %gt3A_162 : i32
      %convert_element_type3A_164 = arith.extui %gt3A_163 : i1 to i32
      %cond3A_165 = arith.constant 0 : i32
      %cond3A_166 = arith.cmpi ne, %convert_element_type3A_164, %cond3A_165 : i32
      scf.if %cond3A_166 {
        %dma_wait3A_188 = arith.constant 1 : i32
        %dma_wait3A_189 = arith.constant 0 : i32
        %dma_wait3A_190 = arith.constant 0 : i32
        %dma_wait3A_191 = tpu.memref_slice %arg15[%dma_wait3A_188, %dma_wait3A_189, %dma_wait3A_190] : memref<2x128x48xf32, #tpu.memory_space<vmem>> -> memref<1x128x48xf32, #tpu.memory_space<vmem>>
        %dma_wait3A_192 = tpu.memref_squeeze %dma_wait3A_191 : memref<1x128x48xf32, #tpu.memory_space<vmem>> -> memref<128x48xf32, #tpu.memory_space<vmem>>
        %dma_wait3A_193 = arith.constant 0 : i32
        %dma_wait3A_194 = tpu.memref_slice %arg12[%add3A_139, %dma_wait3A_193] : memref<40x128xi32, #tpu.memory_space<vmem>> -> memref<1x128xi32, #tpu.memory_space<vmem>>
        %dma_wait3A_195 = tpu.memref_squeeze %dma_wait3A_194 : memref<1x128xi32, #tpu.memory_space<vmem>> -> memref<128xi32, #tpu.memory_space<vmem>>
        %dma_wait3A_196 = arith.constant 0 : i32
        %dma_wait3A_197 = arith.constant 0 : i32
        %dma_wait3A_198 = tpu.memref_slice %arg9[%dma_wait3A_196, %dma_wait3A_197] : memref<10016x48xf32, #tpu.memory_space<vmem_shared>> -> memref<10016x48xf32, #tpu.memory_space<vmem_shared>>
        tpu.wait_indirect_dma semaphore(%arg21 : memref<!tpu.dma_semaphore, #tpu.memory_space<semaphore_mem>>) src(%dma_wait3A_192 : memref<128x48xf32, #tpu.memory_space<vmem>>) dst(%dma_wait3A_198 : memref<10016x48xf32, #tpu.memory_space<vmem_shared>>)
      } else {
      }
      %parallel_loop3A_167 = arith.constant 0 : i32
      %parallel_loop3A_168 = arith.constant 128 : i32
      %parallel_loop3A_169 = arith.constant 1 : i32
      scf.for %parallel_loop3A_188 = %parallel_loop3A_167 to %parallel_loop3A_168 step %parallel_loop3A_169  : i32 {
        %parallel_loop3A_189 = arith.constant 1 : i32
        %parallel_loop3A_190 = arith.constant 0 : i32
        %parallel_loop3A_191 = arith.constant 0 : i32
        %parallel_loop3A_192 = tpu.memref_slice %arg13[%parallel_loop3A_189, %parallel_loop3A_190, %parallel_loop3A_191] : memref<2x128x64xbf16, #tpu.memory_space<vmem>> -> memref<1x128x64xbf16, #tpu.memory_space<vmem>>
        %parallel_loop3A_193 = tpu.memref_squeeze %parallel_loop3A_192 : memref<1x128x64xbf16, #tpu.memory_space<vmem>> -> memref<128x64xbf16, #tpu.memory_space<vmem>>
        %parallel_loop3A_194 = arith.index_cast %parallel_loop3A_188 : i32 to index
        %parallel_loop3A_195 = arith.constant 0 : index
        %parallel_loop3A_196 = tpu.vector_load %parallel_loop3A_193[%parallel_loop3A_194, %parallel_loop3A_195] {strides = array<i32>} : memref<128x64xbf16, #tpu.memory_space<vmem>>, vector<1x32xbf16>,
        %parallel_loop3A_197 = vector.shape_cast %parallel_loop3A_196 : vector<1x32xbf16> to vector<32xbf16>
        %parallel_loop3A_198 = arith.extf %parallel_loop3A_197 : vector<32xbf16> to vector<32xf32>
        %parallel_loop3A_199 = arith.constant 1 : i32
        %parallel_loop3A_200 = arith.constant 0 : i32
        %parallel_loop3A_201 = arith.constant 0 : i32
        %parallel_loop3A_202 = tpu.memref_slice %arg13[%parallel_loop3A_199, %parallel_loop3A_200, %parallel_loop3A_201] : memref<2x128x64xbf16, #tpu.memory_space<vmem>> -> memref<1x128x64xbf16, #tpu.memory_space<vmem>>
        %parallel_loop3A_203 = tpu.memref_squeeze %parallel_loop3A_202 : memref<1x128x64xbf16, #tpu.memory_space<vmem>> -> memref<128x64xbf16, #tpu.memory_space<vmem>>
        %parallel_loop3A_204 = arith.index_cast %parallel_loop3A_188 : i32 to index
        %parallel_loop3A_205 = arith.constant 32 : index
        %parallel_loop3A_206 = tpu.vector_load %parallel_loop3A_203[%parallel_loop3A_204, %parallel_loop3A_205] {strides = array<i32>} : memref<128x64xbf16, #tpu.memory_space<vmem>>, vector<1x32xbf16>,
        %parallel_loop3A_207 = vector.shape_cast %parallel_loop3A_206 : vector<1x32xbf16> to vector<32xbf16>
        %parallel_loop3A_208 = arith.extf %parallel_loop3A_207 : vector<32xbf16> to vector<32xf32>
        %parallel_loop3A_209 = vector.extract_strided_slice %parallel_loop3A_198 {offsets = [0], sizes = [16], strides = [1]} : vector<32xf32> to vector<16xf32>
        %parallel_loop3A_210 = vector.extract_strided_slice %parallel_loop3A_198 {offsets = [16], sizes = [16], strides = [1]} : vector<32xf32> to vector<16xf32>
        %parallel_loop3A_211 = vector.extract_strided_slice %parallel_loop3A_208 {offsets = [0], sizes = [16], strides = [1]} : vector<32xf32> to vector<16xf32>
        %parallel_loop3A_212 = arith.constant 1 : i32
        %parallel_loop3A_213 = arith.constant 0 : i32
        %parallel_loop3A_214 = arith.constant 0 : i32
        %parallel_loop3A_215 = tpu.memref_slice %arg14[%parallel_loop3A_212, %parallel_loop3A_213, %parallel_loop3A_214] : memref<2x128x16xf32, #tpu.memory_space<vmem>> -> memref<1x128x16xf32, #tpu.memory_space<vmem>>
        %parallel_loop3A_216 = tpu.memref_squeeze %parallel_loop3A_215 : memref<1x128x16xf32, #tpu.memory_space<vmem>> -> memref<128x16xf32, #tpu.memory_space<vmem>>
        %parallel_loop3A_217 = arith.index_cast %parallel_loop3A_188 : i32 to index
        %parallel_loop3A_218 = arith.constant 0 : index
        %parallel_loop3A_219 = tpu.vector_load %parallel_loop3A_216[%parallel_loop3A_217, %parallel_loop3A_218] {strides = array<i32>} : memref<128x16xf32, #tpu.memory_space<vmem>>, vector<1x16xf32>,
        %parallel_loop3A_220 = vector.shape_cast %parallel_loop3A_219 : vector<1x16xf32> to vector<16xf32>
        %parallel_loop3A_221 = arith.addf %parallel_loop3A_211, %parallel_loop3A_220 : vector<16xf32>
        %parallel_loop3A_222 = arith.constant 2.000000e-01 : f32
        %parallel_loop3A_223 = vector.broadcast %parallel_loop3A_222 : f32 to vector<16xf32>
        %parallel_loop3A_224 = arith.mulf %parallel_loop3A_221, %parallel_loop3A_223 : vector<16xf32>
        %parallel_loop3A_225 = arith.maximumf %parallel_loop3A_221, %parallel_loop3A_224 : vector<16xf32>
        %parallel_loop3A_226 = math.exp %parallel_loop3A_225 : vector<16xf32>
        %parallel_loop3A_227 = arith.constant 9 : i32
        %parallel_loop3A_228 = vector.broadcast %parallel_loop3A_227 : i32 to vector<16xi32>
        %parallel_loop3A_229 = vector.shape_cast %parallel_loop3A_228 : vector<16xi32> to vector<16x1xi32>
        %parallel_loop3A_230 = vector.shape_cast %parallel_loop3A_229 : vector<16x1xi32> to vector<16xi32>
        %parallel_loop3A_231 = tpu.dynamic_gather %parallel_loop3A_226[%parallel_loop3A_230] in [0] : vector<16xf32>, vector<16xi32> -> vector<16xf32>
        %parallel_loop3A_232 = arith.mulf %parallel_loop3A_209, %parallel_loop3A_231 : vector<16xf32>
        %parallel_loop3A_233 = arith.constant 1 : i32
        %parallel_loop3A_234 = arith.constant 0 : i32
        %parallel_loop3A_235 = arith.constant 0 : i32
        %parallel_loop3A_236 = tpu.memref_slice %arg15[%parallel_loop3A_233, %parallel_loop3A_234, %parallel_loop3A_235] : memref<2x128x48xf32, #tpu.memory_space<vmem>> -> memref<1x128x48xf32, #tpu.memory_space<vmem>>
        %parallel_loop3A_237 = tpu.memref_squeeze %parallel_loop3A_236 : memref<1x128x48xf32, #tpu.memory_space<vmem>> -> memref<128x48xf32, #tpu.memory_space<vmem>>
        %parallel_loop3A_238 = arith.index_cast %parallel_loop3A_188 : i32 to index
        %parallel_loop3A_239 = arith.constant 0 : index
        %parallel_loop3A_240 = tpu.vector_load %parallel_loop3A_237[%parallel_loop3A_238, %parallel_loop3A_239] {strides = array<i32>} : memref<128x48xf32, #tpu.memory_space<vmem>>, vector<1x16xf32>,
        %parallel_loop3A_241 = vector.shape_cast %parallel_loop3A_240 : vector<1x16xf32> to vector<16xf32>
        %parallel_loop3A_242 = vector.shape_cast %parallel_loop3A_232 : vector<16xf32> to vector<1x16xf32>
        tpu.vector_store %parallel_loop3A_237[%parallel_loop3A_238, %parallel_loop3A_239], %parallel_loop3A_242 {strides = array<i32>} : memref<128x48xf32, #tpu.memory_space<vmem>>, vector<1x16xf32>,
        %parallel_loop3A_243 = arith.mulf %parallel_loop3A_210, %parallel_loop3A_231 : vector<16xf32>
        %parallel_loop3A_244 = arith.constant 1 : i32
        %parallel_loop3A_245 = arith.constant 0 : i32
        %parallel_loop3A_246 = arith.constant 0 : i32
        %parallel_loop3A_247 = tpu.memref_slice %arg15[%parallel_loop3A_244, %parallel_loop3A_245, %parallel_loop3A_246] : memref<2x128x48xf32, #tpu.memory_space<vmem>> -> memref<1x128x48xf32, #tpu.memory_space<vmem>>
        %parallel_loop3A_248 = tpu.memref_squeeze %parallel_loop3A_247 : memref<1x128x48xf32, #tpu.memory_space<vmem>> -> memref<128x48xf32, #tpu.memory_space<vmem>>
        %parallel_loop3A_249 = arith.index_cast %parallel_loop3A_188 : i32 to index
        %parallel_loop3A_250 = arith.constant 16 : index
        %parallel_loop3A_251 = tpu.vector_load %parallel_loop3A_248[%parallel_loop3A_249, %parallel_loop3A_250] {strides = array<i32>} : memref<128x48xf32, #tpu.memory_space<vmem>>, vector<1x16xf32>,
        %parallel_loop3A_252 = vector.shape_cast %parallel_loop3A_251 : vector<1x16xf32> to vector<16xf32>
        %parallel_loop3A_253 = vector.shape_cast %parallel_loop3A_243 : vector<16xf32> to vector<1x16xf32>
        tpu.vector_store %parallel_loop3A_248[%parallel_loop3A_249, %parallel_loop3A_250], %parallel_loop3A_253 {strides = array<i32>} : memref<128x48xf32, #tpu.memory_space<vmem>>, vector<1x16xf32>,
        %parallel_loop3A_254 = arith.mulf %parallel_loop3A_211, %parallel_loop3A_231 : vector<16xf32>
        %parallel_loop3A_255 = arith.constant 1 : i32
        %parallel_loop3A_256 = arith.constant 0 : i32
        %parallel_loop3A_257 = arith.constant 0 : i32
        %parallel_loop3A_258 = tpu.memref_slice %arg15[%parallel_loop3A_255, %parallel_loop3A_256, %parallel_loop3A_257] : memref<2x128x48xf32, #tpu.memory_space<vmem>> -> memref<1x128x48xf32, #tpu.memory_space<vmem>>
        %parallel_loop3A_259 = tpu.memref_squeeze %parallel_loop3A_258 : memref<1x128x48xf32, #tpu.memory_space<vmem>> -> memref<128x48xf32, #tpu.memory_space<vmem>>
        %parallel_loop3A_260 = arith.index_cast %parallel_loop3A_188 : i32 to index
        %parallel_loop3A_261 = arith.constant 32 : index
        %parallel_loop3A_262 = tpu.vector_load %parallel_loop3A_259[%parallel_loop3A_260, %parallel_loop3A_261] {strides = array<i32>} : memref<128x48xf32, #tpu.memory_space<vmem>>, vector<1x16xf32>,
        %parallel_loop3A_263 = vector.shape_cast %parallel_loop3A_262 : vector<1x16xf32> to vector<16xf32>
        %parallel_loop3A_264 = vector.shape_cast %parallel_loop3A_254 : vector<16xf32> to vector<1x16xf32>
        tpu.vector_store %parallel_loop3A_259[%parallel_loop3A_260, %parallel_loop3A_261], %parallel_loop3A_264 {strides = array<i32>} : memref<128x48xf32, #tpu.memory_space<vmem>>, vector<1x16xf32>,
      } {sc.loop_unroll_factor = 4 : i64, sc.parallel_access}
      %dma_start3A_170 = arith.constant 1 : i32
      %dma_start3A_171 = arith.constant 0 : i32
      %dma_start3A_172 = arith.constant 0 : i32
      %dma_start3A_173 = tpu.memref_slice %arg15[%dma_start3A_170, %dma_start3A_171, %dma_start3A_172] : memref<2x128x48xf32, #tpu.memory_space<vmem>> -> memref<1x128x48xf32, #tpu.memory_space<vmem>>
      %dma_start3A_174 = tpu.memref_squeeze %dma_start3A_173 : memref<1x128x48xf32, #tpu.memory_space<vmem>> -> memref<128x48xf32, #tpu.memory_space<vmem>>
      %dma_start3A_175 = arith.constant 0 : i32
      %dma_start3A_176 = tpu.memref_slice %arg12[%add3A_139, %dma_start3A_175] : memref<40x128xi32, #tpu.memory_space<vmem>> -> memref<1x128xi32, #tpu.memory_space<vmem>>
      %dma_start3A_177 = tpu.memref_squeeze %dma_start3A_176 : memref<1x128xi32, #tpu.memory_space<vmem>> -> memref<128xi32, #tpu.memory_space<vmem>>
      %dma_start3A_178 = arith.constant 0 : i32
      %dma_start3A_179 = arith.constant 0 : i32
      %dma_start3A_180 = tpu.memref_slice %arg9[%dma_start3A_178, %dma_start3A_179] : memref<10016x48xf32, #tpu.memory_space<vmem_shared>> -> memref<10016x48xf32, #tpu.memory_space<vmem_shared>>
      tpu.enqueue_indirect_dma source(%dma_start3A_174 : memref<128x48xf32, #tpu.memory_space<vmem>>) target(%dma_start3A_180 : memref<10016x48xf32, #tpu.memory_space<vmem_shared>>) offsets(%dma_start3A_177 : memref<128xi32, #tpu.memory_space<vmem>>) semaphore(%arg21 : memref<!tpu.dma_semaphore, #tpu.memory_space<semaphore_mem>>) {add = true}
      %add3A_181 = arith.constant 2 : i32
      %add3A_182 = arith.addi %add3A_139, %add3A_181 : i32
      %lt3A_183 = arith.constant 40 : i32
      %lt3A_184 = arith.cmpi slt, %add3A_182, %lt3A_183 : i32
      %convert_element_type3A_185 = arith.extui %lt3A_184 : i1 to i32
      %cond3A_186 = arith.constant 0 : i32
      %cond3A_187 = arith.cmpi ne, %convert_element_type3A_185, %cond3A_186 : i32
      scf.if %cond3A_187 {
        %add3A_188 = arith.constant 2 : i32
        %add3A_189 = arith.addi %add3A_139, %add3A_188 : i32
        %dma_start3A_190 = arith.constant 1 : i32
        %dma_start3A_191 = arith.constant 0 : i32
        %dma_start3A_192 = arith.constant 0 : i32
        %dma_start3A_193 = tpu.memref_slice %arg13[%dma_start3A_190, %dma_start3A_191, %dma_start3A_192] : memref<2x128x64xbf16, #tpu.memory_space<vmem>> -> memref<1x128x64xbf16, #tpu.memory_space<vmem>>
        %dma_start3A_194 = tpu.memref_squeeze %dma_start3A_193 : memref<1x128x64xbf16, #tpu.memory_space<vmem>> -> memref<128x64xbf16, #tpu.memory_space<vmem>>
        %dma_start3A_195 = arith.constant 0 : i32
        %dma_start3A_196 = tpu.memref_slice %arg11[%add3A_189, %dma_start3A_195] : memref<40x128xi32, #tpu.memory_space<vmem>> -> memref<1x128xi32, #tpu.memory_space<vmem>>
        %dma_start3A_197 = tpu.memref_squeeze %dma_start3A_196 : memref<1x128xi32, #tpu.memory_space<vmem>> -> memref<128xi32, #tpu.memory_space<vmem>>
        %dma_start3A_198 = arith.constant 0 : i32
        %dma_start3A_199 = arith.constant 0 : i32
        %dma_start3A_200 = tpu.memref_slice %arg10[%dma_start3A_198, %dma_start3A_199] : memref<10016x64xbf16, #tpu.memory_space<vmem_shared>> -> memref<10016x64xbf16, #tpu.memory_space<vmem_shared>>
        tpu.enqueue_indirect_dma source(%dma_start3A_200 : memref<10016x64xbf16, #tpu.memory_space<vmem_shared>>) target(%dma_start3A_194 : memref<128x64xbf16, #tpu.memory_space<vmem>>) offsets(%dma_start3A_197 : memref<128xi32, #tpu.memory_space<vmem>>) semaphore(%arg17 : memref<!tpu.dma_semaphore, #tpu.memory_space<semaphore_mem>>)
        %dma_start3A_201 = arith.constant 1 : i32
        %dma_start3A_202 = arith.constant 0 : i32
        %dma_start3A_203 = arith.constant 0 : i32
        %dma_start3A_204 = tpu.memref_slice %arg14[%dma_start3A_201, %dma_start3A_202, %dma_start3A_203] : memref<2x128x16xf32, #tpu.memory_space<vmem>> -> memref<1x128x16xf32, #tpu.memory_space<vmem>>
        %dma_start3A_205 = tpu.memref_squeeze %dma_start3A_204 : memref<1x128x16xf32, #tpu.memory_space<vmem>> -> memref<128x16xf32, #tpu.memory_space<vmem>>
        %dma_start3A_206 = arith.constant 0 : i32
        %dma_start3A_207 = tpu.memref_slice %arg12[%add3A_189, %dma_start3A_206] : memref<40x128xi32, #tpu.memory_space<vmem>> -> memref<1x128xi32, #tpu.memory_space<vmem>>
        %dma_start3A_208 = tpu.memref_squeeze %dma_start3A_207 : memref<1x128xi32, #tpu.memory_space<vmem>> -> memref<128xi32, #tpu.memory_space<vmem>>
        %dma_start3A_209 = arith.constant 0 : i32
        %dma_start3A_210 = arith.constant 0 : i32
        %dma_start3A_211 = tpu.memref_slice %arg3[%dma_start3A_209, %dma_start3A_210] : memref<10016x16xf32, #tpu.memory_space<hbm>> -> memref<10016x16xf32, #tpu.memory_space<hbm>>
        tpu.enqueue_indirect_dma source(%dma_start3A_211 : memref<10016x16xf32, #tpu.memory_space<hbm>>) target(%dma_start3A_205 : memref<128x16xf32, #tpu.memory_space<vmem>>) offsets(%dma_start3A_208 : memref<128xi32, #tpu.memory_space<vmem>>) semaphore(%arg19 : memref<!tpu.dma_semaphore, #tpu.memory_space<semaphore_mem>>)
      } else {
      }
    }
    %scan3A_54 = arith.constant 20 : i32
    %dma_wait3A = arith.constant 0 : i32
    %dma_wait3A_55 = arith.constant 38 : i32
    %dma_wait3A_56 = arith.constant 0 : i32
    %dma_wait3A_57 = arith.constant 0 : i32
    %dma_wait3A_58 = tpu.memref_slice %arg15[%dma_wait3A, %dma_wait3A_56, %dma_wait3A_57] : memref<2x128x48xf32, #tpu.memory_space<vmem>> -> memref<1x128x48xf32, #tpu.memory_space<vmem>>
    %dma_wait3A_59 = tpu.memref_squeeze %dma_wait3A_58 : memref<1x128x48xf32, #tpu.memory_space<vmem>> -> memref<128x48xf32, #tpu.memory_space<vmem>>
    %dma_wait3A_60 = arith.constant 0 : i32
    %dma_wait3A_61 = tpu.memref_slice %arg12[%dma_wait3A_55, %dma_wait3A_60] : memref<40x128xi32, #tpu.memory_space<vmem>> -> memref<1x128xi32, #tpu.memory_space<vmem>>
    %dma_wait3A_62 = tpu.memref_squeeze %dma_wait3A_61 : memref<1x128xi32, #tpu.memory_space<vmem>> -> memref<128xi32, #tpu.memory_space<vmem>>
    %dma_wait3A_63 = arith.constant 0 : i32
    %dma_wait3A_64 = arith.constant 0 : i32
    %dma_wait3A_65 = tpu.memref_slice %arg9[%dma_wait3A_63, %dma_wait3A_64] : memref<10016x48xf32, #tpu.memory_space<vmem_shared>> -> memref<10016x48xf32, #tpu.memory_space<vmem_shared>>
    tpu.wait_indirect_dma semaphore(%arg20 : memref<!tpu.dma_semaphore, #tpu.memory_space<semaphore_mem>>) src(%dma_wait3A_59 : memref<128x48xf32, #tpu.memory_space<vmem>>) dst(%dma_wait3A_65 : memref<10016x48xf32, #tpu.memory_space<vmem_shared>>)
    %dma_wait3A_66 = arith.constant 1 : i32
    %dma_wait3A_67 = arith.constant 39 : i32
    %dma_wait3A_68 = arith.constant 0 : i32
    %dma_wait3A_69 = arith.constant 0 : i32
    %dma_wait3A_70 = tpu.memref_slice %arg15[%dma_wait3A_66, %dma_wait3A_68, %dma_wait3A_69] : memref<2x128x48xf32, #tpu.memory_space<vmem>> -> memref<1x128x48xf32, #tpu.memory_space<vmem>>
    %dma_wait3A_71 = tpu.memref_squeeze %dma_wait3A_70 : memref<1x128x48xf32, #tpu.memory_space<vmem>> -> memref<128x48xf32, #tpu.memory_space<vmem>>
    %dma_wait3A_72 = arith.constant 0 : i32
    %dma_wait3A_73 = tpu.memref_slice %arg12[%dma_wait3A_67, %dma_wait3A_72] : memref<40x128xi32, #tpu.memory_space<vmem>> -> memref<1x128xi32, #tpu.memory_space<vmem>>
    %dma_wait3A_74 = tpu.memref_squeeze %dma_wait3A_73 : memref<1x128xi32, #tpu.memory_space<vmem>> -> memref<128xi32, #tpu.memory_space<vmem>>
    %dma_wait3A_75 = arith.constant 0 : i32
    %dma_wait3A_76 = arith.constant 0 : i32
    %dma_wait3A_77 = tpu.memref_slice %arg9[%dma_wait3A_75, %dma_wait3A_76] : memref<10016x48xf32, #tpu.memory_space<vmem_shared>> -> memref<10016x48xf32, #tpu.memory_space<vmem_shared>>
    tpu.wait_indirect_dma semaphore(%arg21 : memref<!tpu.dma_semaphore, #tpu.memory_space<semaphore_mem>>) src(%dma_wait3A_71 : memref<128x48xf32, #tpu.memory_space<vmem>>) dst(%dma_wait3A_77 : memref<10016x48xf32, #tpu.memory_space<vmem_shared>>)
    %barrier3A_78 = arith.constant 0 : index
    tpu.barrier barrier_id(%barrier3A_78)
    %eq3A = arith.constant 0 : i32
    %eq3A_79 = arith.cmpi eq, %arg0, %eq3A : i32
    %convert_element_type3A = arith.extui %eq3A_79 : i1 to i32
    %cond3A = arith.constant 0 : i32
    %cond3A_80 = arith.cmpi ne, %convert_element_type3A, %cond3A : i32
    scf.if %cond3A_80 {
      "tpu.region"() ({
        %run_scoped3A = tpu.sem_alloc : memref<!tpu.dma_semaphore, #tpu.memory_space<semaphore_mem>>
        %dma_start3A_86 = arith.constant 0 : i32
        %dma_start3A_87 = tpu.memref_slice %arg7[%mul3A_2, %dma_start3A_86] : memref<10016x48xf32, #tpu.memory_space<hbm>> -> memref<626x48xf32, #tpu.memory_space<hbm>>
        %dma_start3A_88 = arith.constant 0 : i32
        %dma_start3A_89 = tpu.memref_slice %arg9[%mul3A_2, %dma_start3A_88] : memref<10016x48xf32, #tpu.memory_space<vmem_shared>> -> memref<626x48xf32, #tpu.memory_space<vmem_shared>>
        tpu.enqueue_dma source(%dma_start3A_89 : memref<626x48xf32, #tpu.memory_space<vmem_shared>>) target(%dma_start3A_87 : memref<626x48xf32, #tpu.memory_space<hbm>>) target_semaphore(%run_scoped3A : memref<!tpu.dma_semaphore, #tpu.memory_space<semaphore_mem>>)
        %dma_wait3A_90 = arith.constant 0 : i32
        %dma_wait3A_91 = tpu.memref_slice %arg7[%mul3A_2, %dma_wait3A_90] : memref<10016x48xf32, #tpu.memory_space<hbm>> -> memref<626x48xf32, #tpu.memory_space<hbm>>
        %dma_wait3A_92 = arith.constant 0 : i32
        %dma_wait3A_93 = tpu.memref_slice %arg9[%mul3A_2, %dma_wait3A_92] : memref<10016x48xf32, #tpu.memory_space<vmem_shared>> -> memref<626x48xf32, #tpu.memory_space<vmem_shared>>
        tpu.wait_dma2 semaphore(%run_scoped3A : memref<!tpu.dma_semaphore, #tpu.memory_space<semaphore_mem>>) src(%dma_wait3A_93 : memref<626x48xf32, #tpu.memory_space<vmem_shared>>) dst(%dma_wait3A_91 : memref<626x48xf32, #tpu.memory_space<hbm>>)
        tpu.yield
      }) : () -> ()
    } else {
    }
    %eq3A_81 = arith.constant 1 : i32
    %eq3A_82 = arith.cmpi eq, %arg0, %eq3A_81 : i32
    %convert_element_type3A_83 = arith.extui %eq3A_82 : i1 to i32
    %cond3A_84 = arith.constant 0 : i32
    %cond3A_85 = arith.cmpi ne, %convert_element_type3A_83, %cond3A_84 : i32
    scf.if %cond3A_85 {
      "tpu.region"() ({
        %run_scoped3A = tpu.sem_alloc : memref<!tpu.dma_semaphore, #tpu.memory_space<semaphore_mem>>
        %dma_start3A_86 = arith.constant 0 : i32
        %dma_start3A_87 = tpu.memref_slice %arg8[%mul3A_2, %dma_start3A_86] : memref<10016x48xf32, #tpu.memory_space<hbm>> -> memref<626x48xf32, #tpu.memory_space<hbm>>
        %dma_start3A_88 = arith.constant 0 : i32
        %dma_start3A_89 = tpu.memref_slice %arg9[%mul3A_2, %dma_start3A_88] : memref<10016x48xf32, #tpu.memory_space<vmem_shared>> -> memref<626x48xf32, #tpu.memory_space<vmem_shared>>
        tpu.enqueue_dma source(%dma_start3A_89 : memref<626x48xf32, #tpu.memory_space<vmem_shared>>) target(%dma_start3A_87 : memref<626x48xf32, #tpu.memory_space<hbm>>) target_semaphore(%run_scoped3A : memref<!tpu.dma_semaphore, #tpu.memory_space<semaphore_mem>>)
        %dma_wait3A_90 = arith.constant 0 : i32
        %dma_wait3A_91 = tpu.memref_slice %arg8[%mul3A_2, %dma_wait3A_90] : memref<10016x48xf32, #tpu.memory_space<hbm>> -> memref<626x48xf32, #tpu.memory_space<hbm>>
        %dma_wait3A_92 = arith.constant 0 : i32
        %dma_wait3A_93 = tpu.memref_slice %arg9[%mul3A_2, %dma_wait3A_92] : memref<10016x48xf32, #tpu.memory_space<vmem_shared>> -> memref<626x48xf32, #tpu.memory_space<vmem_shared>>
        tpu.wait_dma2 semaphore(%run_scoped3A : memref<!tpu.dma_semaphore, #tpu.memory_space<semaphore_mem>>) src(%dma_wait3A_93 : memref<626x48xf32, #tpu.memory_space<vmem_shared>>) dst(%dma_wait3A_91 : memref<626x48xf32, #tpu.memory_space<hbm>>)
        tpu.yield
      }) : () -> ()
    } else {
    }
    return
  }
}

module attributes {stable_mosaic.version = 14 : i64} {
  func.func @_k1_body(%arg0: i32, %arg1: memref<2504x256xf32, #tpu.memory_space<vmem>>, %arg2: memref<256x96xf32, #tpu.memory_space<vmem>>, %arg3: memref<1x96xf32, #tpu.memory_space<vmem>>, %arg4: memref<256x16xf32, #tpu.memory_space<vmem>>, %arg5: memref<2504x96xbf16, #tpu.memory_space<vmem>>, %arg6: memref<2504x16xf32, #tpu.memory_space<vmem>>) attributes {dimension_semantics = [#tpu.dimension_semantics<arbitrary>], iteration_bounds = array<i64: 4>, scalar_prefetch = 0 : i64, scratch_operands = 0 : i64, tpu.core_type = #tpu.core_type<tc>, window_params = [{transform_indices = @transform_0, window_bounds = array<i64: 2504, 256>}, {pipeline_mode = #tpu.pipeline_mode<synchronous>, transform_indices = @transform_1, window_bounds = array<i64: 256, 96>}, {pipeline_mode = #tpu.pipeline_mode<synchronous>, transform_indices = @transform_2, window_bounds = array<i64: 1, 96>}, {pipeline_mode = #tpu.pipeline_mode<synchronous>, transform_indices = @transform_3, window_bounds = array<i64: 256, 16>}, {transform_indices = @transform_4, window_bounds = array<i64: 2504, 96>}, {transform_indices = @transform_5, window_bounds = array<i64: 2504, 16>}]} {
    %get3A = arith.constant 0 : index
    %get3A_0 = arith.constant 0 : index
    %get3A_1 = vector.load %arg1[%get3A, %get3A_0] : memref<2504x256xf32, #tpu.memory_space<vmem>>, vector<2504x256xf32>
    %get3A_2 = arith.constant 0 : index
    %get3A_3 = arith.constant 0 : index
    %get3A_4 = vector.load %arg2[%get3A_2, %get3A_3] : memref<256x96xf32, #tpu.memory_space<vmem>>, vector<256x96xf32>
    %dot_general3A = arith.constant dense<0.000000e+00> : vector<2504x96xf32>
    %dot_general3A_5 = tpu.matmul %get3A_1, %get3A_4, %dot_general3A {dimension_numbers = #tpu.dot_dimension_numbers<[1], [0], [0], [1], [0, 0, 1, 1], [], []>, transpose_lhs_hint = false} : vector<2504x256xf32>, vector<256x96xf32>, vector<2504x96xf32> -> vector<2504x96xf32>
    %get3A_6 = arith.constant 0 : index
    %get3A_7 = arith.constant 0 : index
    %get3A_8 = vector.load %arg3[%get3A_6, %get3A_7] : memref<1x96xf32, #tpu.memory_space<vmem>>, vector<1x96xf32>
    %add3A = vector.broadcast %get3A_8 : vector<1x96xf32> to vector<2504x96xf32>
    %add3A_9 = arith.addf %dot_general3A_5, %add3A : vector<2504x96xf32>
    %convert_element_type3A = arith.truncf %add3A_9 : vector<2504x96xf32> to vector<2504x96xbf16>
    %swap3A = arith.constant 0 : index
    %swap3A_10 = arith.constant 0 : index
    %swap3A_11 = vector.load %arg5[%swap3A, %swap3A_10] : memref<2504x96xbf16, #tpu.memory_space<vmem>>, vector<2504x96xbf16>
    tpu.vector_store %arg5[%swap3A, %swap3A_10], %convert_element_type3A {strides = array<i32>} : memref<2504x96xbf16, #tpu.memory_space<vmem>>, vector<2504x96xbf16>,
    %get3A_12 = arith.constant 0 : index
    %get3A_13 = arith.constant 0 : index
    %get3A_14 = vector.load %arg4[%get3A_12, %get3A_13] : memref<256x16xf32, #tpu.memory_space<vmem>>, vector<256x16xf32>
    %dot_general3A_15 = arith.constant dense<0.000000e+00> : vector<2504x16xf32>
    %dot_general3A_16 = tpu.matmul %get3A_1, %get3A_14, %dot_general3A_15 {dimension_numbers = #tpu.dot_dimension_numbers<[1], [0], [0], [1], [0, 0, 1, 1], [], []>, transpose_lhs_hint = false} : vector<2504x256xf32>, vector<256x16xf32>, vector<2504x16xf32> -> vector<2504x16xf32>
    %swap3A_17 = arith.constant 0 : index
    %swap3A_18 = arith.constant 0 : index
    %swap3A_19 = vector.load %arg6[%swap3A_17, %swap3A_18] : memref<2504x16xf32, #tpu.memory_space<vmem>>, vector<2504x16xf32>
    tpu.vector_store %arg6[%swap3A_17, %swap3A_18], %dot_general3A_16 {strides = array<i32>} : memref<2504x16xf32, #tpu.memory_space<vmem>>, vector<2504x16xf32>,
    return
  }
  func.func @transform_0(%arg0: i32) -> (i32, i32) {
    %c0_i32 = arith.constant 0 : i32
    %c0_i32_0 = arith.constant 0 : i32
    return %arg0, %c0_i32 : i32, i32
  }
  func.func @transform_1(%arg0: i32) -> (i32, i32) {
    %c0_i32 = arith.constant 0 : i32
    %c0_i32_0 = arith.constant 0 : i32
    %c0_i32_1 = arith.constant 0 : i32
    return %c0_i32, %c0_i32_0 : i32, i32
  }
  func.func @transform_2(%arg0: i32) -> (i32, i32) {
    %c0_i32 = arith.constant 0 : i32
    %c0_i32_0 = arith.constant 0 : i32
    %c0_i32_1 = arith.constant 0 : i32
    return %c0_i32, %c0_i32_0 : i32, i32
  }
  func.func @transform_3(%arg0: i32) -> (i32, i32) {
    %c0_i32 = arith.constant 0 : i32
    %c0_i32_0 = arith.constant 0 : i32
    %c0_i32_1 = arith.constant 0 : i32
    return %c0_i32, %c0_i32_0 : i32, i32
  }
  func.func @transform_4(%arg0: i32) -> (i32, i32) {
    %c0_i32 = arith.constant 0 : i32
    %c0_i32_0 = arith.constant 0 : i32
    return %arg0, %c0_i32 : i32, i32
  }
  func.func @transform_5(%arg0: i32) -> (i32, i32) {
    %c0_i32 = arith.constant 0 : i32
    %c0_i32_0 = arith.constant 0 : i32
    return %arg0, %c0_i32 : i32, i32
  }
}

module attributes {stable_mosaic.version = 14 : i64} {
  func.func @_k2_body(%arg0: i32, %arg1: memref<2504x72xf32, #tpu.memory_space<vmem>>, %arg2: memref<2504x72xf32, #tpu.memory_space<vmem>>, %arg3: memref<1x64xf32, #tpu.memory_space<vmem>>, %arg4: memref<8x64xf32, #tpu.memory_space<vmem>>, %arg5: memref<64x64xf32, #tpu.memory_space<vmem>>, %arg6: memref<1x64xf32, #tpu.memory_space<vmem>>, %arg7: memref<64x16xf32, #tpu.memory_space<vmem>>, %arg8: memref<2504x64xbf16, #tpu.memory_space<vmem>>, %arg9: memref<2504x16xf32, #tpu.memory_space<vmem>>) attributes {dimension_semantics = [#tpu.dimension_semantics<arbitrary>], iteration_bounds = array<i64: 4>, scalar_prefetch = 0 : i64, scratch_operands = 0 : i64, tpu.core_type = #tpu.core_type<tc>, window_params = [{transform_indices = @transform_0, window_bounds = array<i64: 2504, 72>}, {transform_indices = @transform_1, window_bounds = array<i64: 2504, 72>}, {pipeline_mode = #tpu.pipeline_mode<synchronous>, transform_indices = @transform_2, window_bounds = array<i64: 1, 64>}, {pipeline_mode = #tpu.pipeline_mode<synchronous>, transform_indices = @transform_3, window_bounds = array<i64: 8, 64>}, {pipeline_mode = #tpu.pipeline_mode<synchronous>, transform_indices = @transform_4, window_bounds = array<i64: 64, 64>}, {pipeline_mode = #tpu.pipeline_mode<synchronous>, transform_indices = @transform_5, window_bounds = array<i64: 1, 64>}, {pipeline_mode = #tpu.pipeline_mode<synchronous>, transform_indices = @transform_6, window_bounds = array<i64: 64, 16>}, {transform_indices = @transform_7, window_bounds = array<i64: 2504, 64>}, {transform_indices = @transform_8, window_bounds = array<i64: 2504, 16>}]} {
    %get3A = arith.constant 0 : index
    %get3A_0 = arith.constant 0 : index
    %get3A_1 = vector.load %arg1[%get3A, %get3A_0] : memref<2504x72xf32, #tpu.memory_space<vmem>>, vector<2504x72xf32>
    %get3A_2 = arith.constant 0 : index
    %get3A_3 = arith.constant 0 : index
    %get3A_4 = vector.load %arg2[%get3A_2, %get3A_3] : memref<2504x72xf32, #tpu.memory_space<vmem>>, vector<2504x72xf32>
    %add3A = arith.addf %get3A_1, %get3A_4 : vector<2504x72xf32>
    %slice3A = vector.extract_strided_slice %add3A {offsets = [0, 0], sizes = [2504, 64], strides = [1, 1]} : vector<2504x72xf32> to vector<2504x64xf32>
    %slice3A_5 = vector.extract_strided_slice %add3A {offsets = [0, 64], sizes = [2504, 8], strides = [1, 1]} : vector<2504x72xf32> to vector<2504x8xf32>
    %get3A_6 = arith.constant 0 : index
    %get3A_7 = arith.constant 0 : index
    %get3A_8 = vector.load %arg4[%get3A_6, %get3A_7] : memref<8x64xf32, #tpu.memory_space<vmem>>, vector<8x64xf32>
    %dot_general3A = arith.constant dense<0.000000e+00> : vector<2504x64xf32>
    %dot_general3A_9 = tpu.matmul %slice3A_5, %get3A_8, %dot_general3A {dimension_numbers = #tpu.dot_dimension_numbers<[1], [0], [0], [1], [0, 0, 1, 1], [], []>, transpose_lhs_hint = false} : vector<2504x8xf32>, vector<8x64xf32>, vector<2504x64xf32> -> vector<2504x64xf32>
    %add3A_10 = arith.constant 1.000000e-16 : f32
    %add3A_11 = vector.broadcast %add3A_10 : f32 to vector<2504x64xf32>
    %add3A_12 = arith.addf %dot_general3A_9, %add3A_11 : vector<2504x64xf32>
    %div3A = arith.divf %slice3A, %add3A_12 : vector<2504x64xf32>
    %get3A_13 = arith.constant 0 : index
    %get3A_14 = arith.constant 0 : index
    %get3A_15 = vector.load %arg3[%get3A_13, %get3A_14] : memref<1x64xf32, #tpu.memory_space<vmem>>, vector<1x64xf32>
    %add3A_16 = vector.broadcast %get3A_15 : vector<1x64xf32> to vector<2504x64xf32>
    %add3A_17 = arith.addf %div3A, %add3A_16 : vector<2504x64xf32>
    %gt3A = arith.constant 0.000000e+00 : f32
    %gt3A_18 = vector.broadcast %gt3A : f32 to vector<2504x64xf32>
    %gt3A_19 = arith.cmpf ogt, %add3A_17, %gt3A_18 : vector<2504x64xf32>
    %min3A = arith.constant 0.000000e+00 : f32
    %min3A_20 = vector.broadcast %min3A : f32 to vector<2504x64xf32>
    %min3A_21 = arith.minimumf %add3A_17, %min3A_20 : vector<2504x64xf32>
    %exp3A = math.exp %min3A_21 : vector<2504x64xf32>
    %sub3A = arith.constant 1.000000e+00 : f32
    %sub3A_22 = vector.broadcast %sub3A : f32 to vector<2504x64xf32>
    %sub3A_23 = arith.subf %exp3A, %sub3A_22 : vector<2504x64xf32>
    %select_n3A = arith.select %gt3A_19, %add3A_17, %sub3A_23 : vector<2504x64xi1>, vector<2504x64xf32>
    %get3A_24 = arith.constant 0 : index
    %get3A_25 = arith.constant 0 : index
    %get3A_26 = vector.load %arg5[%get3A_24, %get3A_25] : memref<64x64xf32, #tpu.memory_space<vmem>>, vector<64x64xf32>
    %dot_general3A_27 = arith.constant dense<0.000000e+00> : vector<2504x64xf32>
    %dot_general3A_28 = tpu.matmul %select_n3A, %get3A_26, %dot_general3A_27 {dimension_numbers = #tpu.dot_dimension_numbers<[1], [0], [0], [1], [0, 0, 1, 1], [], []>, transpose_lhs_hint = false} : vector<2504x64xf32>, vector<64x64xf32>, vector<2504x64xf32> -> vector<2504x64xf32>
    %get3A_29 = arith.constant 0 : index
    %get3A_30 = arith.constant 0 : index
    %get3A_31 = vector.load %arg6[%get3A_29, %get3A_30] : memref<1x64xf32, #tpu.memory_space<vmem>>, vector<1x64xf32>
    %add3A_32 = vector.broadcast %get3A_31 : vector<1x64xf32> to vector<2504x64xf32>
    %add3A_33 = arith.addf %dot_general3A_28, %add3A_32 : vector<2504x64xf32>
    %convert_element_type3A = arith.truncf %add3A_33 : vector<2504x64xf32> to vector<2504x64xbf16>
    %swap3A = arith.constant 0 : index
    %swap3A_34 = arith.constant 0 : index
    %swap3A_35 = vector.load %arg8[%swap3A, %swap3A_34] : memref<2504x64xbf16, #tpu.memory_space<vmem>>, vector<2504x64xbf16>
    tpu.vector_store %arg8[%swap3A, %swap3A_34], %convert_element_type3A {strides = array<i32>} : memref<2504x64xbf16, #tpu.memory_space<vmem>>, vector<2504x64xbf16>,
    %get3A_36 = arith.constant 0 : index
    %get3A_37 = arith.constant 0 : index
    %get3A_38 = vector.load %arg7[%get3A_36, %get3A_37] : memref<64x16xf32, #tpu.memory_space<vmem>>, vector<64x16xf32>
    %dot_general3A_39 = arith.constant dense<0.000000e+00> : vector<2504x16xf32>
    %dot_general3A_40 = tpu.matmul %select_n3A, %get3A_38, %dot_general3A_39 {dimension_numbers = #tpu.dot_dimension_numbers<[1], [0], [0], [1], [0, 0, 1, 1], [], []>, transpose_lhs_hint = false} : vector<2504x64xf32>, vector<64x16xf32>, vector<2504x16xf32> -> vector<2504x16xf32>
    %swap3A_41 = arith.constant 0 : index
    %swap3A_42 = arith.constant 0 : index
    %swap3A_43 = vector.load %arg9[%swap3A_41, %swap3A_42] : memref<2504x16xf32, #tpu.memory_space<vmem>>, vector<2504x16xf32>
    tpu.vector_store %arg9[%swap3A_41, %swap3A_42], %dot_general3A_40 {strides = array<i32>} : memref<2504x16xf32, #tpu.memory_space<vmem>>, vector<2504x16xf32>,
    return
  }
  func.func @transform_0(%arg0: i32) -> (i32, i32) {
    %c0_i32 = arith.constant 0 : i32
    %c0_i32_0 = arith.constant 0 : i32
    return %arg0, %c0_i32 : i32, i32
  }
  func.func @transform_1(%arg0: i32) -> (i32, i32) {
    %c0_i32 = arith.constant 0 : i32
    %c0_i32_0 = arith.constant 0 : i32
    return %arg0, %c0_i32 : i32, i32
  }
  func.func @transform_2(%arg0: i32) -> (i32, i32) {
    %c0_i32 = arith.constant 0 : i32
    %c0_i32_0 = arith.constant 0 : i32
    %c0_i32_1 = arith.constant 0 : i32
    return %c0_i32, %c0_i32_0 : i32, i32
  }
  func.func @transform_3(%arg0: i32) -> (i32, i32) {
    %c0_i32 = arith.constant 0 : i32
    %c0_i32_0 = arith.constant 0 : i32
    %c0_i32_1 = arith.constant 0 : i32
    return %c0_i32, %c0_i32_0 : i32, i32
  }
  func.func @transform_4(%arg0: i32) -> (i32, i32) {
    %c0_i32 = arith.constant 0 : i32
    %c0_i32_0 = arith.constant 0 : i32
    %c0_i32_1 = arith.constant 0 : i32
    return %c0_i32, %c0_i32_0 : i32, i32
  }
  func.func @transform_5(%arg0: i32) -> (i32, i32) {
    %c0_i32 = arith.constant 0 : i32
    %c0_i32_0 = arith.constant 0 : i32
    %c0_i32_1 = arith.constant 0 : i32
    return %c0_i32, %c0_i32_0 : i32, i32
  }
  func.func @transform_6(%arg0: i32) -> (i32, i32) {
    %c0_i32 = arith.constant 0 : i32
    %c0_i32_0 = arith.constant 0 : i32
    %c0_i32_1 = arith.constant 0 : i32
    return %c0_i32, %c0_i32_0 : i32, i32
  }
  func.func @transform_7(%arg0: i32) -> (i32, i32) {
    %c0_i32 = arith.constant 0 : i32
    %c0_i32_0 = arith.constant 0 : i32
    return %arg0, %c0_i32 : i32, i32
  }
  func.func @transform_8(%arg0: i32) -> (i32, i32) {
    %c0_i32 = arith.constant 0 : i32
    %c0_i32_0 = arith.constant 0 : i32
    return %arg0, %c0_i32 : i32, i32
  }
}

module attributes {stable_mosaic.version = 14 : i64} {
  func.func @_k3_body(%arg0: i32, %arg1: memref<2504x48xf32, #tpu.memory_space<vmem>>, %arg2: memref<2504x48xf32, #tpu.memory_space<vmem>>, %arg3: memref<1x40xf32, #tpu.memory_space<vmem>>, %arg4: memref<2504x40xf32, #tpu.memory_space<vmem>>) attributes {dimension_semantics = [#tpu.dimension_semantics<arbitrary>], iteration_bounds = array<i64: 4>, scalar_prefetch = 0 : i64, scratch_operands = 0 : i64, tpu.core_type = #tpu.core_type<tc>, window_params = [{transform_indices = @transform_0, window_bounds = array<i64: 2504, 48>}, {transform_indices = @transform_1, window_bounds = array<i64: 2504, 48>}, {pipeline_mode = #tpu.pipeline_mode<synchronous>, transform_indices = @transform_2, window_bounds = array<i64: 1, 40>}, {transform_indices = @transform_3, window_bounds = array<i64: 2504, 40>}]} {
    %get3A = arith.constant 0 : index
    %get3A_0 = arith.constant 0 : index
    %get3A_1 = vector.load %arg1[%get3A, %get3A_0] : memref<2504x48xf32, #tpu.memory_space<vmem>>, vector<2504x48xf32>
    %get3A_2 = arith.constant 0 : index
    %get3A_3 = arith.constant 0 : index
    %get3A_4 = vector.load %arg2[%get3A_2, %get3A_3] : memref<2504x48xf32, #tpu.memory_space<vmem>>, vector<2504x48xf32>
    %add3A = arith.addf %get3A_1, %get3A_4 : vector<2504x48xf32>
    %slice3A = vector.extract_strided_slice %add3A {offsets = [0, 0], sizes = [2504, 40], strides = [1, 1]} : vector<2504x48xf32> to vector<2504x40xf32>
    %slice3A_5 = vector.extract_strided_slice %add3A {offsets = [0, 40], sizes = [2504, 1], strides = [1, 1]} : vector<2504x48xf32> to vector<2504x1xf32>
    %add3A_6 = arith.constant 1.000000e-16 : f32
    %add3A_7 = vector.broadcast %add3A_6 : f32 to vector<2504x1xf32>
    %add3A_8 = arith.addf %slice3A_5, %add3A_7 : vector<2504x1xf32>
    %div3A = vector.broadcast %add3A_8 : vector<2504x1xf32> to vector<2504x40xf32>
    %div3A_9 = arith.divf %slice3A, %div3A : vector<2504x40xf32>
    %get3A_10 = arith.constant 0 : index
    %get3A_11 = arith.constant 0 : index
    %get3A_12 = vector.load %arg3[%get3A_10, %get3A_11] : memref<1x40xf32, #tpu.memory_space<vmem>>, vector<1x40xf32>
    %add3A_13 = vector.broadcast %get3A_12 : vector<1x40xf32> to vector<2504x40xf32>
    %add3A_14 = arith.addf %div3A_9, %add3A_13 : vector<2504x40xf32>
    %reduce_max3A = arith.constant dense<0xFF800000> : vector<2504xf32>
    %reduce_max3A_15 = vector.multi_reduction <maximumf>, %add3A_14, %reduce_max3A [1] : vector<2504x40xf32> to vector<2504xf32>
    %broadcast_in_dim3A = vector.shape_cast %reduce_max3A_15 : vector<2504xf32> to vector<2504x1xf32>
    %sub3A = vector.broadcast %broadcast_in_dim3A : vector<2504x1xf32> to vector<2504x40xf32>
    %sub3A_16 = arith.subf %add3A_14, %sub3A : vector<2504x40xf32>
    %exp3A = math.exp %sub3A_16 : vector<2504x40xf32>
    %reduce_sum3A = arith.constant dense<0.000000e+00> : vector<2504xf32>
    %reduce_sum3A_17 = vector.multi_reduction <add>, %exp3A, %reduce_sum3A [1] : vector<2504x40xf32> to vector<2504xf32>
    %broadcast_in_dim3A_18 = vector.shape_cast %reduce_sum3A_17 : vector<2504xf32> to vector<2504x1xf32>
    %log3A = math.log %broadcast_in_dim3A_18 : vector<2504x1xf32>
    %sub3A_19 = vector.broadcast %broadcast_in_dim3A : vector<2504x1xf32> to vector<2504x40xf32>
    %sub3A_20 = arith.subf %add3A_14, %sub3A_19 : vector<2504x40xf32>
    %sub3A_21 = vector.broadcast %log3A : vector<2504x1xf32> to vector<2504x40xf32>
    %sub3A_22 = arith.subf %sub3A_20, %sub3A_21 : vector<2504x40xf32>
    %swap3A = arith.constant 0 : index
    %swap3A_23 = arith.constant 0 : index
    %swap3A_24 = vector.load %arg4[%swap3A, %swap3A_23] : memref<2504x40xf32, #tpu.memory_space<vmem>>, vector<2504x40xf32>
    tpu.vector_store %arg4[%swap3A, %swap3A_23], %sub3A_22 {strides = array<i32>} : memref<2504x40xf32, #tpu.memory_space<vmem>>, vector<2504x40xf32>,
    return
  }
  func.func @transform_0(%arg0: i32) -> (i32, i32) {
    %c0_i32 = arith.constant 0 : i32
    %c0_i32_0 = arith.constant 0 : i32
    return %arg0, %c0_i32 : i32, i32
  }
  func.func @transform_1(%arg0: i32) -> (i32, i32) {
    %c0_i32 = arith.constant 0 : i32
    %c0_i32_0 = arith.constant 0 : i32
    return %arg0, %c0_i32 : i32, i32
  }
  func.func @transform_2(%arg0: i32) -> (i32, i32) {
    %c0_i32 = arith.constant 0 : i32
    %c0_i32_0 = arith.constant 0 : i32
    %c0_i32_1 = arith.constant 0 : i32
    return %c0_i32, %c0_i32_0 : i32, i32
  }
  func.func @transform_3(%arg0: i32) -> (i32, i32) {
    %c0_i32 = arith.constant 0 : i32
    %c0_i32_0 = arith.constant 0 : i32
    return %arg0, %c0_i32 : i32, i32
  }
}

</mosaic_0001>

<sc_bundles>
// kernel: kernel.10.cloned.1.call-start
scs
__scs_entry_jumppad:
0x0: {  	(pc) =	sbr.rel $0x88, $3  }
0x1: {  	(tag) =	ssettag $0x0;
	lr =	simm.s32 $0x1  }
0x2: {  	[smem:$0x3F97] =	sst lr;
	_ =	strace $0xD0000000  }
0x3: {  	_ = 	snop  }
0x4: {  	_ = 	snop  }
0x5: {  	_ = 	snop  }
0x6: {  	_ = 	snop  }
0x7: {  	_ = 	snop  }
__scs_overlays_trampoline_lowered:
0x8: {  	[smem:$0x3FA6] =	sst s0  }
0x9: {  	[smem:$0x3FA7] =	sst s1  }
0xa: {  	[smem:$0x3FA8] =	sst s2  }
0xb: {  	[smem:$0x3FA9] =	sst s3  }
0xc: {  	[smem:$0x3FAA] =	sst s4  }
0xd: {  	[smem:$0x3FAB] =	sst s5  }
0xe: {  	[smem:$0x3FAC] =	sst s6  }
0xf: {  	[smem:$0x3FAD] =	sst s7  }
0x10: {  	[smem:$0x3FAE] =	sst s8  }
0x11: {  	[smem:$0x3FAF] =	sst s9;
	s0 =	simm.s32 @!p0 $0x0  }
0x12: {  	s1 =	sld [smem:$0x3F95];
	s0 =	simm.s32 @p0 $0x1  }
0x13: {  	[smem:$0x3FB0] =	sst s0;
	s0 =	simm.s32 @!p1 $0x0  }
0x14: {  	s2 =	sld [smem:$0x3F94];
	s0 =	simm.s32 @p1 $0x1  }
0x15: {  	[smem:$0x3FB1] =	sst s0;
	s0 =	simm.s32 @!p2 $0x0  }
0x16: {  	s3 =	sld [smem:$0x3FDB];
	s0 =	simm.s32 @p2 $0x1  }
0x17: {  	s4 =	simm.s32 $0x1BF5;
	[smem:$0x3FB3] =	sst s0  }
0x18: {  	s0 =	sld [smem:$0x3F96];
	_ =	swait.ge [sflag:s4], $0x0  }
0x19: {  	s7 =	sld [smem:$0x3F97]  }
0x1a: {  	s8 =	sadd.s32 $0xFFFFE003, lr  }
0x1b: {  	s9 =	sadd.s32 $0xFFFFFEF7, lr;
	s5 =	simm.s32 $0xFFFFFFFF;
	p2 =	slt.u32 s8, $0xFFFFF086  }
0x1c: {  	p1 =	slt.u32 s9, $0xF7A;
	s5 =	simm.s32 @!p2 $0x0  }
0x1d: {  	s5 =	simm.s32 @p1 $0x1;
	p0 =	seq.s32 s7, s2  }
0x1e: {  	s7 =	smul.u32 @!p0 $0xF7A, s2;
	p2 =	seq.s32 @!p0 s5, $0x0  }
0x1f: {  	s9 =	smul.u32 $0xF7A, s1;
	s8 =	simm.s32 @!p0 $0x1BF5;
	p2 =	por !p2, p0  }
0x20: {  	[sflag:s8] =	ssyncset.s32 @!p0 $0xFFFFF086;
	s6 =	sadd.s32 @!p0 s3, s7;
	s7 =	simm.s32 @!p0 $0x108  }
0x21: {  	s3 =	sadd.s32 s3, s9;
	s6 =	sadd.s32 @!p0 $0x88, s6;
	s7 =	simm.s32 @p2 $0x1082  }
0x22: {  	[simem:s7], [sflag:s8] =	dma.local @!p0 [hbm:s6], $0xF7A  }
0x23: {  	s9 =	sor.u32 $0xD0000000, s2;
	s6 =	simm.s32 $0x108;
	_ =	swait.ge @!p0 [sflag:s8], $0x0  }
0x24: {  	s3 =	sadd.s32 $0x88, s3;
	s6 =	simm.s32 @!p1 $0x1082;
	[sflag:s4] =	ssyncset.s32 $0xFFFFF086  }
0x25: {  	[simem:s6], [sflag:s4] =	dma.local [hbm:s3], $0xF7A  }
0x26: {  	[smem:$0x3F97] =	sst s1;
	(tag) =	ssettag s2;
	_ =	strace s9  }
0x27: {  	s1 =	sld [smem:$0x3FA7]  }
0x28: {  	s2 =	sld [smem:$0x3FA8]  }
0x29: {  	s4 =	sld [smem:$0x3FAA]  }
0x2a: {  	p0 =	seq.s32 s5, $0x0;
	s5 =	sld [smem:$0x3FAB]  }
0x2b: {  	s6 =	sld [smem:$0x3FAC]  }
0x2c: {  	s7 =	sld [smem:$0x3FAD]  }
0x2d: {  	s3 =	simm.s32 $0x108;
	s8 =	sld [smem:$0x3FAE]  }
0x2e: {  	s3 =	simm.s32 @!p0 $0x1082;
	s9 =	sld [smem:$0x3FAF]  }
0x2f: {  	lr =	sadd.s32 s0, s3;
	s0 =	sld [smem:$0x3FA6]  }
0x30: {  	s3 =	sld [smem:$0x3FA9]  }
0x31: {  	[smem:$0x3FB2] =	sst s10  }
0x32: {  	s10 =	sld [smem:$0x3FB0];
	_ =	sdelay $0x3  }
0x33: {  	p0 =	seq.s32 s10, $0x1;
	s10 =	sld [smem:$0x3FB2];
	_ =	sdelay $0x3  }
0x34: {  	[smem:$0x3FB2] =	sst s10  }
0x35: {  	s10 =	sld [smem:$0x3FB1];
	_ =	sdelay $0x3  }
0x36: {  	p1 =	seq.s32 s10, $0x1;
	s10 =	sld [smem:$0x3FB2];
	_ =	sdelay $0x3  }
0x37: {  	[smem:$0x3FB2] =	sst s10  }
0x38: {  	s10 =	sld [smem:$0x3FB3]  }
0x39: {  	_ = 	snop;
	(pc) =	sbr.ind lr, $3  }
0x3a: {  	_ = 	snop  }
0x3b: {  	_ = 	snop  }
0x3c: {  	p2 =	seq.s32 s10, $0x1;
	s10 =	sld [smem:$0x3FB2]  }
0x3d: {  	_ =	shalt  }
0x3e: {  	_ =	shalt  }
0x3f: {  	_ =	shalt  }
0x40: {  	_ =	shalt  }
0x41: {  	_ =	shalt  }
0x42: {  	_ =	shalt  }
0x43: {  	_ =	shalt  }
0x44: {  	_ =	shalt  }
0x45: {  	_ =	shalt  }
0x46: {  	_ =	shalt  }
0x47: {  	_ =	shalt  }
0x48: {  	_ =	shalt  }
0x49: {  	_ =	shalt  }
0x4a: {  	_ =	shalt  }
0x4b: {  	_ =	shalt  }
0x4c: {  	_ =	shalt  }
0x4d: {  	_ =	shalt  }
0x4e: {  	_ =	shalt  }
0x4f: {  	_ =	shalt  }
0x50: {  	_ =	shalt  }
0x51: {  	_ =	shalt  }
0x52: {  	_ =	shalt  }
0x53: {  	_ =	shalt  }
0x54: {  	_ =	shalt  }
0x55: {  	_ =	shalt  }
0x56: {  	_ =	shalt  }
0x57: {  	_ =	shalt  }
0x58: {  	_ =	shalt  }
0x59: {  	_ =	shalt  }
0x5a: {  	_ =	shalt  }
0x5b: {  	_ =	shalt  }
0x5c: {  	_ =	shalt  }
0x5d: {  	_ =	shalt  }
0x5e: {  	_ =	shalt  }
0x5f: {  	_ =	shalt  }
0x60: {  	_ =	shalt  }
0x61: {  	_ =	shalt  }
0x62: {  	_ =	shalt  }
0x63: {  	_ =	shalt  }
0x64: {  	_ =	shalt  }
0x65: {  	_ =	shalt  }
0x66: {  	_ =	shalt  }
0x67: {  	_ =	shalt  }
0x68: {  	_ =	shalt  }
0x69: {  	_ =	shalt  }
0x6a: {  	_ =	shalt  }
0x6b: {  	_ =	shalt  }
0x6c: {  	_ =	shalt  }
0x6d: {  	_ =	shalt  }
0x6e: {  	_ =	shalt  }
0x6f: {  	_ =	shalt  }
0x70: {  	_ =	shalt  }
0x71: {  	_ =	shalt  }
0x72: {  	_ =	shalt  }
0x73: {  	_ =	shalt  }
0x74: {  	_ =	shalt  }
0x75: {  	_ =	shalt  }
0x76: {  	_ =	shalt  }
0x77: {  	_ =	shalt  }
0x78: {  	_ =	shalt  }
0x79: {  	_ =	shalt  }
0x7a: {  	_ =	shalt  }
0x7b: {  	_ =	shalt  }
0x7c: {  	_ =	shalt  }
0x7d: {  	_ =	shalt  }
0x7e: {  	_ =	shalt  }
0x7f: {  	_ =	shalt  }
0x80: {  	_ =	shalt  }
0x81: {  	_ =	shalt  }
0x82: {  	_ =	shalt  }
0x83: {  	_ =	shalt  }
0x84: {  	_ =	shalt  }
0x85: {  	_ =	shalt  }
0x86: {  	_ =	shalt  }
0x87: {  	_ =	shalt  }
.Lfunc_end0:
.L_simem_size_0:
called_computation.1_lowered:
.L_overlay_start_0:
0x88: {  	s2 =	sld [smem:$0x3FD9]  }
0x89: {  	s3 =	sld [smem:$0x3FFE];
	_ =	sdelay $0x1  }
0x8a: {  	s1 =	srdreg.scid  }
0x8b: {  	s0 =	sand.u32 $0x1, s1  }
0x8c: {  	s17 =	sshll.u32 s0, $0xA;
	s2 =	sadd.s32 s3, s2  }
0x8d: {  	s2 =	sadd.s32 s2, s17  }
0x8e: {  	[smem:$0x3FBE] =	sst s2  }
0x8f: {  	_ = 	snop  }
0x90: {  	s2 =	sld [smem:$0x3FD0];
	(tm) =	ssettm $0x1  }
0x91: {  	s18 =	sld [smem:$0x3FFB];
	_ =	sdelay $0x3  }
0x92: {  	_ =	strace s18  }
0x93: {  	s3 =	sld [smem:$0x3FFC];
	_ =	sdelay $0x3  }
0x94: {  	_ =	strace s3  }
0x95: {  	s3 =	sld [smem:$0x3FFD];
	_ =	sdelay $0x3  }
0x96: {  	_ =	strace s3  }
0x97: {  	_ =	strace $0x8FFFFFFF  }
0x98: {  	s19 =	sld [smem:$0x3FDB];
	_ =	sdelay $0x1  }
0x99: {  	s4 =	simm.s32 $_scs_section_size  }
0x9a: {  	s5 =	simm.s32 $_size__tile_overlayer_lowered;
	s6 =	simm.s32 $_tile_overlayer_lowered  }
0x9b: {  	s22 =	simm.s32 $0x1BFF;
	s21 =	sshll.u32 s6, $0x1;
	s3 =	sadd.s32 s4, s19  }
0x9c: {  	s7 =	simm.s32 $0x0;
	s20 =	sshll.u32 s5, $0x1;
	s5 =	sadd.s32 s21, s3  }
0x9d: {  	[timem:s7], [sflag:s22] =	dma.local [hbm:s5], s20  }
0x9e: {  	_ =	swait.ge [sflag:s22], s20  }
0x9f: {  	s4 =	ssub.s32 $0x0, s20;
	[sflag:s22] =	ssyncset.done $0x0  }
0xa0: {  	[sflag:s22] =	ssyncadd.s32 s4;
	_ =	sdelay $0x1  }
0xa1: {  	s23 =	simm.s32 $0x1B8B  }
0xa2: {  	_ =	swait.ge [sflag:s23], $0x1  }
0xa3: {  	[sflag:s23] =	ssyncset.done $0x0  }
0xa4: {  	s25 =	simm.s32 $0x1B8E;
	s24 =	sld [smem:$0x3FFE];
	[sflag:s23] =	ssyncadd.s32 $0xFFFFFFFF  }
0xa5: {  	s26 =	simm.s32 $execute0_lowered;
	[smem:$0x3FD2] =	sst s25  }
0xa6: {  	s5 =	sshll.u32 s26, $0x1;
	_ =	strace $0x80000049;
	[dreg:$0x1] =	wrdreg $0xFFFFFFFF  }
0xa7: {  	s28 =	simm.s32 $_size_execute0_lowered;
	s3 =	sadd.s32 s3, s5;
	[dreg:$0x0] =	wrdreg $0x0  }
0xa8: {  	s5 =	sshll.u32 s28, $0x1;
	[dreg:$0x2] =	wrdreg s3  }
0xa9: {  	[dreg:$0x3] =	wrdreg s5  }
0xaa: {  	[dreg:$0x4] =	wrdreg $0xC0  }
0xab: {  	_ =	task [dreg:s7], $0x5FFFF  }
0xac: {  	[dreg:$0x1] =	wrdreg $0xFFFFFFFF  }
0xad: {  	[dreg:$0x0] =	wrdreg $0x60  }
0xae: {  	[dreg:$0x2] =	wrdreg s2  }
0xaf: {  	[dreg:$0x3] =	wrdreg s24  }
0xb0: {  	[dreg:$0x4] =	wrdreg $0x0  }
0xb1: {  	[dreg:$0x5] =	wrdreg $0x75600  }
0xb2: {  	[dreg:$0x6] =	wrdreg $0x9  }
0xb3: {  	_ =	task.clear_ibuf [dreg:s7], $0x7FFFF;
	_ =	strace $0x90000049  }
0xb4: {  	s29 =	simm.s32 $0x9;
	_ =	strace $0x8000004B  }
0xb5: {  	_ =	swait.ge [sflag:s29], $0x1  }
0xb6: {  	[sflag:s29] =	ssyncadd.s32 $0xFFFFFFFF  }
0xb7: {  	_ =	strace $0x9000004B  }
0xb8: {  	_ =	sfence  }
0xb9: {  	s30 =	sld [smem:$0x0];
	_ =	sdelay $0x2  }
0xba: {  	s31 =	sshll.u32 s1, $0xD;
	s1 =	sshrl.u32 s1, $0x2  }
0xbb: {  	s3 =	sand.u32 $0x4000, s31;
	s1 =	sadd.s32 s1, s30  }
0xbc: {  	s0 =	sor.u32 s3, s0;
	s1 =	sshll.u32 s1, $0x11  }
0xbd: {  	s0 =	sor.u32 s1, s0  }
0xbe: {  	s0 =	sadd.s32 $0x8F2B, s0  }
0xbf: {  	[sflag:s0] =	ssyncadd.remote.s32 $0x1  }
0xc0: {  	_ =	sfence.sel $0xFFFF  }
0xc1: {  	[dreg:$0x0] =	wrdreg $0xFFFFFFFF;
	(pc) =	sbr.abs _section_cstart, $3  }
0xc2: {  	[dreg:$0x1] =	wrdreg $0xFFFFFFFF  }
0xc3: {  	_ =	task.clear_ibuf [dreg:s7], $0x2FFFF;
	_ =	strace $0x9FFFFFFF  }
0xc4: {  	(tm) =	ssettm $0x7FFFFFFF  }
0xc5: {  	_ =	shalt  }
tec
execute0_lowered:
.L_overlay_start_1:
0x0: {  	(tag) =	ssettag $0x1  }
0x1: {  	s0 =	rddreg [dreg:$0x0]  }
0x2: {  	s1 =	rddreg [dreg:$0x1]  }
0x3: {  	s2 =	rddreg [dreg:$0x2]  }
0x4: {  	s3 =	rddreg [dreg:$0x3];
	s4 =	srdreg.scid  }
0x5: {  	s11 =	stileid.u32;
	s6 =	simm.s32 $0x0;
	s14 =	simm.s32 $0x7  }
0x6: {  	s18 =	simm.s32 $0x80;
	s28 =	simm.s32 $0x11BA0;
	s29 =	simm.s32 $0x2  }
0x7: {  	s30 =	simm.s32 $0x4;
	s31 =	simm.s32 $0x133A0;
	s19 =	simm.s32 $0x0  }
0x8: {  	s4 =	sand.u32 $0x1, s4;
	s5 =	sshll.u32 s11, $0x1;
	s8 =	smul.u32 $0x7560, s11  }
0x9: {  	[smem:$0x7FF] =	sst s6;
	s10 =	smul.u32 $0x9C80, s11;
	s12 =	sadd.s32 $0x6A00, s1  }
0xa: {  	s23 =	sshll.u32 s11, $0x6;
	s5 =	sor.u32 s4, s5;
	_ =	strace $0x8000004A  }
0xb: {  	s7 =	ssub.s32 $0x2, s4;
	[dreg:$0x5] =	wrdreg s12;
	p0 =	seq.s32 s4, $0x1  }
0xc: {  	s4 =	simm.s32 $0x1A600;
	s22 =	smul.u32 $0x280, s5;
	s5 =	sadd.s32 $0x1A00, s1  }
0xd: {  	s9 =	sshrl.u32 s7, $0x1;
	s13 =	sadd.s32 s8, s2;
	s24 =	sshrl.u32 s10, $0x1  }
0xe: {  	s10 =	sshrl.u32 s10, $0x4;
	s4 =	simm.s32 @!p0 $0x29200;
	s26 =	sshrl.u32 s8, $0x3  }
0xf: {  	s9 =	ssub.s32 s7, s9;
	s7 =	sor.u32 $0x1C07, s23;
	s15 =	sadd.s32 s24, s3  }
0x10: {  	s0 =	sadd.s32 s0, s10;
	s13 =	sshrl.u32 s13, $0x3;
	s24 =	simm.s32 $0x113A0  }
.Ltmp0:
0x11: {  	s6 =	sadd.s32 s22, s1;
	[dreg:$0x6] =	wrdreg s0;
	(pc) =	sbr.rel .LBB2_1-.Ltmp0, $4  }
0x12: {  	s1 =	sadd.s32 s4, s1;
	s11 =	smax.u32 s9, $0x1;
	s15 =	sshrl.u32 s15, $0x3  }
0x13: {  	s22 =	simm.s32 $0xFBA0;
	s0 =	simm.s32 $0x5;
	s25 =	sadd.s32 $0x15600, s6  }
0x14: {  	s10 =	sadd.s32 $0x10600, s6;
	s12 =	sadd.s32 s1, s26;
	s26 =	simm.s32 $0x3  }
0x15: {  	v0 =	vimm.s32 $0x9;
	s1 =	simm.s32 $0x6;
	[dreg:$0x7] =	wrdreg s25;
	s25 =	simm.s32 $0x1  }
.LBB2_8:
0x16: {  	_ =	swait.ge [sflag:s0], $0x1800  }
0x17: {  	[sflag:s0] =	ssyncset.done $0x0  }
0x18: {  	[sflag:s0] =	ssyncadd.s32 $0xFFFFE800  }
0x19: {  	_ =	swait.ge [sflag:s1], $0x1800  }
0x1a: {  	s19 =	sadd.s32 $0x1, s19;
	[sflag:s1] =	ssyncset.done $0x0  }
0x1b: {  	p0 =	sne.s32 s19, s11;
	[sflag:s1] =	ssyncadd.s32 $0xFFFFE800  }
.Ltmp1:
0x1c: {  	[bflag:$0x0] =	sbarrier.arrive $0xFFFF;
	(pc) =	sbr.rel @!p0 .LBB2_9-.Ltmp1, $4  }
0x1d: {  	[hbm:s12], [sflag:s7] =	dma.local [spmem:s13], $0xEAC  }
0x1e: {  	_ =	swait.ge [sflag:s14], $0xEAC  }
0x1f: {  	[sflag:s14] =	ssyncset.done $0x0  }
0x20: {  	[sflag:s14] =	ssyncadd.s32 $0xFFFFF154  }
.LBB2_1:
0x21: {  	s4 =	rddreg [dreg:$0x5]  }
0x22: {  	[spmem:s13], [sflag:s7] =	dma.local [hbm:s4], $0xEAC  }
0x23: {  	_ =	swait.ge [sflag:s14], $0xEAC  }
0x24: {  	[sflag:s14] =	ssyncset.done $0x0  }
0x25: {  	s8 =	rddreg [dreg:$0x6];
	[sflag:s14] =	ssyncadd.s32 $0xFFFFF154  }
0x26: {  	[spmem:s15], [sflag:s7] =	dma.local [hbm:s8], $0x9C8  }
0x27: {  	_ =	swait.ge [sflag:s14], $0x9C8  }
0x28: {  	s9 =	simm.s32 $0x0;
	[sflag:s14] =	ssyncset.done $0x0  }
0x29: {  	s8 =	simm.s32 $0xC3A0;
	s6 =	rddreg [dreg:$0x7];
	[sflag:s14] =	ssyncadd.s32 $0xFFFFF638  }
0x2a: {  	[tilespmem:s8], [sflag:$0x7] =	stream.linear.gather [hbm4b:s6+s9], $0x1400, $0x38;
	[tilespmem:$0x14BA0] =	vst v63  }
0x2b: {  	_ =	swait.ge [sflag:s14], $0x1400  }
0x2c: {  	[sflag:s14] =	ssyncset.done $0x0  }
0x2d: {  	s16 =	simm.s32 $0xD7A0;
	[sflag:s14] =	ssyncadd.s32 $0xFFFFEC00  }
0x2e: {  	[tilespmem:s16], [sflag:$0x7] =	stream.linear.gather [hbm4b:s10+s9], $0x1400, $0x38;
	[tilespmem:$0x14BA0] =	vst v63  }
0x2f: {  	_ =	swait.ge [sflag:s14], $0x1400  }
0x30: {  	[sflag:s14] =	ssyncset.done $0x0  }
0x31: {  	[sflag:s14] =	ssyncadd.s32 $0xFFFFEC00  }
0x32: {  	s17 =	simm.s32 $0xEBA0;
	[bflag:$0x0] =	sbarrier.arrive $0xFFFF  }
0x33: {  	[tilespmem:s17], [sflag:$0x1] =	stream.indirect.gather [spmem:s3], $0x20, s8, s18, $0xb8;
	[tilespmem:$0x14BA0] =	vst v63  }
0x34: {  	s20 =	simm.s32 $0x10BA0  }
0x35: {  	[tilespmem:s20], [sflag:$0x3] =	stream.indirect.gather [hbm4b:s5+s18], $0x10, s16, s18, $0xb8;
	[tilespmem:$0x14BA0] =	vst v63  }
0x36: {  	s21 =	simm.s32 $0xC420  }
0x37: {  	[tilespmem:s22], [sflag:$0x2] =	stream.indirect.gather [spmem:s3], $0x20, s21, s18, $0xb8;
	[tilespmem:$0x14BA0] =	vst v63  }
0x38: {  	s23 =	simm.s32 $0xD820;
	s20 =	simm.s32 $0x0  }
0x39: {  	[tilespmem:s24], [sflag:$0x4] =	stream.indirect.gather [hbm4b:s5+s18], $0x10, s23, s18, $0xb8;
	[tilespmem:$0x14BA0] =	vst v63  }
.LBB2_2:
0x3a: {  	_ =	swait.ge [sflag:s25], $0x1000  }
0x3b: {  	[sflag:s25] =	ssyncset.done $0x0  }
0x3c: {  	[sflag:s25] =	ssyncadd.s32 $0xFFFFF000  }
0x3d: {  	_ =	swait.ge [sflag:s26], $0x800  }
0x3e: {  	p0 =	seq.s32 s20, $0x0;
	[sflag:s26] =	ssyncset.done $0x0  }
0x3f: {  	s4 =	simm.s32 @!p0 $0x5;
	[sflag:s26] =	ssyncadd.s32 $0xFFFFF800  }
0x40: {  	_ =	swait.ge @!p0 [sflag:s4], $0x1800  }
0x41: {  	[sflag:s4] =	ssyncset.done @!p0 $0x0  }
0x42: {  	s21 =	simm.s32 $0xEBE0;
	[sflag:s4] =	ssyncadd.s32 @!p0 $0xFFFFE800  }
0x43: {  	v1 =	vld [tilespmem:s21+$0x30]  }
0x44: {  	s6 =	simm.s32 $0x10BC0  }
0x45: {  	v2 =	vld [tilespmem:s6+$0x10]  }
0x46: {  	v3 =	vld [tilespmem:s21+$0xFFFFFFD0]  }
0x47: {  	v4 =	vld [tilespmem:s21+$0xFFFFFFF0]  }
0x48: {  	v5 =	vld [tilespmem:s6+$0xFFFFFFE0];
	v6 =	vunpack.c.l.bf16.f32 v1  }
0x49: {  	v1 =	vld [tilespmem:s21+$0x10]  }
0x4a: {  	v7 =	vld [tilespmem:s6+$0xFFFFFFF0];
	v2 =	vadd.f32 v2, v6;
	_ =	sdelay $0x1  }
0x4b: {  	v12 =	vunpack.c.l.bf16.f32 v3;
	v3 =	vld [tilespmem:s6+$0x0];
	v8 =	vmul.f32 $2.000000030e-01, v2  }
0x4c: {  	v4 =	vunpack.c.l.bf16.f32 v4  }
0x4d: {  	v5 =	vadd.f32 v5, v12;
	v17 =	vunpack.c.l.bf16.f32 v1;
	v1 =	vmax.f32 v2, v8  }
0x4e: {  	s8 =	simm.s32 $0xEC60;
	v9 =	vld [tilespmem:s21+$0x0];
	v2 =	vadd.f32 v7, v4;
	v1 =	vmul.f32 $1.442695020e+00, v1  }
0x4f: {  	s23 =	simm.s32 $0x10C00;
	v11 =	vld [tilespmem:s8+$0xFFFFFFD0];
	v7 =	vmul.f32 $2.000000030e-01, v5  }
0x50: {  	v13 =	vld [tilespmem:s23+$0xFFFFFFE0];
	v3 =	vadd.f32 v3, v17;
	v10 =	vmul.f32 $2.000000030e-01, v2;
	(erf) = vpow2.f32 v1  }
0x51: {  	v8 =	vld [tilespmem:s21+$0xFFFFFFE0];
	v5 =	vmax.f32 v5, v7  }
0x52: {  	v5 =	vmul.f32 $1.442695020e+00, v5;
	v7 =	vmul.f32 $2.000000030e-01, v3;
	v2 =	vmax.f32 v2, v10;
	v10 =	vld [tilespmem:s8+$0x30]  }
0x53: {  	v1 =	vld [tilespmem:s21+$0xFFFFFFC0];
	v2 =	vmul.f32 $1.442695020e+00, v2  }
0x54: {  	(erf) = vpow2.f32 v5;
	v3 =	vmax.f32 v3, v7;
	v5 =	vld [tilespmem:s23+$0x10]  }
0x55: {  	v3 =	vmul.f32 $1.442695020e+00, v3;
	(erf) = vpow2.f32 v2;
	v2 =	vld [tilespmem:s8+$0xFFFFFFF0]  }
0x56: {  	v7 =	vld [tilespmem:s8+$0x10]  }
0x57: {  	v21 =	vunpack.c.u.bf16.f32 v9;
	(erf) = vpow2.f32 v3;
	v18 =	vunpack.c.l.bf16.f32 v10;
	v10 =	vld [tilespmem:s23+$0xFFFFFFF0]  }
0x58: {  	v15 =	vunpack.c.u.bf16.f32 v8;
	v20 =	vunpack.c.l.bf16.f32 v8;
	v14 =	vunpack.c.u.bf16.f32 v1  }
0x59: {  	v8 =	vld [tilespmem:s23+$0x0];
	v19 =	vunpack.c.l.bf16.f32 v1;
	v3 =	vunpack.c.l.bf16.f32 v11;
	v5 =	vadd.f32 v5, v18;
	v1 =	vpop (erf)  }
0x5a: {  	v22 =	vld [tilespmem:s8+$0xFFFFFFE0];
	v23 =	vunpack.c.l.bf16.f32 v9;
	v2 =	vunpack.c.l.bf16.f32 v2;
	v24 =	vperm.xlane v1, v0  }
0x5b: {  	v9 =	vmul.f32 $2.000000030e-01, v5;
	v1 =	vunpack.c.l.bf16.f32 v7;
	v7 =	vadd.f32 v13, v3  }
0x5c: {  	v10 =	vadd.f32 v10, v2  }
0x5d: {  	v11 =	vld [tilespmem:s8+$0xFFFFFFC0];
	v13 =	vmul.f32 v24, v6;
	v6 =	vpop (erf);
	v5 =	vmax.f32 v5, v9;
	v9 =	vmul.f32 $2.000000030e-01, v7  }
0x5e: {  	v27 =	vld [tilespmem:s8+$0x0];
	v26 =	vadd.f32 v8, v1;
	v25 =	vperm.xlane v6, v0;
	v6 =	vpop (erf);
	v5 =	vmul.f32 $1.442695020e+00, v5  }
0x5f: {  	v16 =	vunpack.c.u.bf16.f32 v22;
	s23 =	simm.s32 $0xECE0;
	v8 =	vmul.f32 $2.000000030e-01, v10;
	v28 =	vperm.xlane v6, v0  }
0x60: {  	v31 =	vld [tilespmem:s23+$0x30];
	v6 =	vpop (erf);
	v7 =	vmax.f32 v7, v9;
	v9 =	vmul.f32 $2.000000030e-01, v26;
	(erf) = vpow2.f32 v5  }
0x61: {  	s4 =	simm.s32 $0x10C40;
	v29 =	vld [tilespmem:s21+$0x20];
	v5 =	vmul.f32 $1.442695020e+00, v7;
	v7 =	vmax.f32 v10, v8;
	v30 =	vperm.xlane v6, v0  }
0x62: {  	v33 =	vld [tilespmem:s4+$0x10];
	v8 =	vunpack.c.u.bf16.f32 v11;
	v11 =	vunpack.c.l.bf16.f32 v11;
	v19 =	vmul.f32 v25, v19  }
0x63: {  	v34 =	vld [tilespmem:s4+$0xFFFFFFE0];
	v10 =	vunpack.c.l.bf16.f32 v27;
	v62 =	vmul.f32 v25, v14;
	v7 =	vmul.f32 $1.442695020e+00, v7  }
0x64: {  	v12 =	vmul.f32 v25, v12;
	v6 =	vmax.f32 v26, v9;
	v26 =	vld [tilespmem:s23+$0xFFFFFFD0];
	(erf) = vpow2.f32 v5  }
0x65: {  	v14 =	vunpack.c.l.bf16.f32 v31;
	v32 =	vmul.f32 $1.442695020e+00, v6;
	(erf) = vpow2.f32 v7;
	v7 =	vld [tilespmem:s23+$0xFFFFFFF0]  }
0x66: {  	s16 =	simm.s32 $0x11C00;
	v9 =	vunpack.c.l.bf16.f32 v22;
	v22 =	vunpack.c.u.bf16.f32 v29;
	v6 =	vunpack.c.u.bf16.f32 v27;
	v27 =	vld [tilespmem:s23+$0x10]  }
0x67: {  	[tilespmem:s16+$0x50] =	vst v13;
	v29 =	vunpack.c.l.bf16.f32 v29;
	v20 =	vmul.f32 v28, v20;
	(erf) = vpow2.f32 v32  }
0x68: {  	v25 =	vld [tilespmem:s4+$0xFFFFFFF0];
	[tilespmem:s16+$0xFFFFFFA0] =	vst v19;
	v19 =	vmul.f32 v28, v15;
	v31 =	vadd.f32 v33, v14;
	v63 =	vmul.f32 v30, v23  }
0x69: {  	[tilespmem:s16+$0xFFFFFFB0] =	vst v62;
	v21 =	vmul.f32 v30, v21;
	v5 =	vunpack.c.l.bf16.f32 v26;
	v26 =	vmul.f32 v28, v4;
	v28 =	vld [tilespmem:s4+$0x0]  }
0x6a: {  	v15 =	vld [tilespmem:s23+$0xFFFFFFE0];
	[tilespmem:s16+$0xFFFFFFC0] =	vst v12;
	v30 =	vmul.f32 v30, v17;
	v12 =	vmul.f32 $2.000000030e-01, v31;
	v7 =	vunpack.c.l.bf16.f32 v7;
	v4 =	vpop (erf)  }
0x6b: {  	[tilespmem:s16+$0xFFFFFFD0] =	vst v20;
	v13 =	vperm.xlane v4, v0;
	v4 =	vunpack.c.l.bf16.f32 v27;
	v27 =	vadd.f32 v34, v5  }
0x6c: {  	v23 =	vmul.f32 v24, v29;
	v24 =	vmul.f32 v24, v22;
	[tilespmem:s16+$0x10] =	vst v21;
	v12 =	vmax.f32 v31, v12  }
0x6d: {  	v21 =	vld [tilespmem:s23+$0xFFFFFFC0];
	[tilespmem:s16+$0xFFFFFFF0] =	vst v26;
	v22 =	vadd.f32 v25, v7;
	v17 =	vmul.f32 v13, v18;
	v18 =	vpop (erf);
	v26 =	vmul.f32 $2.000000030e-01, v27  }
0x6e: {  	s6 =	simm.s32 $0x11CC0;
	[tilespmem:s16+$0xFFFFFFE0] =	vst v19;
	v25 =	vadd.f32 v28, v4;
	v28 =	vmul.f32 $1.442695020e+00, v12;
	v19 =	vperm.xlane v18, v0;
	v18 =	vld [tilespmem:s8+$0x20];
	v20 =	vpop (erf)  }
0x6f: {  	v12 =	vunpack.c.u.bf16.f32 v15;
	v29 =	vmul.f32 $2.000000030e-01, v22;
	[tilespmem:s6+$0x50] =	vst v17;
	v20 =	vperm.xlane v20, v0;
	v17 =	vld [tilespmem:s23+$0x0]  }
0x70: {  	[tilespmem:s16+$0x0] =	vst v63;
	v31 =	vpop (erf);
	v27 =	vmax.f32 v27, v26;
	v26 =	vmul.f32 $2.000000030e-01, v25;
	(erf) = vpow2.f32 v28  }
0x71: {  	s17 =	simm.s32 $0x8;
	s21 =	sshll.u32 s20, $0x8;
	[tilespmem:s16+$0x20] =	vst v30;
	s8 =	simm.s32 $0xED60;
	v28 =	vmax.f32 v22, v29;
	v27 =	vmul.f32 $1.442695020e+00, v27;
	v22 =	vperm.xlane v31, v0  }
.LBB2_3:
0x72: {  	v29 =	vld [tilespmem:s8+$0x30];
	s17 =	sadd.s32 $0x4, s17;
	v30 =	vunpack.c.u.bf16.f32 v21;
	v28 =	vmul.f32 $1.442695020e+00, v28;
	v25 =	vmax.f32 v25, v26;
	[tilespmem:s16+$0x30] =	vst v23  }
0x73: {  	v21 =	vunpack.c.l.bf16.f32 v21;
	s4 =	sadd.s32 $0x40, s4;
	v23 =	vld [tilespmem:s8+$0xFFFFFFD0];
	p1 =	slt.u32 s17, $0x7C;
	v25 =	vmul.f32 $1.442695020e+00, v25;
	(erf) = vpow2.f32 v27;
	[tilespmem:s16+$0x40] =	vst v24;
	s16 =	smov.u32 s6  }
0x74: {  	v15 =	vunpack.c.l.bf16.f32 v15;
	v26 =	vunpack.c.u.bf16.f32 v17;
	v24 =	vld [tilespmem:s4+$0x10];
	(erf) = vpow2.f32 v28  }
0x75: {  	v28 =	vunpack.c.l.bf16.f32 v17;
	v27 =	vld [tilespmem:s8+$0xFFFFFFF0];
	(erf) = vpow2.f32 v25;
	v25 =	vunpack.c.u.bf16.f32 v18  }
0x76: {  	v36 =	vmul.f32 v19, v11;
	v32 =	vmul.f32 v19, v8;
	v8 =	vmovc v30;
	v11 =	vmovc v21;
	v18 =	vunpack.c.l.bf16.f32 v18;
	v31 =	vld [tilespmem:s8+$0x10]  }
0x77: {  	v19 =	vmul.f32 v19, v3;
	v3 =	vmovc v5;
	v21 =	vmul.f32 v20, v9;
	v9 =	vmovc v15;
	v30 =	vld [tilespmem:s4+$0xFFFFFFE0];
	v29 =	vunpack.c.l.bf16.f32 v29  }
0x78: {  	v16 =	vmul.f32 v20, v16;
	v20 =	vmul.f32 v20, v2;
	v2 =	vmovc v7;
	v5 =	vunpack.c.l.bf16.f32 v23;
	v33 =	vld [tilespmem:s4+$0xFFFFFFF0];
	[tilespmem:s6+$0xFFFFFFA0] =	vst v36  }
0x79: {  	v36 =	vmul.f32 v22, v6;
	v34 =	vld [tilespmem:s4+$0x0];
	v35 =	vadd.f32 v24, v29;
	v17 =	vpop (erf);
	[tilespmem:s6+$0xFFFFFFB0] =	vst v32;
	v32 =	vmul.f32 v22, v10  }
0x7a: {  	v37 =	vmul.f32 v22, v1;
	v6 =	vmovc v26;
	v15 =	vld [tilespmem:s8+$0xFFFFFFE0];
	v7 =	vunpack.c.l.bf16.f32 v27;
	v27 =	vperm.xlane v17, v0;
	[tilespmem:s6+$0xFFFFFFC0] =	vst v19  }
0x7b: {  	v1 =	vmovc v4;
	v23 =	vmul.f32 v13, v18;
	v10 =	vmovc v28;
	v17 =	vld [tilespmem:s8+$0x0];
	v19 =	vmul.f32 $2.000000030e-01, v35;
	[tilespmem:s6+$0xFFFFFFD0] =	vst v21;
	v4 =	vunpack.c.l.bf16.f32 v31  }
0x7c: {  	v24 =	vmul.f32 v13, v25;
	v21 =	vld [tilespmem:s8+$0xFFFFFFC0];
	v22 =	vadd.f32 v30, v5;
	v38 =	vmul.f32 v27, v14;
	v18 =	vpop (erf);
	[tilespmem:s6+$0xFFFFFFE0] =	vst v16  }
.Ltmp2:
0x7d: {  	s6 =	sadd.s32 $0xC0, s6;
	v28 =	vadd.f32 v33, v7;
	v35 =	vmax.f32 v35, v19;
	v19 =	vperm.xlane v18, v0;
	v16 =	vpop (erf);
	[tilespmem:s16+$0xFFFFFFF0] =	vst v20;
	(pc) =	sbr.rel @p1 .LBB2_3-.Ltmp2, $4  }
0x7e: {  	v26 =	vmul.f32 $2.000000030e-01, v22;
	v25 =	vadd.f32 v34, v4;
	v30 =	vmul.f32 $1.442695020e+00, v35;
	v18 =	vld [tilespmem:s23+$0x20];
	[tilespmem:s6+$0x50] =	vst v38;
	v31 =	vpop (erf);
	s23 =	smov.u32 s8  }
0x7f: {  	v14 =	vmovc v29;
	v13 =	vmovc v27;
	v20 =	vperm.xlane v16, v0;
	v33 =	vunpack.c.u.bf16.f32 v15;
	v34 =	vmul.f32 $2.000000030e-01, v28;
	[tilespmem:s16+$0x0] =	vst v32  }
0x80: {  	v16 =	vmovc v12;
	v22 =	vmax.f32 v22, v26;
	v26 =	vmul.f32 $2.000000030e-01, v25;
	(erf) = vpow2.f32 v30;
	[tilespmem:s16+$0x10] =	vst v36  }
0x81: {  	s8 =	sadd.s32 $0x80, s8;
	v27 =	vmul.f32 $1.442695020e+00, v22;
	v28 =	vmax.f32 v28, v34;
	v22 =	vperm.xlane v31, v0;
	[tilespmem:s16+$0x20] =	vst v37;
	v12 =	vmovc v33  }
0x82: {  	_ = 	snop  }
0x83: {  	(erf) = vpow2.f32 v27  }
0x84: {  	[tilespmem:s16+$0x30] =	vst v23;
	v11 =	vmul.f32 v19, v11;
	v23 =	vmul.f32 $1.442695020e+00, v28  }
0x85: {  	[tilespmem:s16+$0x40] =	vst v24;
	v8 =	vmul.f32 v19, v8  }
0x86: {  	v3 =	vmul.f32 v19, v3;
	[tilespmem:s6+$0xFFFFFFA0] =	vst v11;
	(erf) = vpow2.f32 v23  }
0x87: {  	v25 =	vmax.f32 v25, v26;
	v9 =	vmul.f32 v20, v9;
	[tilespmem:s6+$0xFFFFFFB0] =	vst v8  }
0x88: {  	v2 =	vmul.f32 v20, v2;
	v24 =	vmul.f32 $1.442695020e+00, v25;
	[tilespmem:s6+$0xFFFFFFC0] =	vst v3  }
0x89: {  	v6 =	vmul.f32 v22, v6;
	v8 =	vmul.f32 v20, v16;
	[tilespmem:s6+$0xFFFFFFD0] =	vst v9  }
0x8a: {  	v1 =	vmul.f32 v22, v1;
	[tilespmem:s6+$0xFFFFFFF0] =	vst v2;
	(erf) = vpow2.f32 v24;
	v11 =	vpop (erf)  }
0x8b: {  	[tilespmem:s6+$0xFFFFFFE0] =	vst v8;
	v8 =	vmul.f32 v22, v10;
	v11 =	vperm.xlane v11, v0  }
0x8c: {  	v9 =	vunpack.c.l.bf16.f32 v18;
	[tilespmem:s6+$0x10] =	vst v6;
	v10 =	vpop (erf)  }
0x8d: {  	[tilespmem:s6+$0x0] =	vst v8;
	v8 =	vunpack.c.l.bf16.f32 v21;
	v3 =	vmul.f32 v11, v14;
	v10 =	vperm.xlane v10, v0  }
0x8e: {  	s4 =	sadd.s32 $0xC0, s6;
	[tilespmem:s6+$0x20] =	vst v1;
	v9 =	vmul.f32 v13, v9  }
0x8f: {  	v2 =	vld [tilespmem:s23+$0x20];
	v6 =	vunpack.c.u.bf16.f32 v21;
	v1 =	vpop (erf);
	[tilespmem:s4+$0x50] =	vst v3;
	v3 =	vunpack.c.u.bf16.f32 v18;
	v8 =	vmul.f32 v10, v8  }
0x90: {  	[tilespmem:s6+$0x30] =	vst v9;
	v9 =	vunpack.c.l.bf16.f32 v15;
	v1 =	vperm.xlane v1, v0;
	v5 =	vmul.f32 v10, v5  }
0x91: {  	v3 =	vmul.f32 v13, v3;
	[tilespmem:s4+$0xFFFFFFA0] =	vst v8  }
0x92: {  	v8 =	vmul.f32 v1, v9;
	[tilespmem:s4+$0xFFFFFFC0] =	vst v5  }
0x93: {  	v9 =	vmul.f32 v1, v12;
	[tilespmem:s6+$0x40] =	vst v3;
	v3 =	vmul.f32 v10, v6;
	v6 =	vpop (erf)  }
0x94: {  	v5 =	vunpack.c.u.bf16.f32 v17;
	v6 =	vperm.xlane v6, v0;
	[tilespmem:s4+$0xFFFFFFD0] =	vst v8  }
0x95: {  	v1 =	vmul.f32 v1, v7;
	[tilespmem:s4+$0xFFFFFFE0] =	vst v9  }
0x96: {  	[tilespmem:s4+$0xFFFFFFB0] =	vst v3;
	v3 =	vunpack.c.l.bf16.f32 v17;
	v5 =	vmul.f32 v6, v5  }
0x97: {  	v7 =	vunpack.c.l.bf16.f32 v2;
	[tilespmem:s4+$0xFFFFFFF0] =	vst v1;
	v1 =	vunpack.c.u.bf16.f32 v2;
	v2 =	vmul.f32 v6, v4  }
0x98: {  	v3 =	vmul.f32 v6, v3;
	[tilespmem:s4+$0x10] =	vst v5  }
0x99: {  	v1 =	vmul.f32 v11, v1;
	[tilespmem:s4+$0x20] =	vst v2  }
0x9a: {  	[tilespmem:s4+$0x0] =	vst v3;
	v3 =	vmul.f32 v11, v7  }
0x9b: {  	s23 =	sand.u32 $0x3FFFFF00, s21;
	[tilespmem:s4+$0x40] =	vst v1  }
0x9c: {  	p1 =	seq.s32 s20, $0x13;
	s9 =	sadd.s32 $0xD7A0, s23;
	[tilespmem:s4+$0x30] =	vst v3  }
0x9d: {  	[spmem:s2] =	stream.indirect.scatter.add.f32 [tilespmem:s28], [sflag:$0x5], $0x30, s9, s18, $0xb8;
	[tilespmem:$0x14BA0] =	vst v63  }
0x9e: {  	s8 =	simm.s32 @!p1 $0xEBA0;
	s6 =	simm.s32 @!p1 $0x80;
	s4 =	sadd.s32 @!p1 $0xC4A0, s21  }
0x9f: {  	[tilespmem:s8], [sflag:$0x1] =	stream.indirect.gather @!p1 [spmem:s3], $0x20, s4, s6, $0xb8;
	[tilespmem:$0x14BA0] =	vst v63  }
0xa0: {  	s4 =	sadd.s32 @!p1 $0xD8A0, s21;
	s8 =	simm.s32 @!p1 $0x10BA0  }
0xa1: {  	[tilespmem:s8], [sflag:$0x3] =	stream.indirect.gather @!p1 [hbm4b:s5+s6], $0x10, s4, s6, $0xb8;
	[tilespmem:$0x14BA0] =	vst v63  }
0xa2: {  	_ =	swait.ge [sflag:s29], $0x1000  }
0xa3: {  	[sflag:s29] =	ssyncset.done $0x0  }
0xa4: {  	[sflag:s29] =	ssyncadd.s32 $0xFFFFF000  }
0xa5: {  	_ =	swait.ge [sflag:s30], $0x800  }
0xa6: {  	[sflag:s30] =	ssyncset.done $0x0  }
0xa7: {  	s4 =	simm.s32 @!p0 $0x6;
	[sflag:s30] =	ssyncadd.s32 $0xFFFFF800  }
0xa8: {  	_ =	swait.ge @!p0 [sflag:s4], $0x1800  }
0xa9: {  	[sflag:s4] =	ssyncset.done @!p0 $0x0  }
0xaa: {  	s16 =	simm.s32 $0xFC10;
	[sflag:s4] =	ssyncadd.s32 @!p0 $0xFFFFE800  }
0xab: {  	v1 =	vld [tilespmem:s16+$0x0]  }
0xac: {  	s8 =	simm.s32 $0x113D0  }
0xad: {  	v2 =	vld [tilespmem:s8+$0x0]  }
0xae: {  	v3 =	vld [tilespmem:s16+$0xFFFFFFA0]  }
0xaf: {  	v4 =	vld [tilespmem:s16+$0xFFFFFFC0]  }
0xb0: {  	v5 =	vld [tilespmem:s8+$0xFFFFFFD0];
	v6 =	vunpack.c.l.bf16.f32 v1  }
0xb1: {  	v1 =	vld [tilespmem:s16+$0xFFFFFFE0]  }
0xb2: {  	v7 =	vld [tilespmem:s8+$0xFFFFFFE0];
	v2 =	vadd.f32 v2, v6;
	_ =	sdelay $0x1  }
0xb3: {  	v12 =	vunpack.c.l.bf16.f32 v3;
	v3 =	vld [tilespmem:s8+$0xFFFFFFF0];
	v8 =	vmul.f32 $2.000000030e-01, v2  }
0xb4: {  	v4 =	vunpack.c.l.bf16.f32 v4  }
0xb5: {  	v5 =	vadd.f32 v5, v12;
	v17 =	vunpack.c.l.bf16.f32 v1;
	v1 =	vmax.f32 v2, v8  }
0xb6: {  	s9 =	simm.s32 $0xFC90;
	v9 =	vld [tilespmem:s16+$0xFFFFFFD0];
	v2 =	vadd.f32 v7, v4;
	v1 =	vmul.f32 $1.442695020e+00, v1  }
0xb7: {  	s17 =	simm.s32 $0x11410;
	v11 =	vld [tilespmem:s9+$0xFFFFFFA0];
	v7 =	vmul.f32 $2.000000030e-01, v5  }
0xb8: {  	v13 =	vld [tilespmem:s17+$0xFFFFFFD0];
	v3 =	vadd.f32 v3, v17;
	v10 =	vmul.f32 $2.000000030e-01, v2;
	(erf) = vpow2.f32 v1  }
0xb9: {  	v8 =	vld [tilespmem:s16+$0xFFFFFFB0];
	v5 =	vmax.f32 v5, v7  }
0xba: {  	v5 =	vmul.f32 $1.442695020e+00, v5;
	v7 =	vmul.f32 $2.000000030e-01, v3;
	v2 =	vmax.f32 v2, v10;
	v10 =	vld [tilespmem:s9+$0x0]  }
0xbb: {  	v1 =	vld [tilespmem:s16+$0xFFFFFF90];
	v2 =	vmul.f32 $1.442695020e+00, v2  }
0xbc: {  	(erf) = vpow2.f32 v5;
	v3 =	vmax.f32 v3, v7;
	v5 =	vld [tilespmem:s17+$0x0]  }
0xbd: {  	v3 =	vmul.f32 $1.442695020e+00, v3;
	(erf) = vpow2.f32 v2;
	v2 =	vld [tilespmem:s9+$0xFFFFFFC0]  }
0xbe: {  	v7 =	vld [tilespmem:s9+$0xFFFFFFE0]  }
0xbf: {  	v21 =	vunpack.c.u.bf16.f32 v9;
	(erf) = vpow2.f32 v3;
	v18 =	vunpack.c.l.bf16.f32 v10;
	v10 =	vld [tilespmem:s17+$0xFFFFFFE0]  }
0xc0: {  	v15 =	vunpack.c.u.bf16.f32 v8;
	v20 =	vunpack.c.l.bf16.f32 v8;
	v14 =	vunpack.c.u.bf16.f32 v1  }
0xc1: {  	v8 =	vld [tilespmem:s17+$0xFFFFFFF0];
	v19 =	vunpack.c.l.bf16.f32 v1;
	v3 =	vunpack.c.l.bf16.f32 v11;
	v5 =	vadd.f32 v5, v18;
	v1 =	vpop (erf)  }
0xc2: {  	v22 =	vld [tilespmem:s9+$0xFFFFFFB0];
	v23 =	vunpack.c.l.bf16.f32 v9;
	v2 =	vunpack.c.l.bf16.f32 v2;
	v24 =	vperm.xlane v1, v0  }
0xc3: {  	v9 =	vmul.f32 $2.000000030e-01, v5;
	v1 =	vunpack.c.l.bf16.f32 v7;
	v7 =	vadd.f32 v13, v3  }
0xc4: {  	v10 =	vadd.f32 v10, v2  }
0xc5: {  	s4 =	simm.s32 $0xFD10;
	v27 =	vld [tilespmem:s9+$0xFFFFFFD0];
	v13 =	vmul.f32 v24, v6;
	v6 =	vpop (erf);
	v5 =	vmax.f32 v5, v9;
	v9 =	vmul.f32 $2.000000030e-01, v7  }
0xc6: {  	v31 =	vld [tilespmem:s4+$0x0];
	v26 =	vadd.f32 v8, v1;
	v25 =	vperm.xlane v6, v0;
	v6 =	vpop (erf);
	v5 =	vmul.f32 $1.442695020e+00, v5  }
0xc7: {  	v16 =	vunpack.c.u.bf16.f32 v22;
	v8 =	vmul.f32 $2.000000030e-01, v10;
	v28 =	vperm.xlane v6, v0  }
0xc8: {  	v29 =	vld [tilespmem:s16+$0xFFFFFFF0];
	v6 =	vpop (erf);
	v7 =	vmax.f32 v7, v9;
	v9 =	vmul.f32 $2.000000030e-01, v26;
	(erf) = vpow2.f32 v5  }
0xc9: {  	v5 =	vmul.f32 $1.442695020e+00, v7;
	v7 =	vmax.f32 v10, v8;
	v30 =	vperm.xlane v6, v0  }
0xca: {  	s6 =	simm.s32 $0x11450;
	v10 =	vunpack.c.l.bf16.f32 v27;
	v19 =	vmul.f32 v25, v19;
	v6 =	vmax.f32 v26, v9;
	v26 =	vld [tilespmem:s4+$0xFFFFFFA0]  }
0xcb: {  	v33 =	vld [tilespmem:s6+$0x0];
	v61 =	vmul.f32 v25, v14;
	v14 =	vunpack.c.l.bf16.f32 v31;
	v7 =	vmul.f32 $1.442695020e+00, v7  }
0xcc: {  	v34 =	vld [tilespmem:s6+$0xFFFFFFD0];
	v12 =	vmul.f32 v25, v12;
	v9 =	vunpack.c.l.bf16.f32 v22;
	(erf) = vpow2.f32 v5  }
0xcd: {  	v11 =	vld [tilespmem:s9+$0xFFFFFF90];
	v22 =	vunpack.c.u.bf16.f32 v29;
	v32 =	vmul.f32 $1.442695020e+00, v6;
	(erf) = vpow2.f32 v7  }
0xce: {  	s17 =	simm.s32 $0x13450;
	v29 =	vunpack.c.l.bf16.f32 v29;
	v20 =	vmul.f32 v28, v20;
	v6 =	vunpack.c.u.bf16.f32 v27;
	v7 =	vld [tilespmem:s4+$0xFFFFFFC0]  }
0xcf: {  	v27 =	vld [tilespmem:s4+$0xFFFFFFE0];
	[tilespmem:s17+$0xFFFFFF50] =	vst v19;
	v19 =	vmul.f32 v28, v15;
	(erf) = vpow2.f32 v32;
	v5 =	vunpack.c.l.bf16.f32 v26  }
0xd0: {  	[tilespmem:s17+$0x0] =	vst v13;
	v25 =	vld [tilespmem:s6+$0xFFFFFFE0];
	v31 =	vadd.f32 v33, v14;
	v62 =	vmul.f32 v30, v23;
	v63 =	vmul.f32 v30, v21  }
0xd1: {  	v30 =	vmul.f32 v30, v17;
	[tilespmem:s17+$0xFFFFFF80] =	vst v20;
	v26 =	vmul.f32 v28, v4;
	v28 =	vld [tilespmem:s6+$0xFFFFFFF0];
	v20 =	vadd.f32 v34, v5  }
0xd2: {  	v8 =	vunpack.c.u.bf16.f32 v11;
	[tilespmem:s17+$0xFFFFFF70] =	vst v12;
	v23 =	vmul.f32 v24, v29;
	v12 =	vmul.f32 $2.000000030e-01, v31;
	v4 =	vpop (erf)  }
0xd3: {  	v15 =	vld [tilespmem:s4+$0xFFFFFFB0];
	v7 =	vunpack.c.l.bf16.f32 v7;
	[tilespmem:s17+$0xFFFFFFA0] =	vst v26;
	v13 =	vperm.xlane v4, v0;
	v26 =	vmul.f32 $2.000000030e-01, v20  }
0xd4: {  	[tilespmem:s17+$0xFFFFFF60] =	vst v61;
	v24 =	vmul.f32 v24, v22;
	v12 =	vmax.f32 v31, v12;
	v4 =	vunpack.c.l.bf16.f32 v27  }
0xd5: {  	[tilespmem:s17+$0xFFFFFF90] =	vst v19;
	v22 =	vadd.f32 v25, v7;
	v17 =	vmul.f32 v13, v18;
	v18 =	vpop (erf);
	v31 =	vmax.f32 v20, v26;
	v20 =	vld [tilespmem:s4+$0xFFFFFF90]  }
0xd6: {  	s16 =	simm.s32 $0x13510;
	[tilespmem:s17+$0xFFFFFFB0] =	vst v62;
	v27 =	vmul.f32 $1.442695020e+00, v12;
	v25 =	vadd.f32 v28, v4;
	v19 =	vperm.xlane v18, v0;
	v18 =	vld [tilespmem:s9+$0xFFFFFFF0];
	v21 =	vpop (erf)  }
0xd7: {  	v11 =	vunpack.c.l.bf16.f32 v11;
	v28 =	vmul.f32 $2.000000030e-01, v22;
	[tilespmem:s16+$0x0] =	vst v17;
	v21 =	vperm.xlane v21, v0;
	v17 =	vld [tilespmem:s4+$0xFFFFFFD0]  }
0xd8: {  	[tilespmem:s17+$0xFFFFFFC0] =	vst v63;
	v12 =	vunpack.c.u.bf16.f32 v15;
	v29 =	vpop (erf);
	v26 =	vmul.f32 $2.000000030e-01, v25;
	(erf) = vpow2.f32 v27  }
0xd9: {  	s8 =	simm.s32 $0x8;
	[tilespmem:s17+$0xFFFFFFD0] =	vst v30;
	s9 =	simm.s32 $0xFD90;
	v27 =	vmul.f32 $1.442695020e+00, v31;
	v28 =	vmax.f32 v22, v28;
	v22 =	vperm.xlane v29, v0  }
.LBB2_5:
0xda: {  	v29 =	vld [tilespmem:s9+$0x0];
	s8 =	sadd.s32 $0x4, s8;
	v30 =	vunpack.c.u.bf16.f32 v20;
	v28 =	vmul.f32 $1.442695020e+00, v28;
	v25 =	vmax.f32 v25, v26;
	[tilespmem:s17+$0xFFFFFFE0] =	vst v23  }
0xdb: {  	v20 =	vunpack.c.l.bf16.f32 v20;
	s6 =	sadd.s32 $0x40, s6;
	v23 =	vld [tilespmem:s9+$0xFFFFFFA0];
	p0 =	slt.u32 s8, $0x7C;
	v25 =	vmul.f32 $1.442695020e+00, v25;
	(erf) = vpow2.f32 v27;
	[tilespmem:s17+$0xFFFFFFF0] =	vst v24;
	s17 =	smov.u32 s16  }
0xdc: {  	v15 =	vunpack.c.l.bf16.f32 v15;
	v26 =	vunpack.c.u.bf16.f32 v17;
	v24 =	vld [tilespmem:s6+$0x0];
	(erf) = vpow2.f32 v28  }
0xdd: {  	v28 =	vunpack.c.l.bf16.f32 v17;
	v27 =	vld [tilespmem:s9+$0xFFFFFFC0];
	(erf) = vpow2.f32 v25;
	v25 =	vunpack.c.u.bf16.f32 v18  }
0xde: {  	v36 =	vmul.f32 v19, v11;
	v32 =	vmul.f32 v19, v8;
	v8 =	vmovc v30;
	v11 =	vmovc v20;
	v18 =	vunpack.c.l.bf16.f32 v18;
	v31 =	vld [tilespmem:s9+$0xFFFFFFE0]  }
0xdf: {  	v19 =	vmul.f32 v19, v3;
	v3 =	vmovc v5;
	v20 =	vmul.f32 v21, v9;
	v9 =	vmovc v15;
	v30 =	vld [tilespmem:s6+$0xFFFFFFD0];
	v29 =	vunpack.c.l.bf16.f32 v29  }
0xe0: {  	v16 =	vmul.f32 v21, v16;
	v21 =	vmul.f32 v21, v2;
	v2 =	vmovc v7;
	v5 =	vunpack.c.l.bf16.f32 v23;
	v33 =	vld [tilespmem:s6+$0xFFFFFFE0];
	[tilespmem:s16+$0xFFFFFF50] =	vst v36  }
0xe1: {  	v36 =	vmul.f32 v22, v6;
	v34 =	vld [tilespmem:s6+$0xFFFFFFF0];
	v35 =	vadd.f32 v24, v29;
	v17 =	vpop (erf);
	[tilespmem:s16+$0xFFFFFF60] =	vst v32;
	v32 =	vmul.f32 v22, v10  }
0xe2: {  	v37 =	vmul.f32 v22, v1;
	v6 =	vmovc v26;
	v15 =	vld [tilespmem:s9+$0xFFFFFFB0];
	v7 =	vunpack.c.l.bf16.f32 v27;
	v27 =	vperm.xlane v17, v0;
	[tilespmem:s16+$0xFFFFFF70] =	vst v19  }
0xe3: {  	v1 =	vmovc v4;
	v23 =	vmul.f32 v13, v18;
	v10 =	vmovc v28;
	v17 =	vld [tilespmem:s9+$0xFFFFFFD0];
	v19 =	vmul.f32 $2.000000030e-01, v35;
	[tilespmem:s16+$0xFFFFFF80] =	vst v20;
	v4 =	vunpack.c.l.bf16.f32 v31  }
0xe4: {  	v24 =	vmul.f32 v13, v25;
	v20 =	vld [tilespmem:s9+$0xFFFFFF90];
	v22 =	vadd.f32 v30, v5;
	v38 =	vmul.f32 v27, v14;
	v18 =	vpop (erf);
	[tilespmem:s16+$0xFFFFFF90] =	vst v16  }
.Ltmp3:
0xe5: {  	s16 =	sadd.s32 $0xC0, s16;
	v28 =	vadd.f32 v33, v7;
	v35 =	vmax.f32 v35, v19;
	v19 =	vperm.xlane v18, v0;
	v16 =	vpop (erf);
	[tilespmem:s17+$0xFFFFFFA0] =	vst v21;
	(pc) =	sbr.rel @p0 .LBB2_5-.Ltmp3, $4  }
0xe6: {  	v26 =	vmul.f32 $2.000000030e-01, v22;
	v25 =	vadd.f32 v34, v4;
	v30 =	vmul.f32 $1.442695020e+00, v35;
	v18 =	vld [tilespmem:s4+$0xFFFFFFF0];
	[tilespmem:s16+$0x0] =	vst v38;
	v31 =	vpop (erf);
	s4 =	smov.u32 s9  }
0xe7: {  	v14 =	vmovc v29;
	v13 =	vmovc v27;
	v21 =	vperm.xlane v16, v0;
	v33 =	vunpack.c.u.bf16.f32 v15;
	v34 =	vmul.f32 $2.000000030e-01, v28;
	[tilespmem:s17+$0xFFFFFFB0] =	vst v32  }
0xe8: {  	v16 =	vmovc v12;
	v22 =	vmax.f32 v22, v26;
	v26 =	vmul.f32 $2.000000030e-01, v25;
	(erf) = vpow2.f32 v30;
	[tilespmem:s17+$0xFFFFFFC0] =	vst v36  }
0xe9: {  	s9 =	sadd.s32 $0x80, s9;
	v27 =	vmul.f32 $1.442695020e+00, v22;
	v28 =	vmax.f32 v28, v34;
	v22 =	vperm.xlane v31, v0;
	[tilespmem:s17+$0xFFFFFFD0] =	vst v37;
	v12 =	vmovc v33  }
0xea: {  	_ = 	snop  }
0xeb: {  	v49 =	vmul.f32 $1.442695020e+00, v28;
	(erf) = vpow2.f32 v27  }
0xec: {  	[tilespmem:s17+$0xFFFFFFE0] =	vst v23;
	v11 =	vmul.f32 v19, v11  }
0xed: {  	[tilespmem:s17+$0xFFFFFFF0] =	vst v24;
	v8 =	vmul.f32 v19, v8;
	(erf) = vpow2.f32 v49  }
0xee: {  	v3 =	vmul.f32 v19, v3;
	[tilespmem:s16+$0xFFFFFF50] =	vst v11  }
0xef: {  	v9 =	vmul.f32 v21, v9;
	[tilespmem:s16+$0xFFFFFF60] =	vst v8  }
0xf0: {  	v25 =	vmax.f32 v25, v26;
	v52 =	vmul.f32 v21, v16;
	v2 =	vmul.f32 v21, v2;
	[tilespmem:s16+$0xFFFFFF70] =	vst v3  }
0xf1: {  	v50 =	vmul.f32 $1.442695020e+00, v25;
	v53 =	vmul.f32 v22, v10;
	[tilespmem:s16+$0xFFFFFF80] =	vst v9  }
0xf2: {  	v6 =	vmul.f32 v22, v6;
	v1 =	vmul.f32 v22, v1;
	[tilespmem:s16+$0xFFFFFF90] =	vst v52;
	v51 =	vpop (erf)  }
0xf3: {  	[tilespmem:s16+$0xFFFFFFA0] =	vst v2;
	(erf) = vpow2.f32 v50;
	v11 =	vperm.xlane v51, v0  }
0xf4: {  	v54 =	vunpack.c.l.bf16.f32 v18;
	[tilespmem:s16+$0xFFFFFFB0] =	vst v53;
	v55 =	vpop (erf)  }
0xf5: {  	v56 =	vunpack.c.l.bf16.f32 v20;
	[tilespmem:s16+$0xFFFFFFC0] =	vst v6;
	v3 =	vmul.f32 v11, v14;
	v10 =	vperm.xlane v55, v0  }
0xf6: {  	s6 =	sadd.s32 $0xC0, s16;
	v58 =	vunpack.c.l.bf16.f32 v15;
	v9 =	vmul.f32 v13, v54;
	[tilespmem:s16+$0xFFFFFFD0] =	vst v1;
	v1 =	vpop (erf)  }
0xf7: {  	v2 =	vld [tilespmem:s4+$0xFFFFFFF0];
	[tilespmem:s6+$0x0] =	vst v3;
	v3 =	vunpack.c.u.bf16.f32 v18;
	v1 =	vperm.xlane v1, v0;
	v8 =	vmul.f32 v10, v56  }
0xf8: {  	[tilespmem:s16+$0xFFFFFFE0] =	vst v9;
	v5 =	vmul.f32 v10, v5  }
0xf9: {  	v3 =	vmul.f32 v13, v3;
	v60 =	vmul.f32 v1, v58;
	[tilespmem:s6+$0xFFFFFF50] =	vst v8  }
0xfa: {  	v57 =	vunpack.c.u.bf16.f32 v20;
	v61 =	vmul.f32 v1, v12;
	v1 =	vmul.f32 v1, v7;
	[tilespmem:s6+$0xFFFFFF70] =	vst v5  }
0xfb: {  	[tilespmem:s16+$0xFFFFFFF0] =	vst v3  }
0xfc: {  	v3 =	vmul.f32 v10, v57;
	v59 =	vpop (erf);
	[tilespmem:s6+$0xFFFFFFA0] =	vst v1;
	v1 =	vunpack.c.u.bf16.f32 v2  }
0xfd: {  	v62 =	vunpack.c.u.bf16.f32 v17;
	[tilespmem:s6+$0xFFFFFF80] =	vst v60;
	v6 =	vperm.xlane v59, v0  }
0xfe: {  	[tilespmem:s6+$0xFFFFFF60] =	vst v3;
	v3 =	vunpack.c.l.bf16.f32 v17;
	v1 =	vmul.f32 v11, v1  }
0xff: {  	[tilespmem:s6+$0xFFFFFF90] =	vst v61;
	v5 =	vmul.f32 v6, v62  }
0x100: {  	v63 =	vunpack.c.l.bf16.f32 v2;
	v3 =	vmul.f32 v6, v3;
	[tilespmem:s6+$0xFFFFFFF0] =	vst v1  }
.Ltmp4:
0x101: {  	v2 =	vmul.f32 v6, v4;
	[tilespmem:s6+$0xFFFFFFC0] =	vst v5;
	(pc) =	sbr.rel @p1 .LBB2_8-.Ltmp4, $4  }
0x102: {  	[tilespmem:s6+$0xFFFFFFB0] =	vst v3;
	v3 =	vmul.f32 v11, v63  }
0x103: {  	[tilespmem:s6+$0xFFFFFFD0] =	vst v2  }
0x104: {  	s23 =	sadd.s32 $0xD820, s23;
	[tilespmem:s6+$0xFFFFFFE0] =	vst v3  }
0x105: {  	[spmem:s2] =	stream.indirect.scatter.add.f32 [tilespmem:s31], [sflag:$0x6], $0x30, s23, s18, $0xb8;
	[tilespmem:$0x14BA0] =	vst v63  }
.Ltmp5:
0x106: {  	(pc) =	sbr.rel .LBB2_2-.Ltmp5, $4  }
0x107: {  	s4 =	sadd.s32 $0xC520, s21  }
0x108: {  	[tilespmem:s22], [sflag:$0x2] =	stream.indirect.gather [spmem:s3], $0x20, s4, s18, $0xb8;
	[tilespmem:$0x14BA0] =	vst v63  }
0x109: {  	s23 =	sadd.s32 $0xD920, s21;
	s20 =	sadd.s32 $0x1, s20  }
0x10a: {  	[tilespmem:s24], [sflag:$0x4] =	stream.indirect.gather [hbm4b:s5+s18], $0x10, s23, s18, $0xb8;
	[tilespmem:$0x14BA0] =	vst v63  }
.LBB2_9:
0x10b: {  	_ =	sfence.sel $0x180000  }
0x10c: {  	[bflag:$0x0] =	sbarrier.arrive $0xFFFF  }
0x10d: {  	_ =	strace $0x9000004A  }
0x10e: {  	s0 =	stileid.u32;
	[bflag:$0x2] =	sbarrier.arrive $0xFFFF  }
0x10f: {  	p0 =	sne.s32 s0, $0x0;
	s0 =	rddreg [dreg:$0x4]  }
0x110: {  	s0 =	sadd.s32 @!p0 $0x100000, s0  }
0x111: {  	[sflag:s0] =	ssyncadd.tile.s32 @!p0 $0x1;
	_ =	shalt  }
.Lfunc_end2:
_tile_overlayer_lowered:
.L_overlay_start_2:
0x112: {  	(tag) =	ssettag $0x2  }
0x113: {  	s0 =	rddreg [dreg:$0x0];
	s2 =	stileid.u32  }
0x114: {  	s1 =	rddreg [dreg:$0x1];
	p0 =	sne.s32 s2, $0x0  }
0x115: {  	s3 =	rddreg [dreg:$0x2];
	[bflag:$0x3] =	sbarrier.arrive $0xFFFF;
	s2 =	simm.s32 @!p0 $0x1C07  }
0x116: {  	[timem:s3], [sflag:s2] =	dma.local @!p0 [hbm:s0], s1  }
0x117: {  	s0 =	simm.s32 @!p0 $0x7  }
0x118: {  	_ =	swait.ge @!p0 [sflag:s0], s1  }
0x119: {  	s1 =	ssub.s32 @!p0 $0x0, s1;
	[sflag:s0] =	ssyncset.done @!p0 $0x0  }
0x11a: {  	[sflag:s0] =	ssyncadd.s32 @!p0 s1  }
0x11b: {  	[bflag:$0x3] =	sbarrier.arrive $0xFFFF  }
0x11c: {  	_ =	shalt  }

// kernel: kernel.7.cloned.1.call-start
scs
__scs_entry_jumppad:
0x0: {  	(pc) =	sbr.rel $0x88, $3  }
0x1: {  	(tag) =	ssettag $0x0;
	lr =	simm.s32 $0x1  }
0x2: {  	[smem:$0x3F97] =	sst lr;
	_ =	strace $0xD0000000  }
0x3: {  	_ = 	snop  }
0x4: {  	_ = 	snop  }
0x5: {  	_ = 	snop  }
0x6: {  	_ = 	snop  }
0x7: {  	_ = 	snop  }
__scs_overlays_trampoline_lowered:
0x8: {  	[smem:$0x3FA6] =	sst s0  }
0x9: {  	[smem:$0x3FA7] =	sst s1  }
0xa: {  	[smem:$0x3FA8] =	sst s2  }
0xb: {  	[smem:$0x3FA9] =	sst s3  }
0xc: {  	[smem:$0x3FAA] =	sst s4  }
0xd: {  	[smem:$0x3FAB] =	sst s5  }
0xe: {  	[smem:$0x3FAC] =	sst s6  }
0xf: {  	[smem:$0x3FAD] =	sst s7  }
0x10: {  	[smem:$0x3FAE] =	sst s8  }
0x11: {  	[smem:$0x3FAF] =	sst s9;
	s0 =	simm.s32 @!p0 $0x0  }
0x12: {  	s1 =	sld [smem:$0x3F95];
	s0 =	simm.s32 @p0 $0x1  }
0x13: {  	[smem:$0x3FB0] =	sst s0;
	s0 =	simm.s32 @!p1 $0x0  }
0x14: {  	s2 =	sld [smem:$0x3F94];
	s0 =	simm.s32 @p1 $0x1  }
0x15: {  	[smem:$0x3FB1] =	sst s0;
	s0 =	simm.s32 @!p2 $0x0  }
0x16: {  	s3 =	sld [smem:$0x3FDB];
	s0 =	simm.s32 @p2 $0x1  }
0x17: {  	s4 =	simm.s32 $0x1BF5;
	[smem:$0x3FB3] =	sst s0  }
0x18: {  	s0 =	sld [smem:$0x3F96];
	_ =	swait.ge [sflag:s4], $0x0  }
0x19: {  	s7 =	sld [smem:$0x3F97]  }
0x1a: {  	s8 =	sadd.s32 $0xFFFFE003, lr  }
0x1b: {  	s9 =	sadd.s32 $0xFFFFFEF7, lr;
	s5 =	simm.s32 $0xFFFFFFFF;
	p2 =	slt.u32 s8, $0xFFFFF086  }
0x1c: {  	p1 =	slt.u32 s9, $0xF7A;
	s5 =	simm.s32 @!p2 $0x0  }
0x1d: {  	s5 =	simm.s32 @p1 $0x1;
	p0 =	seq.s32 s7, s2  }
0x1e: {  	s7 =	smul.u32 @!p0 $0xF7A, s2;
	p2 =	seq.s32 @!p0 s5, $0x0  }
0x1f: {  	s9 =	smul.u32 $0xF7A, s1;
	s8 =	simm.s32 @!p0 $0x1BF5;
	p2 =	por !p2, p0  }
0x20: {  	[sflag:s8] =	ssyncset.s32 @!p0 $0xFFFFF086;
	s6 =	sadd.s32 @!p0 s3, s7;
	s7 =	simm.s32 @!p0 $0x108  }
0x21: {  	s3 =	sadd.s32 s3, s9;
	s6 =	sadd.s32 @!p0 $0x88, s6;
	s7 =	simm.s32 @p2 $0x1082  }
0x22: {  	[simem:s7], [sflag:s8] =	dma.local @!p0 [hbm:s6], $0xF7A  }
0x23: {  	s9 =	sor.u32 $0xD0000000, s2;
	s6 =	simm.s32 $0x108;
	_ =	swait.ge @!p0 [sflag:s8], $0x0  }
0x24: {  	s3 =	sadd.s32 $0x88, s3;
	s6 =	simm.s32 @!p1 $0x1082;
	[sflag:s4] =	ssyncset.s32 $0xFFFFF086  }
0x25: {  	[simem:s6], [sflag:s4] =	dma.local [hbm:s3], $0xF7A  }
0x26: {  	[smem:$0x3F97] =	sst s1;
	(tag) =	ssettag s2;
	_ =	strace s9  }
0x27: {  	s1 =	sld [smem:$0x3FA7]  }
0x28: {  	s2 =	sld [smem:$0x3FA8]  }
0x29: {  	s4 =	sld [smem:$0x3FAA]  }
0x2a: {  	p0 =	seq.s32 s5, $0x0;
	s5 =	sld [smem:$0x3FAB]  }
0x2b: {  	s6 =	sld [smem:$0x3FAC]  }
0x2c: {  	s7 =	sld [smem:$0x3FAD]  }
0x2d: {  	s3 =	simm.s32 $0x108;
	s8 =	sld [smem:$0x3FAE]  }
0x2e: {  	s3 =	simm.s32 @!p0 $0x1082;
	s9 =	sld [smem:$0x3FAF]  }
0x2f: {  	lr =	sadd.s32 s0, s3;
	s0 =	sld [smem:$0x3FA6]  }
0x30: {  	s3 =	sld [smem:$0x3FA9]  }
0x31: {  	[smem:$0x3FB2] =	sst s10  }
0x32: {  	s10 =	sld [smem:$0x3FB0];
	_ =	sdelay $0x3  }
0x33: {  	p0 =	seq.s32 s10, $0x1;
	s10 =	sld [smem:$0x3FB2];
	_ =	sdelay $0x3  }
0x34: {  	[smem:$0x3FB2] =	sst s10  }
0x35: {  	s10 =	sld [smem:$0x3FB1];
	_ =	sdelay $0x3  }
0x36: {  	p1 =	seq.s32 s10, $0x1;
	s10 =	sld [smem:$0x3FB2];
	_ =	sdelay $0x3  }
0x37: {  	[smem:$0x3FB2] =	sst s10  }
0x38: {  	s10 =	sld [smem:$0x3FB3]  }
0x39: {  	_ = 	snop;
	(pc) =	sbr.ind lr, $3  }
0x3a: {  	_ = 	snop  }
0x3b: {  	_ = 	snop  }
0x3c: {  	p2 =	seq.s32 s10, $0x1;
	s10 =	sld [smem:$0x3FB2]  }
0x3d: {  	_ =	shalt  }
0x3e: {  	_ =	shalt  }
0x3f: {  	_ =	shalt  }
0x40: {  	_ =	shalt  }
0x41: {  	_ =	shalt  }
0x42: {  	_ =	shalt  }
0x43: {  	_ =	shalt  }
0x44: {  	_ =	shalt  }
0x45: {  	_ =	shalt  }
0x46: {  	_ =	shalt  }
0x47: {  	_ =	shalt  }
0x48: {  	_ =	shalt  }
0x49: {  	_ =	shalt  }
0x4a: {  	_ =	shalt  }
0x4b: {  	_ =	shalt  }
0x4c: {  	_ =	shalt  }
0x4d: {  	_ =	shalt  }
0x4e: {  	_ =	shalt  }
0x4f: {  	_ =	shalt  }
0x50: {  	_ =	shalt  }
0x51: {  	_ =	shalt  }
0x52: {  	_ =	shalt  }
0x53: {  	_ =	shalt  }
0x54: {  	_ =	shalt  }
0x55: {  	_ =	shalt  }
0x56: {  	_ =	shalt  }
0x57: {  	_ =	shalt  }
0x58: {  	_ =	shalt  }
0x59: {  	_ =	shalt  }
0x5a: {  	_ =	shalt  }
0x5b: {  	_ =	shalt  }
0x5c: {  	_ =	shalt  }
0x5d: {  	_ =	shalt  }
0x5e: {  	_ =	shalt  }
0x5f: {  	_ =	shalt  }
0x60: {  	_ =	shalt  }
0x61: {  	_ =	shalt  }
0x62: {  	_ =	shalt  }
0x63: {  	_ =	shalt  }
0x64: {  	_ =	shalt  }
0x65: {  	_ =	shalt  }
0x66: {  	_ =	shalt  }
0x67: {  	_ =	shalt  }
0x68: {  	_ =	shalt  }
0x69: {  	_ =	shalt  }
0x6a: {  	_ =	shalt  }
0x6b: {  	_ =	shalt  }
0x6c: {  	_ =	shalt  }
0x6d: {  	_ =	shalt  }
0x6e: {  	_ =	shalt  }
0x6f: {  	_ =	shalt  }
0x70: {  	_ =	shalt  }
0x71: {  	_ =	shalt  }
0x72: {  	_ =	shalt  }
0x73: {  	_ =	shalt  }
0x74: {  	_ =	shalt  }
0x75: {  	_ =	shalt  }
0x76: {  	_ =	shalt  }
0x77: {  	_ =	shalt  }
0x78: {  	_ =	shalt  }
0x79: {  	_ =	shalt  }
0x7a: {  	_ =	shalt  }
0x7b: {  	_ =	shalt  }
0x7c: {  	_ =	shalt  }
0x7d: {  	_ =	shalt  }
0x7e: {  	_ =	shalt  }
0x7f: {  	_ =	shalt  }
0x80: {  	_ =	shalt  }
0x81: {  	_ =	shalt  }
0x82: {  	_ =	shalt  }
0x83: {  	_ =	shalt  }
0x84: {  	_ =	shalt  }
0x85: {  	_ =	shalt  }
0x86: {  	_ =	shalt  }
0x87: {  	_ =	shalt  }
.Lfunc_end0:
.L_simem_size_0:
called_computation_lowered:
.L_overlay_start_0:
0x88: {  	s2 =	sld [smem:$0x3FD9]  }
0x89: {  	s3 =	sld [smem:$0x3FFE];
	_ =	sdelay $0x1  }
0x8a: {  	s1 =	srdreg.scid  }
0x8b: {  	s0 =	sand.u32 $0x1, s1  }
0x8c: {  	s17 =	sshll.u32 s0, $0xA;
	s2 =	sadd.s32 s3, s2  }
0x8d: {  	s2 =	sadd.s32 s2, s17  }
0x8e: {  	[smem:$0x3FBE] =	sst s2  }
0x8f: {  	_ = 	snop  }
0x90: {  	s2 =	sld [smem:$0x3FD0];
	(tm) =	ssettm $0x1  }
0x91: {  	s18 =	sld [smem:$0x3FFB];
	_ =	sdelay $0x3  }
0x92: {  	_ =	strace s18  }
0x93: {  	s3 =	sld [smem:$0x3FFC];
	_ =	sdelay $0x3  }
0x94: {  	_ =	strace s3  }
0x95: {  	s3 =	sld [smem:$0x3FFD];
	_ =	sdelay $0x3  }
0x96: {  	_ =	strace s3  }
0x97: {  	_ =	strace $0x8FFFFFFF  }
0x98: {  	s19 =	sld [smem:$0x3FDB];
	_ =	sdelay $0x1  }
0x99: {  	s4 =	simm.s32 $_scs_section_size  }
0x9a: {  	s5 =	simm.s32 $_size__tile_overlayer_lowered;
	s6 =	simm.s32 $_tile_overlayer_lowered  }
0x9b: {  	s22 =	simm.s32 $0x1BFF;
	s21 =	sshll.u32 s6, $0x1;
	s3 =	sadd.s32 s4, s19  }
0x9c: {  	s7 =	simm.s32 $0x0;
	s20 =	sshll.u32 s5, $0x1;
	s5 =	sadd.s32 s21, s3  }
0x9d: {  	[timem:s7], [sflag:s22] =	dma.local [hbm:s5], s20  }
0x9e: {  	_ =	swait.ge [sflag:s22], s20  }
0x9f: {  	s4 =	ssub.s32 $0x0, s20;
	[sflag:s22] =	ssyncset.done $0x0  }
0xa0: {  	[sflag:s22] =	ssyncadd.s32 s4;
	_ =	sdelay $0x1  }
0xa1: {  	s23 =	simm.s32 $0x1B8B  }
0xa2: {  	_ =	swait.ge [sflag:s23], $0x1  }
0xa3: {  	[sflag:s23] =	ssyncset.done $0x0  }
0xa4: {  	s25 =	simm.s32 $0x1B8E;
	s24 =	sld [smem:$0x3FFE];
	[sflag:s23] =	ssyncadd.s32 $0xFFFFFFFF  }
0xa5: {  	s26 =	simm.s32 $execute0_lowered;
	[smem:$0x3FD2] =	sst s25  }
0xa6: {  	s5 =	sshll.u32 s26, $0x1;
	_ =	strace $0x80000046;
	[dreg:$0x1] =	wrdreg $0xFFFFFFFF  }
0xa7: {  	s28 =	simm.s32 $_size_execute0_lowered;
	s3 =	sadd.s32 s3, s5;
	[dreg:$0x0] =	wrdreg $0x0  }
0xa8: {  	s5 =	sshll.u32 s28, $0x1;
	[dreg:$0x2] =	wrdreg s3  }
0xa9: {  	[dreg:$0x3] =	wrdreg s5  }
0xaa: {  	[dreg:$0x4] =	wrdreg $0xC0  }
0xab: {  	_ =	task [dreg:s7], $0x5FFFF  }
0xac: {  	[dreg:$0x1] =	wrdreg $0xFFFFFFFF  }
0xad: {  	[dreg:$0x0] =	wrdreg $0x60  }
0xae: {  	[dreg:$0x2] =	wrdreg s24  }
0xaf: {  	[dreg:$0x3] =	wrdreg s2  }
0xb0: {  	[dreg:$0x4] =	wrdreg $0x0  }
0xb1: {  	[dreg:$0x5] =	wrdreg $0xB0100  }
0xb2: {  	[dreg:$0x6] =	wrdreg $0x9  }
0xb3: {  	_ =	task.clear_ibuf [dreg:s7], $0x7FFFF;
	_ =	strace $0x90000046  }
0xb4: {  	s29 =	simm.s32 $0x9;
	_ =	strace $0x80000048  }
0xb5: {  	_ =	swait.ge [sflag:s29], $0x1  }
0xb6: {  	[sflag:s29] =	ssyncadd.s32 $0xFFFFFFFF  }
0xb7: {  	_ =	strace $0x90000048  }
0xb8: {  	_ =	sfence  }
0xb9: {  	s30 =	sld [smem:$0x0];
	_ =	sdelay $0x2  }
0xba: {  	s31 =	sshll.u32 s1, $0xD;
	s1 =	sshrl.u32 s1, $0x2  }
0xbb: {  	s3 =	sand.u32 $0x4000, s31;
	s1 =	sadd.s32 s1, s30  }
0xbc: {  	s0 =	sor.u32 s3, s0;
	s1 =	sshll.u32 s1, $0x11  }
0xbd: {  	s0 =	sor.u32 s1, s0  }
0xbe: {  	s0 =	sadd.s32 $0x8F2B, s0  }
0xbf: {  	[sflag:s0] =	ssyncadd.remote.s32 $0x1  }
0xc0: {  	_ =	sfence.sel $0xFFFF  }
0xc1: {  	[dreg:$0x0] =	wrdreg $0xFFFFFFFF;
	(pc) =	sbr.abs _section_cstart, $3  }
0xc2: {  	[dreg:$0x1] =	wrdreg $0xFFFFFFFF  }
0xc3: {  	_ =	task.clear_ibuf [dreg:s7], $0x2FFFF;
	_ =	strace $0x9FFFFFFF  }
0xc4: {  	(tm) =	ssettm $0x7FFFFFFF  }
0xc5: {  	_ =	shalt  }
tec
execute0_lowered:
.L_overlay_start_1:
0x0: {  	(tag) =	ssettag $0x1  }
0x1: {  	s0 =	rddreg [dreg:$0x0]  }
0x2: {  	s1 =	rddreg [dreg:$0x1]  }
0x3: {  	s2 =	rddreg [dreg:$0x2]  }
0x4: {  	s4 =	rddreg [dreg:$0x3]  }
0x5: {  	s11 =	stileid.u32;
	s3 =	srdreg.scid  }
0x6: {  	s7 =	simm.s32 $0x0;
	s14 =	simm.s32 $0x7;
	s18 =	simm.s32 $0x80  }
0x7: {  	s28 =	simm.s32 $0x18D70;
	s29 =	simm.s32 $0x2;
	s30 =	simm.s32 $0x4  }
0x8: {  	s31 =	simm.s32 $0x1B170;
	s19 =	simm.s32 $0x0;
	s5 =	smul.u32 $0xEAC0, s11  }
0x9: {  	s3 =	sand.u32 $0x1, s3;
	s6 =	sshll.u32 s11, $0x1;
	[smem:$0x7FF] =	sst s7  }
0xa: {  	s9 =	smul.u32 $0xB010, s11;
	s10 =	sadd.s32 $0x1A600, s0;
	s11 =	sshll.u32 s11, $0x6  }
0xb: {  	s6 =	sor.u32 s3, s6;
	_ =	strace $0x80000047;
	s22 =	ssub.s32 $0x2, s3  }
0xc: {  	[dreg:$0x5] =	wrdreg s10;
	s7 =	sor.u32 $0x1C07, s11;
	p0 =	seq.s32 s3, $0x1  }
0xd: {  	s3 =	simm.s32 $0x1BE00;
	s21 =	sshrl.u32 s5, $0x4;
	s6 =	smul.u32 $0x280, s6  }
0xe: {  	s23 =	sshrl.u32 s22, $0x1;
	s13 =	sadd.s32 s9, s2;
	s5 =	sshrl.u32 s5, $0x1  }
0xf: {  	s3 =	simm.s32 @!p0 $0x32000;
	s25 =	sshrl.u32 s9, $0x3;
	s8 =	sadd.s32 s21, s0  }
0x10: {  	v0 =	vimm.s32 $0xFEDCBA98;
	s10 =	ssub.s32 s22, s23;
	s5 =	sadd.s32 s5, s4;
	s13 =	sshrl.u32 s13, $0x3  }
0x11: {  	v3 =	vimm.s32 $0x76543210;
	v2 =	vunpack.c.l.s4.s8 v0;
	s22 =	simm.s32 $0x16570;
	s6 =	sadd.s32 s6, s0;
	s8 =	sadd.s32 $0x1A00, s8  }
.Ltmp0:
0x12: {  	v1 =	vlaneseq.u32;
	v4 =	vunpack.c.l.s4.s8 v3;
	s0 =	sadd.s32 s3, s0;
	s11 =	smax.u32 s10, $0x1;
	(pc) =	sbr.rel .LBB2_1-.Ltmp0, $4  }
0x13: {  	vm0 =	vcmask $0x1F00;
	v0 =	vshrl.u32 v1, $0x3;
	v5 =	vunpack.c.0.s8.s32 v2;
	s15 =	sshrl.u32 s5, $0x3;
	s3 =	simm.s32 $0x5;
	[dreg:$0x6] =	wrdreg s8  }
0x14: {  	vm1 =	vcmask $0x3F1C;
	v1 =	vor.u32 $0x2, v0;
	v6 =	vunpack.c.0.s8.s32 v4;
	s24 =	sadd.s32 $0x15600, s6;
	s26 =	sadd.s32 $0x10600, s6;
	s12 =	sadd.s32 s0, s25  }
0x15: {  	v3 =	vor.u32 $0x6, v0;
	v2 =	vor.u32 $0x4, v0;
	v4 =	vand.u32 $0xF, v5;
	s25 =	simm.s32 $0x1;
	s0 =	simm.s32 $0x6;
	[dreg:$0x7] =	wrdreg s24  }
0x16: {  	v5 =	vnsel vm1, $0x7, v6;
	v4 =	vnsel vm0, $0x0, v4;
	vm0 =	vmmov $0xff;
	[dreg:$0x8] =	wrdreg s26;
	s24 =	simm.s32 $0x18570;
	s26 =	simm.s32 $0x3  }
.LBB2_8:
0x17: {  	_ =	swait.ge [sflag:s3], $0x2400  }
0x18: {  	[sflag:s3] =	ssyncset.done $0x0  }
0x19: {  	[sflag:s3] =	ssyncadd.s32 $0xFFFFDC00  }
0x1a: {  	_ =	swait.ge [sflag:s0], $0x2400  }
0x1b: {  	s19 =	sadd.s32 $0x1, s19;
	[sflag:s0] =	ssyncset.done $0x0  }
0x1c: {  	p0 =	sne.s32 s19, s11;
	[sflag:s0] =	ssyncadd.s32 $0xFFFFDC00  }
.Ltmp1:
0x1d: {  	[bflag:$0x0] =	sbarrier.arrive $0xFFFF;
	(pc) =	sbr.rel @!p0 .LBB2_9-.Ltmp1, $4  }
0x1e: {  	[hbm:s12], [sflag:s7] =	dma.local [spmem:s13], $0x1602  }
0x1f: {  	_ =	swait.ge [sflag:s14], $0x1602  }
0x20: {  	[sflag:s14] =	ssyncset.done $0x0  }
0x21: {  	[sflag:s14] =	ssyncadd.s32 $0xFFFFE9FE  }
.LBB2_1:
0x22: {  	s5 =	rddreg [dreg:$0x5]  }
0x23: {  	[spmem:s13], [sflag:s7] =	dma.local [hbm:s5], $0x1602  }
0x24: {  	_ =	swait.ge [sflag:s14], $0x1602  }
0x25: {  	[sflag:s14] =	ssyncset.done $0x0  }
0x26: {  	s9 =	rddreg [dreg:$0x6];
	[sflag:s14] =	ssyncadd.s32 $0xFFFFE9FE  }
0x27: {  	[spmem:s15], [sflag:s7] =	dma.local [hbm:s9], $0xEAC  }
0x28: {  	_ =	swait.ge [sflag:s14], $0xEAC  }
0x29: {  	s10 =	simm.s32 $0x0;
	[sflag:s14] =	ssyncset.done $0x0  }
0x2a: {  	s8 =	simm.s32 $0x12570;
	s6 =	rddreg [dreg:$0x7];
	[sflag:s14] =	ssyncadd.s32 $0xFFFFF154  }
0x2b: {  	[tilespmem:s8], [sflag:$0x7] =	stream.linear.gather [hbm4b:s6+s10], $0x1400, $0x38;
	[tilespmem:$0x1D570] =	vst v63  }
0x2c: {  	_ =	swait.ge [sflag:s14], $0x1400  }
0x2d: {  	[sflag:s14] =	ssyncset.done $0x0  }
0x2e: {  	s9 =	simm.s32 $0x13970;
	s16 =	rddreg [dreg:$0x8];
	[sflag:s14] =	ssyncadd.s32 $0xFFFFEC00  }
0x2f: {  	[tilespmem:s9], [sflag:$0x7] =	stream.linear.gather [hbm4b:s16+s10], $0x1400, $0x38;
	[tilespmem:$0x1D570] =	vst v63  }
0x30: {  	_ =	swait.ge [sflag:s14], $0x1400  }
0x31: {  	[sflag:s14] =	ssyncset.done $0x0  }
0x32: {  	[sflag:s14] =	ssyncadd.s32 $0xFFFFEC00  }
0x33: {  	s17 =	simm.s32 $0x14D70;
	[bflag:$0x0] =	sbarrier.arrive $0xFFFF  }
0x34: {  	[tilespmem:s17], [sflag:$0x1] =	stream.indirect.gather [spmem:s4], $0x30, s8, s18, $0xb8;
	[tilespmem:$0x1D570] =	vst v63  }
0x35: {  	s20 =	simm.s32 $0x17D70  }
0x36: {  	[tilespmem:s20], [sflag:$0x3] =	stream.indirect.gather [hbm4b:s1+s18], $0x10, s9, s18, $0xb8;
	[tilespmem:$0x1D570] =	vst v63  }
0x37: {  	s21 =	simm.s32 $0x125F0  }
0x38: {  	[tilespmem:s22], [sflag:$0x2] =	stream.indirect.gather [spmem:s4], $0x30, s21, s18, $0xb8;
	[tilespmem:$0x1D570] =	vst v63  }
0x39: {  	s23 =	simm.s32 $0x139F0;
	s20 =	simm.s32 $0x0  }
0x3a: {  	[tilespmem:s24], [sflag:$0x4] =	stream.indirect.gather [hbm4b:s1+s18], $0x10, s23, s18, $0xb8;
	[tilespmem:$0x1D570] =	vst v63  }
.LBB2_2:
0x3b: {  	_ =	swait.ge [sflag:s25], $0x1800  }
0x3c: {  	[sflag:s25] =	ssyncset.done $0x0  }
0x3d: {  	[sflag:s25] =	ssyncadd.s32 $0xFFFFE800  }
0x3e: {  	_ =	swait.ge [sflag:s26], $0x800  }
0x3f: {  	p1 =	seq.s32 s20, $0x0;
	[sflag:s26] =	ssyncset.done $0x0  }
0x40: {  	s5 =	simm.s32 @!p1 $0x5;
	[sflag:s26] =	ssyncadd.s32 $0xFFFFF800  }
0x41: {  	_ =	swait.ge @!p1 [sflag:s5], $0x2400  }
0x42: {  	[sflag:s5] =	ssyncset.done @!p1 $0x0  }
0x43: {  	s6 =	simm.s32 $0x14DD0;
	[sflag:s5] =	ssyncadd.s32 @!p1 $0xFFFFDC00  }
0x44: {  	v6 =	vld [tilespmem:s6+$0x20]  }
0x45: {  	s16 =	simm.s32 $0x17D90  }
0x46: {  	v7 =	vld [tilespmem:s16+$0x0];
	_ =	sdelay $0x1  }
0x47: {  	v8 =	vld [tilespmem:s6+$0x50]  }
0x48: {  	v9 =	vld [tilespmem:s6+$0xFFFFFFC0];
	v6 =	vunpack.c.l.bf16.f32 v6  }
0x49: {  	v10 =	vld [tilespmem:s16+$0x10]  }
0x4a: {  	v11 =	vld [tilespmem:s16+$0xFFFFFFE0];
	v6 =	vadd.f32 v7, v6;
	_ =	sdelay $0x1  }
0x4b: {  	v12 =	vld [tilespmem:s6+$0xFFFFFFF0];
	v8 =	vunpack.c.l.bf16.f32 v8;
	v7 =	vmul.f32 $2.000000030e-01, v6  }
0x4c: {  	v9 =	vunpack.c.l.bf16.f32 v9  }
0x4d: {  	v6 =	vmax.f32 v6, v7;
	v7 =	vadd.f32 v10, v8;
	v8 =	vld [tilespmem:s16+$0xFFFFFFF0]  }
0x4e: {  	v9 =	vadd.f32 v11, v9;
	v6 =	vmul.f32 $1.442695020e+00, v6  }
0x4f: {  	v10 =	vmul.f32 $2.000000030e-01, v7  }
0x50: {  	v11 =	vunpack.c.l.bf16.f32 v12;
	(erf) = vpow2.f32 v6;
	v6 =	vmul.f32 $2.000000030e-01, v9  }
0x51: {  	v7 =	vmax.f32 v7, v10  }
0x52: {  	v7 =	vmul.f32 $1.442695020e+00, v7;
	v6 =	vmax.f32 v9, v6;
	v8 =	vadd.f32 v8, v11  }
0x53: {  	v6 =	vmul.f32 $1.442695020e+00, v6  }
0x54: {  	(erf) = vpow2.f32 v7;
	v7 =	vmul.f32 $2.000000030e-01, v8  }
0x55: {  	v16 =	vld [tilespmem:s6+$0xFFFFFFA0]  }
0x56: {  	v17 =	vld [tilespmem:s6+$0x30];
	(erf) = vpow2.f32 v6;
	v7 =	vmax.f32 v8, v7  }
0x57: {  	v9 =	vld [tilespmem:s6+$0x10];
	v7 =	vmul.f32 $1.442695020e+00, v7  }
0x58: {  	v6 =	vld [tilespmem:s6+$0x0]  }
0x59: {  	v18 =	vpop (erf);
	(erf) = vpow2.f32 v7  }
0x5a: {  	v12 =	vld [tilespmem:s6+$0xFFFFFFE0]  }
0x5b: {  	v24 =	vunpack.c.u.bf16.f32 v17;
	v10 =	vunpack.c.l.bf16.f32 v16;
	v13 =	vperm.xlane v18, v1  }
0x5c: {  	v20 =	vld [tilespmem:s6+$0x40];
	v14 =	vunpack.c.l.bf16.f32 v9;
	v8 =	vunpack.c.u.bf16.f32 v9;
	v9 =	vperm.xlane v18, v3  }
0x5d: {  	v11 =	vunpack.c.u.bf16.f32 v6;
	v7 =	vperm.xlane v18, v5;
	v21 =	vperm.xlane v18, v0  }
0x5e: {  	s21 =	sshll.u32 s20, $0x8;
	s8 =	simm.s32 $0x0;
	v19 =	vunpack.c.l.bf16.f32 v6;
	v22 =	vmul.f32 v9, v8;
	v8 =	vperm.xlane v8, v4;
	v15 =	vpop (erf)  }
0x5f: {  	s9 =	simm.s32 $0x14E90;
	s10 =	simm.s32 $0x18E00;
	s5 =	simm.s32 $0x18E00;
	v6 =	vunpack.c.l.bf16.f32 v12;
	v9 =	vld [tilespmem:s6+$0xFFFFFFD0];
	v23 =	vmul.f32 v13, v11;
	v25 =	vperm.xlane v15, v1;
	v13 =	vpop (erf)  }
.LBB2_3:
0x60: {  	v26 =	vld [tilespmem:s9+$0x20];
	s8 =	sadd.s32 $0x4, s8;
	v16 =	vunpack.c.u.bf16.f32 v16;
	v11 =	vperm.xlane v13, v5;
	[tilespmem:s5+$0x30] =	vst v22;
	v22 =	vperm.xlane v15, v3;
	s16 =	sadd.s32 $0x40, s16;
	s10 =	sadd.s32 $0x120, s10  }
0x61: {  	v18 =	vperm.xlane v18, v2;
	v27 =	vld [tilespmem:s16+$0xFFFFFFF0];
	p0 =	slt.u32 s8, $0x7C;
	[tilespmem:s5+$0x10] =	vst v23;
	v23 =	vunpack.c.u.bf16.f32 v20;
	v24 =	vmul.f32 v25, v24  }
0x62: {  	v28 =	vperm.xlane v13, v1;
	v19 =	vmul.f32 v21, v19;
	v20 =	vunpack.c.l.bf16.f32 v20;
	v25 =	vld [tilespmem:s16+$0x0];
	v21 =	vpop (erf)  }
0x63: {  	v17 =	vunpack.c.l.bf16.f32 v17;
	v14 =	vmul.f32 v18, v14;
	v18 =	vperm.xlane v15, v0;
	v29 =	vld [tilespmem:s9+$0xFFFFFFF0]  }
0x64: {  	v32 =	vperm.xlane v23, v4;
	v30 =	vld [tilespmem:s9+$0x50];
	v31 =	vunpack.c.l.bf16.f32 v9;
	[tilespmem:s5+$0x58] =	vst v24;
	v24 =	vperm.xlane v15, v2  }
0x65: {  	v34 =	vperm.xlane v21, v3;
	v17 =	vmul.f32 v18, v17;
	v33 =	vld [tilespmem:s9+$0xFFFFFFC0];
	v26 =	vunpack.c.l.bf16.f32 v26;
	[tilespmem:s5+$0x0] =	vst v19  }
0x66: {  	v12 =	vunpack.c.u.bf16.f32 v12;
	v15 =	vperm.xlane v15, v5;
	v18 =	vld [tilespmem:s16+$0x10];
	[tilespmem:s5+$0x20] =	vst v14;
	v14 =	vnsel vm0, $0x3F800000, v32  }
0x67: {  	v32 =	vperm.xlane v21, v5;
	v19 =	vld [tilespmem:s16+$0xFFFFFFE0];
	v25 =	vadd.f32 v25, v26;
	v26 =	vperm.xlane v13, v0;
	[tilespmem:s5+$0x48] =	vst v17  }
0x68: {  	v20 =	vmul.f32 v24, v20;
	v17 =	vunpack.c.l.bf16.f32 v29;
	v29 =	vmul.f32 v34, v12  }
0x69: {  	v35 =	vperm.xlane v13, v2;
	v24 =	vmul.f32 $2.000000030e-01, v25;
	v30 =	vunpack.c.l.bf16.f32 v30;
	v34 =	vld [tilespmem:s6+$0xFFFFFFB0];
	s6 =	smov.u32 s9  }
0x6a: {  	v12 =	vperm.xlane v12, v4;
	v33 =	vunpack.c.l.bf16.f32 v33;
	v17 =	vadd.f32 v27, v17;
	[tilespmem:s5+$0x68] =	vst v20  }
0x6b: {  	v13 =	vperm.xlane v13, v3;
	v20 =	vmax.f32 v25, v24;
	v18 =	vadd.f32 v18, v30;
	[tilespmem:s5+$0xFFFFFFE8] =	vst v29  }
0x6c: {  	v24 =	vperm.xlane v21, v1;
	v19 =	vadd.f32 v19, v33;
	v20 =	vmul.f32 $1.442695020e+00, v20  }
0x6d: {  	v16 =	vmul.f32 v28, v16;
	v12 =	vnsel vm0, $0x3F800000, v12;
	v25 =	vmul.f32 $2.000000030e-01, v18  }
0x6e: {  	v14 =	vmul.f32 v15, v14;
	(erf) = vpow2.f32 v20;
	v20 =	vunpack.c.l.bf16.f32 v34  }
0x6f: {  	v15 =	vmul.f32 $2.000000030e-01, v19;
	v18 =	vmax.f32 v18, v25;
	[tilespmem:s5+$0xFFFFFF80] =	vst v16;
	v16 =	vmul.f32 v22, v23  }
0x70: {  	v9 =	vunpack.c.u.bf16.f32 v9;
	v18 =	vmul.f32 $1.442695020e+00, v18;
	v20 =	vmul.f32 v35, v20  }
0x71: {  	v10 =	vmul.f32 v26, v10;
	v15 =	vmax.f32 v19, v15;
	v19 =	vmul.f32 $2.000000030e-01, v17;
	[tilespmem:s5+$0x78] =	vst v16  }
0x72: {  	v15 =	vmul.f32 $1.442695020e+00, v15;
	v16 =	vunpack.c.u.bf16.f32 v34;
	v22 =	vld [tilespmem:s9+$0x10];
	(erf) = vpow2.f32 v18;
	[tilespmem:s5+$0xFFFFFF90] =	vst v20  }
0x73: {  	v9 =	vmul.f32 v24, v9;
	v17 =	vmax.f32 v17, v19;
	v18 =	vmul.f32 v32, v12;
	[tilespmem:s5+$0x80] =	vst v14  }
0x74: {  	v19 =	vld [tilespmem:s9+$0x0];
	(erf) = vpow2.f32 v15;
	[tilespmem:s5+$0xFFFFFF70] =	vst v10;
	v10 =	vmul.f32 v13, v16  }
0x75: {  	v13 =	vmul.f32 $1.442695020e+00, v17;
	v15 =	vperm.xlane v16, v4;
	[tilespmem:s5+$0xFFFFFFC8] =	vst v9  }
0x76: {  	v8 =	vnsel vm0, $0x3F800000, v8;
	v20 =	vperm.xlane v21, v2;
	v9 =	vperm.xlane v21, v0;
	v12 =	vld [tilespmem:s9+$0xFFFFFFE0];
	[tilespmem:s5+$0xFFFFFFF0] =	vst v18  }
0x77: {  	v16 =	vld [tilespmem:s9+$0xFFFFFFA0];
	v14 =	vunpack.c.l.bf16.f32 v22;
	(erf) = vpow2.f32 v13;
	v18 =	vpop (erf);
	[tilespmem:s5+$0xFFFFFFA0] =	vst v10;
	v10 =	vnsel vm0, $0x3F800000, v15  }
0x78: {  	v8 =	vmul.f32 v7, v8;
	v13 =	vunpack.c.u.bf16.f32 v22;
	v25 =	vperm.xlane v18, v3;
	v17 =	vld [tilespmem:s9+$0x30]  }
.Ltmp2:
0x79: {  	v21 =	vmul.f32 v20, v6;
	v24 =	vperm.xlane v18, v1;
	v23 =	vunpack.c.u.bf16.f32 v19;
	(pc) =	sbr.rel @p0 .LBB2_3-.Ltmp2, $4  }
0x7a: {  	v9 =	vmul.f32 v9, v31;
	v7 =	vperm.xlane v18, v5;
	v19 =	vunpack.c.l.bf16.f32 v19;
	v20 =	vld [tilespmem:s9+$0x40];
	[tilespmem:s5+$0x38] =	vst v8  }
0x7b: {  	v11 =	vmul.f32 v11, v10;
	v22 =	vmul.f32 v25, v13;
	v6 =	vunpack.c.l.bf16.f32 v12;
	v15 =	vpop (erf);
	[tilespmem:s5+$0xFFFFFFD8] =	vst v21  }
0x7c: {  	v8 =	vperm.xlane v13, v4;
	v21 =	vperm.xlane v18, v0;
	v10 =	vunpack.c.l.bf16.f32 v16;
	[tilespmem:s5+$0xFFFFFFB8] =	vst v9  }
0x7d: {  	s9 =	sadd.s32 $0xC0, s9;
	v23 =	vmul.f32 v24, v23;
	v25 =	vperm.xlane v15, v1;
	v9 =	vld [tilespmem:s6+$0xFFFFFFD0];
	v24 =	vunpack.c.u.bf16.f32 v17;
	v13 =	vpop (erf);
	[tilespmem:s5+$0xFFFFFFA8] =	vst v11;
	s5 =	smov.u32 s10  }
0x7e: {  	v11 =	vperm.xlane v15, v3;
	v18 =	vperm.xlane v18, v2  }
0x7f: {  	[tilespmem:s5+$0x30] =	vst v22;
	v43 =	vperm.xlane v13, v1;
	v19 =	vmul.f32 v21, v19  }
0x80: {  	v44 =	vperm.xlane v15, v2;
	v8 =	vnsel vm0, $0x3F800000, v8;
	v24 =	vmul.f32 v25, v24;
	[tilespmem:s5+$0x10] =	vst v23  }
0x81: {  	v22 =	vunpack.c.u.bf16.f32 v20;
	v7 =	vmul.f32 v7, v8;
	v14 =	vmul.f32 v18, v14;
	[tilespmem:s5+$0x0] =	vst v19  }
0x82: {  	v17 =	vunpack.c.l.bf16.f32 v17;
	v21 =	vld [tilespmem:s6+$0xFFFFFFB0];
	v18 =	vperm.xlane v15, v0;
	v19 =	vperm.xlane v13, v2;
	[tilespmem:s5+$0x58] =	vst v24  }
0x83: {  	v20 =	vunpack.c.l.bf16.f32 v20;
	v23 =	vpop (erf);
	v26 =	vperm.xlane v22, v4;
	v11 =	vmul.f32 v11, v22;
	[tilespmem:s5+$0x38] =	vst v7  }
0x84: {  	v12 =	vunpack.c.u.bf16.f32 v12;
	v27 =	vperm.xlane v23, v3;
	v17 =	vmul.f32 v18, v17;
	[tilespmem:s5+$0x20] =	vst v14  }
0x85: {  	v16 =	vunpack.c.u.bf16.f32 v16;
	v14 =	vperm.xlane v15, v5;
	v15 =	vmul.f32 v44, v20;
	[tilespmem:s5+$0x78] =	vst v11  }
0x86: {  	v18 =	vperm.xlane v13, v0;
	[tilespmem:s5+$0x48] =	vst v17;
	v17 =	vmul.f32 v27, v12  }
0x87: {  	v11 =	vperm.xlane v13, v3;
	[tilespmem:s5+$0x68] =	vst v15;
	v15 =	vmul.f32 v43, v16;
	v16 =	vunpack.c.l.bf16.f32 v21  }
0x88: {  	v12 =	vperm.xlane v12, v4;
	v10 =	vmul.f32 v18, v10;
	v18 =	vunpack.c.u.bf16.f32 v21;
	[tilespmem:s5+$0xFFFFFFE8] =	vst v17  }
0x89: {  	v17 =	vnsel vm0, $0x3F800000, v26;
	[tilespmem:s5+$0xFFFFFF80] =	vst v15;
	v15 =	vmul.f32 v19, v16;
	v16 =	vperm.xlane v23, v1  }
0x8a: {  	[tilespmem:s5+$0xFFFFFF70] =	vst v10;
	v10 =	vmul.f32 v11, v18;
	v14 =	vmul.f32 v14, v17;
	v17 =	vunpack.c.u.bf16.f32 v9  }
0x8b: {  	v20 =	vperm.xlane v23, v5;
	v11 =	vperm.xlane v18, v4;
	[tilespmem:s5+$0xFFFFFF90] =	vst v15  }
0x8c: {  	v8 =	vperm.xlane v13, v5;
	v12 =	vnsel vm0, $0x3F800000, v12;
	[tilespmem:s5+$0xFFFFFFA0] =	vst v10;
	v15 =	vmul.f32 v16, v17  }
0x8d: {  	v12 =	vmul.f32 v20, v12;
	v10 =	vnsel vm0, $0x3F800000, v11;
	[tilespmem:s5+$0x80] =	vst v14;
	v14 =	vperm.xlane v23, v2  }
0x8e: {  	v9 =	vunpack.c.l.bf16.f32 v9;
	v7 =	vmul.f32 v8, v10;
	[tilespmem:s5+$0xFFFFFFC8] =	vst v15;
	v15 =	vperm.xlane v23, v0  }
0x8f: {  	[tilespmem:s5+$0xFFFFFFF0] =	vst v12;
	v6 =	vmul.f32 v14, v6  }
0x90: {  	[tilespmem:s5+$0xFFFFFFA8] =	vst v7;
	v9 =	vmul.f32 v15, v9  }
0x91: {  	s23 =	sand.u32 $0x3FFFFF00, s21;
	[tilespmem:s5+$0xFFFFFFD8] =	vst v6  }
0x92: {  	p0 =	seq.s32 s20, $0x13;
	s9 =	sadd.s32 $0x13970, s23;
	[tilespmem:s5+$0xFFFFFFB8] =	vst v9  }
0x93: {  	[spmem:s2] =	stream.indirect.scatter.add.f32 [tilespmem:s28], [sflag:$0x5], $0x48, s9, s18, $0xb8;
	[tilespmem:$0x1D570] =	vst v63  }
0x94: {  	s6 =	simm.s32 @!p0 $0x80;
	s8 =	simm.s32 @!p0 $0x14D70;
	s5 =	sadd.s32 @!p0 $0x12670, s21  }
0x95: {  	[tilespmem:s8], [sflag:$0x1] =	stream.indirect.gather @!p0 [spmem:s4], $0x30, s5, s6, $0xb8;
	[tilespmem:$0x1D570] =	vst v63  }
0x96: {  	s5 =	sadd.s32 @!p0 $0x13A70, s21;
	s8 =	simm.s32 @!p0 $0x17D70  }
0x97: {  	[tilespmem:s8], [sflag:$0x3] =	stream.indirect.gather @!p0 [hbm4b:s1+s6], $0x10, s5, s6, $0xb8;
	[tilespmem:$0x1D570] =	vst v63  }
0x98: {  	_ =	swait.ge [sflag:s29], $0x1800  }
0x99: {  	[sflag:s29] =	ssyncset.done $0x0  }
0x9a: {  	[sflag:s29] =	ssyncadd.s32 $0xFFFFE800  }
0x9b: {  	_ =	swait.ge [sflag:s30], $0x800  }
0x9c: {  	[sflag:s30] =	ssyncset.done $0x0  }
0x9d: {  	s5 =	simm.s32 @!p1 $0x6;
	[sflag:s30] =	ssyncadd.s32 $0xFFFFF800  }
0x9e: {  	_ =	swait.ge @!p1 [sflag:s5], $0x2400  }
0x9f: {  	[sflag:s5] =	ssyncset.done @!p1 $0x0  }
0xa0: {  	s10 =	simm.s32 $0x16620;
	[sflag:s5] =	ssyncadd.s32 @!p1 $0xFFFFDC00  }
0xa1: {  	s17 =	simm.s32 $0x185A0;
	v6 =	vld [tilespmem:s10+$0xFFFFFFD0]  }
0xa2: {  	v7 =	vld [tilespmem:s17+$0x0]  }
0xa3: {  	v8 =	vld [tilespmem:s17+$0xFFFFFFF0]  }
0xa4: {  	v9 =	vld [tilespmem:s10+$0x0]  }
0xa5: {  	v10 =	vld [tilespmem:s10+$0xFFFFFFA0]  }
0xa6: {  	v11 =	vld [tilespmem:s10+$0xFFFFFF70]  }
0xa7: {  	v12 =	vld [tilespmem:s17+$0xFFFFFFE0]  }
0xa8: {  	v6 =	vunpack.c.l.bf16.f32 v6  }
0xa9: {  	v13 =	vld [tilespmem:s17+$0xFFFFFFD0];
	v9 =	vunpack.c.l.bf16.f32 v9  }
0xaa: {  	v6 =	vadd.f32 v8, v6;
	v8 =	vunpack.c.l.bf16.f32 v10  }
0xab: {  	v7 =	vadd.f32 v7, v9  }
0xac: {  	s5 =	simm.s32 $0x166E0;
	v9 =	vunpack.c.l.bf16.f32 v11;
	v10 =	vmul.f32 $2.000000030e-01, v6;
	v8 =	vadd.f32 v12, v8  }
0xad: {  	v15 =	vld [tilespmem:s5+$0xFFFFFFD0];
	v11 =	vmul.f32 $2.000000030e-01, v7  }
0xae: {  	s6 =	simm.s32 $0x185E0;
	v9 =	vadd.f32 v13, v9;
	v6 =	vmax.f32 v6, v10;
	v10 =	vmul.f32 $2.000000030e-01, v8  }
0xaf: {  	v46 =	vld [tilespmem:s6+$0xFFFFFFF0];
	v7 =	vmax.f32 v7, v11;
	v6 =	vmul.f32 $1.442695020e+00, v6  }
0xb0: {  	v35 =	vld [tilespmem:s5+$0xFFFFFFA0];
	v11 =	vmul.f32 $2.000000030e-01, v9;
	v7 =	vmul.f32 $1.442695020e+00, v7;
	v8 =	vmax.f32 v8, v10  }
0xb1: {  	v38 =	vld [tilespmem:s6+$0xFFFFFFE0];
	v8 =	vmul.f32 $1.442695020e+00, v8;
	(erf) = vpow2.f32 v6  }
0xb2: {  	v15 =	vunpack.c.l.bf16.f32 v15;
	v6 =	vmax.f32 v9, v11;
	v9 =	vld [tilespmem:s10+$0xFFFFFF60];
	(erf) = vpow2.f32 v7  }
0xb3: {  	(erf) = vpow2.f32 v8;
	v8 =	vld [tilespmem:s10+$0xFFFFFFF0]  }
0xb4: {  	v15 =	vadd.f32 v46, v15;
	v6 =	vmul.f32 $1.442695020e+00, v6  }
0xb5: {  	v32 =	vld [tilespmem:s5+$0xFFFFFF70];
	v35 =	vunpack.c.l.bf16.f32 v35  }
0xb6: {  	v40 =	vmul.f32 $2.000000030e-01, v15;
	(erf) = vpow2.f32 v6;
	v6 =	vld [tilespmem:s10+$0xFFFFFFC0]  }
0xb7: {  	v51 =	vld [tilespmem:s10+$0xFFFFFFE0];
	v54 =	vadd.f32 v38, v35  }
0xb8: {  	v12 =	vld [tilespmem:s10+$0xFFFFFF90];
	v15 =	vmax.f32 v15, v40;
	v47 =	vunpack.c.u.bf16.f32 v9;
	v23 =	vunpack.c.u.bf16.f32 v8  }
0xb9: {  	v41 =	vmul.f32 $2.000000030e-01, v54;
	v15 =	vmul.f32 $1.442695020e+00, v15  }
0xba: {  	v32 =	vunpack.c.l.bf16.f32 v32;
	v7 =	vld [tilespmem:s10+$0xFFFFFFB0];
	v26 =	vperm.xlane v47, v4;
	v10 =	vpop (erf);
	v36 =	vperm.xlane v23, v4  }
0xbb: {  	v16 =	vunpack.c.u.bf16.f32 v6;
	v11 =	vperm.xlane v10, v3;
	v17 =	vperm.xlane v10, v2  }
0xbc: {  	v59 =	vunpack.c.u.bf16.f32 v51;
	v18 =	vperm.xlane v10, v5;
	v48 =	vperm.xlane v10, v1  }
0xbd: {  	v29 =	vld [tilespmem:s5+$0x0];
	v49 =	vunpack.c.l.bf16.f32 v12;
	v14 =	vpop (erf);
	v31 =	vperm.xlane v16, v4;
	v63 =	vperm.xlane v10, v0  }
0xbe: {  	v37 =	vld [tilespmem:s6+$0xFFFFFFD0];
	v9 =	vunpack.c.l.bf16.f32 v9;
	v28 =	vperm.xlane v14, v5;
	v52 =	vperm.xlane v14, v1  }
0xbf: {  	v13 =	vunpack.c.u.bf16.f32 v7;
	v53 =	vperm.xlane v14, v2;
	v55 =	vperm.xlane v14, v0  }
0xc0: {  	v20 =	vld [tilespmem:s6+$0x0];
	v6 =	vunpack.c.l.bf16.f32 v6;
	v19 =	vpop (erf);
	v14 =	vperm.xlane v14, v3;
	(erf) = vpow2.f32 v15  }
0xc1: {  	v8 =	vunpack.c.l.bf16.f32 v8;
	v21 =	vperm.xlane v19, v0;
	v22 =	vperm.xlane v19, v1  }
0xc2: {  	v45 =	vpop (erf);
	v34 =	vperm.xlane v19, v2;
	v6 =	vmul.f32 v17, v6;
	v17 =	vunpack.c.l.bf16.f32 v29  }
0xc3: {  	v11 =	vmul.f32 v11, v16;
	v16 =	vadd.f32 v37, v32;
	v30 =	vperm.xlane v45, v3  }
0xc4: {  	v26 =	vnsel vm0, $0x3F800000, v26;
	v33 =	vperm.xlane v45, v2;
	v8 =	vmul.f32 v53, v8  }
0xc5: {  	v50 =	vmul.f32 v34, v49;
	v17 =	vadd.f32 v20, v17;
	v61 =	vmul.f32 $2.000000030e-01, v16  }
0xc6: {  	s16 =	simm.s32 $0x1B280;
	v29 =	vunpack.c.l.bf16.f32 v51;
	v20 =	vperm.xlane v45, v5;
	v9 =	vmul.f32 v33, v9  }
0xc7: {  	v56 =	vld [tilespmem:s10+$0xFFFFFF50];
	[tilespmem:s16+$0xFFFFFFB0] =	vst v11;
	v30 =	vmul.f32 v30, v47;
	v60 =	vmul.f32 $2.000000030e-01, v17;
	v16 =	vmax.f32 v16, v61  }
0xc8: {  	v20 =	vmul.f32 v20, v26;
	[tilespmem:s16+$0xFFFFFF10] =	vst v9;
	v9 =	vmax.f32 v54, v41;
	v11 =	vmul.f32 $1.442695020e+00, v16  }
0xc9: {  	[tilespmem:s16+$0xFFFFFFA0] =	vst v6;
	v6 =	vmul.f32 $1.442695020e+00, v9;
	v9 =	vmax.f32 v17, v60;
	v17 =	vmul.f32 v55, v29  }
0xca: {  	v58 =	vld [tilespmem:s10+$0xFFFFFF80];
	[tilespmem:s16+$0xFFFFFFE8] =	vst v8;
	v16 =	vmul.f32 v52, v59;
	v9 =	vmul.f32 $1.442695020e+00, v9  }
0xcb: {  	[tilespmem:s16+$0xFFFFFFC8] =	vst v17;
	v17 =	vmul.f32 v14, v23;
	v23 =	vmul.f32 v48, v13  }
0xcc: {  	v8 =	vunpack.c.l.bf16.f32 v56;
	[tilespmem:s16+$0xFFFFFF58] =	vst v50;
	(erf) = vpow2.f32 v9;
	v9 =	vperm.xlane v45, v0  }
0xcd: {  	[tilespmem:s16+$0xFFFFFF20] =	vst v30;
	(erf) = vpow2.f32 v6;
	v6 =	vunpack.c.u.bf16.f32 v12;
	v12 =	vperm.xlane v19, v3  }
0xce: {  	[tilespmem:s16+$0xFFFFFF28] =	vst v20;
	(erf) = vpow2.f32 v11;
	v8 =	vmul.f32 v9, v8  }
0xcf: {  	v15 =	vunpack.c.l.bf16.f32 v58;
	[tilespmem:s16+$0xFFFFFFD8] =	vst v16;
	v16 =	vld [tilespmem:s5+$0xFFFFFFF0];
	v12 =	vmul.f32 v12, v6;
	v6 =	vperm.xlane v6, v4  }
0xd0: {  	v57 =	vperm.xlane v19, v5;
	v19 =	vunpack.c.u.bf16.f32 v58;
	[tilespmem:s16+$0xFFFFFF90] =	vst v23;
	v9 =	vnsel vm0, $0x3F800000, v31;
	v11 =	vld [tilespmem:s5+$0xFFFFFFB0]  }
0xd1: {  	v39 =	vperm.xlane v45, v1;
	[tilespmem:s16+$0xFFFFFEF0] =	vst v8;
	v8 =	vmul.f32 v18, v9;
	v18 =	vld [tilespmem:s5+$0xFFFFFFC0];
	v6 =	vnsel vm0, $0x3F800000, v6  }
0xd2: {  	v62 =	vunpack.c.u.bf16.f32 v56;
	v9 =	vmul.f32 v21, v15;
	v21 =	vmul.f32 v22, v19;
	[tilespmem:s16+$0xFFFFFF68] =	vst v12  }
0xd3: {  	v20 =	vld [tilespmem:s5+$0xFFFFFF60];
	v22 =	vunpack.c.l.bf16.f32 v7;
	v12 =	vnsel vm0, $0x3F800000, v36;
	v14 =	vmul.f32 v57, v6;
	[tilespmem:s16+$0xFFFFFFB8] =	vst v8  }
0xd4: {  	s9 =	simm.s32 $0x1B3A0;
	v19 =	vmul.f32 v39, v62;
	v7 =	vld [tilespmem:s5+$0xFFFFFF50];
	[tilespmem:s16+$0xFFFFFF38] =	vst v9;
	v13 =	vmul.f32 v28, v12;
	v12 =	vunpack.c.l.bf16.f32 v16;
	v6 =	vpop (erf)  }
0xd5: {  	s8 =	simm.s32 $0x4;
	s17 =	simm.s32 $0x1B3A0;
	s10 =	simm.s32 $0x167A0;
	v9 =	vld [tilespmem:s5+$0xFFFFFF90];
	v22 =	vmul.f32 v63, v22;
	v8 =	vunpack.c.u.bf16.f32 v11;
	[tilespmem:s16+$0xFFFFFF70] =	vst v14;
	v15 =	vperm.xlane v6, v3;
	v10 =	vpop (erf)  }
.LBB2_5:
0xd6: {  	v23 =	vld [tilespmem:s10+$0xFFFFFFD0];
	s8 =	sadd.s32 $0x4, s8;
	v24 =	vunpack.c.u.bf16.f32 v18;
	v25 =	vperm.xlane v6, v2;
	v14 =	vperm.xlane v6, v5;
	s6 =	sadd.s32 $0x40, s6;
	s9 =	sadd.s32 $0x120, s9;
	v26 =	vpop (erf);
	[tilespmem:s16+$0xFFFFFF48] =	vst v21  }
0xd7: {  	v29 =	vunpack.c.u.bf16.f32 v16;
	v21 =	vld [tilespmem:s6+$0x0];
	p1 =	slt.u32 s8, $0x7C;
	v27 =	vperm.xlane v26, v0;
	v28 =	vperm.xlane v26, v1;
	v16 =	vpop (erf);
	[tilespmem:s16+$0x0] =	vst v13  }
0xd8: {  	v32 =	vperm.xlane v6, v1;
	v13 =	vperm.xlane v10, v5;
	v30 =	vld [tilespmem:s6+$0xFFFFFFF0];
	v31 =	vunpack.c.u.bf16.f32 v20;
	[tilespmem:s16+$0xFFFFFF80] =	vst v22;
	v22 =	vmovc v11  }
0xd9: {  	v20 =	vunpack.c.l.bf16.f32 v20;
	v33 =	vperm.xlane v16, v3;
	v34 =	vperm.xlane v24, v4;
	v11 =	vld [tilespmem:s10+$0x0];
	[tilespmem:s16+$0xFFFFFFF8] =	vst v17  }
0xda: {  	v18 =	vunpack.c.l.bf16.f32 v18;
	v36 =	vperm.xlane v26, v2;
	v35 =	vperm.xlane v16, v2;
	v17 =	vld [tilespmem:s10+$0xFFFFFF70];
	[tilespmem:s16+$0xFFFFFF00] =	vst v19;
	s16 =	smov.u32 s17;
	s17 =	smov.u32 s9  }
0xdb: {  	v37 =	vperm.xlane v29, v4;
	v33 =	vmul.f32 v33, v31;
	v19 =	vld [tilespmem:s10+$0xFFFFFFA0];
	v23 =	vunpack.c.l.bf16.f32 v23  }
0xdc: {  	v20 =	vmul.f32 v35, v20;
	v31 =	vperm.xlane v31, v4;
	v35 =	vunpack.c.l.bf16.f32 v9;
	v38 =	vld [tilespmem:s6+$0xFFFFFFD0]  }
0xdd: {  	v40 =	vperm.xlane v16, v1;
	v18 =	vmul.f32 v25, v18;
	v25 =	vnsel vm0, $0x3F800000, v37;
	v39 =	vld [tilespmem:s6+$0xFFFFFFE0];
	[tilespmem:s16+$0xFFFFFF20] =	vst v33  }
0xde: {  	v23 =	vadd.f32 v30, v23;
	v11 =	vunpack.c.l.bf16.f32 v11;
	[tilespmem:s16+$0xFFFFFF10] =	vst v20;
	v20 =	vmul.f32 v36, v35;
	v30 =	vld [tilespmem:s5+$0xFFFFFFE0]  }
0xdf: {  	v35 =	vperm.xlane v10, v2;
	v17 =	vunpack.c.l.bf16.f32 v17;
	v33 =	vld [tilespmem:s5+$0xFFFFFF80];
	[tilespmem:s16+$0xFFFFFFA0] =	vst v18;
	v18 =	vperm.xlane v10, v1;
	s5 =	smov.u32 s10  }
0xe0: {  	v15 =	vmul.f32 v15, v24;
	v36 =	vmul.f32 $2.000000030e-01, v23;
	v19 =	vunpack.c.l.bf16.f32 v19;
	[tilespmem:s16+$0xFFFFFF58] =	vst v20  }
0xe1: {  	v11 =	vadd.f32 v21, v11;
	v20 =	vperm.xlane v16, v5;
	v17 =	vadd.f32 v38, v17  }
0xe2: {  	v21 =	vmax.f32 v23, v36;
	v19 =	vadd.f32 v39, v19;
	[tilespmem:s16+$0xFFFFFFB0] =	vst v15;
	v15 =	vperm.xlane v10, v0  }
0xe3: {  	v24 =	vperm.xlane v26, v5;
	v23 =	vnsel vm0, $0x3F800000, v31;
	v21 =	vmul.f32 $1.442695020e+00, v21  }
0xe4: {  	v12 =	vmul.f32 v35, v12;
	v36 =	vunpack.c.u.bf16.f32 v30;
	v31 =	vmul.f32 $2.000000030e-01, v19  }
0xe5: {  	v35 =	vmul.f32 $2.000000030e-01, v11;
	v10 =	vperm.xlane v10, v3;
	v30 =	vunpack.c.l.bf16.f32 v30  }
0xe6: {  	v20 =	vmul.f32 v20, v23;
	v37 =	vmul.f32 $2.000000030e-01, v17;
	v19 =	vmax.f32 v19, v31;
	[tilespmem:s16+$0xFFFFFFE8] =	vst v12  }
0xe7: {  	v11 =	vmax.f32 v11, v35;
	v15 =	vmul.f32 v15, v30;
	v12 =	vmul.f32 $1.442695020e+00, v19  }
0xe8: {  	v17 =	vmax.f32 v17, v37;
	v11 =	vmul.f32 $1.442695020e+00, v11;
	(erf) = vpow2.f32 v21;
	[tilespmem:s16+$0xFFFFFF28] =	vst v20  }
0xe9: {  	v18 =	vmul.f32 v18, v36;
	v17 =	vmul.f32 $1.442695020e+00, v17;
	v19 =	vunpack.c.l.bf16.f32 v33  }
0xea: {  	v16 =	vperm.xlane v16, v0;
	(erf) = vpow2.f32 v11;
	v11 =	vunpack.c.l.bf16.f32 v7;
	[tilespmem:s16+$0xFFFFFFC8] =	vst v15  }
0xeb: {  	v9 =	vunpack.c.u.bf16.f32 v9;
	(erf) = vpow2.f32 v12;
	v12 =	vperm.xlane v26, v3  }
0xec: {  	(erf) = vpow2.f32 v17;
	v15 =	vmul.f32 v16, v11;
	v17 =	vnsel vm0, $0x3F800000, v34;
	[tilespmem:s16+$0xFFFFFFD8] =	vst v18  }
0xed: {  	v20 =	vunpack.c.u.bf16.f32 v33;
	v16 =	vld [tilespmem:s10+$0xFFFFFFF0];
	v12 =	vmul.f32 v12, v9;
	v9 =	vperm.xlane v9, v4  }
0xee: {  	v7 =	vunpack.c.u.bf16.f32 v7;
	v14 =	vmul.f32 v14, v17;
	v17 =	vmul.f32 v10, v29;
	v11 =	vld [tilespmem:s10+$0xFFFFFFB0];
	[tilespmem:s16+$0xFFFFFEF0] =	vst v15  }
.Ltmp3:
0xef: {  	v21 =	vmul.f32 v28, v20;
	v10 =	vmul.f32 v27, v19;
	v18 =	vld [tilespmem:s10+$0xFFFFFFC0];
	[tilespmem:s16+$0xFFFFFF68] =	vst v12;
	v9 =	vnsel vm0, $0x3F800000, v9;
	(pc) =	sbr.rel @p1 .LBB2_5-.Ltmp3, $4  }
0xf0: {  	v23 =	vmul.f32 v32, v8;
	v9 =	vmul.f32 v24, v9;
	[tilespmem:s16+$0xFFFFFFB8] =	vst v14  }
0xf1: {  	v19 =	vmul.f32 v40, v7;
	v14 =	vunpack.c.l.bf16.f32 v22;
	v22 =	vperm.xlane v6, v0;
	v20 =	vld [tilespmem:s10+$0xFFFFFF60];
	[tilespmem:s16+$0xFFFFFF38] =	vst v10;
	v6 =	vpop (erf)  }
0xf2: {  	v13 =	vmul.f32 v13, v25;
	v7 =	vld [tilespmem:s10+$0xFFFFFF50];
	v15 =	vperm.xlane v6, v3;
	[tilespmem:s16+$0xFFFFFF70] =	vst v9  }
0xf3: {  	v12 =	vunpack.c.l.bf16.f32 v16;
	s10 =	sadd.s32 $0xC0, s10;
	v22 =	vmul.f32 v22, v14;
	v9 =	vld [tilespmem:s5+$0xFFFFFF90];
	v8 =	vunpack.c.u.bf16.f32 v11;
	v10 =	vpop (erf);
	[tilespmem:s16+$0xFFFFFF90] =	vst v23  }
0xf4: {  	v23 =	vperm.xlane v6, v2;
	v25 =	vperm.xlane v6, v5  }
0xf5: {  	[tilespmem:s16+$0xFFFFFF48] =	vst v21;
	v35 =	vperm.xlane v10, v2;
	v39 =	vperm.xlane v10, v0  }
0xf6: {  	v24 =	vpop (erf);
	[tilespmem:s16+$0x0] =	vst v13;
	v61 =	vunpack.c.l.bf16.f32 v18;
	v41 =	vperm.xlane v10, v1;
	v49 =	vperm.xlane v6, v1  }
0xf7: {  	v14 =	vunpack.c.u.bf16.f32 v18;
	[tilespmem:s16+$0xFFFFFFF8] =	vst v17;
	v6 =	vperm.xlane v6, v0;
	v57 =	vperm.xlane v24, v0  }
0xf8: {  	[tilespmem:s16+$0xFFFFFF00] =	vst v19;
	v29 =	vperm.xlane v24, v2;
	v17 =	vmul.f32 v23, v61  }
0xf9: {  	v36 =	vunpack.c.u.bf16.f32 v16;
	[tilespmem:s16+$0xFFFFFF80] =	vst v22;
	v28 =	vperm.xlane v14, v4;
	v14 =	vmul.f32 v15, v14  }
0xfa: {  	v11 =	vunpack.c.l.bf16.f32 v11;
	v26 =	vpop (erf);
	v48 =	vperm.xlane v24, v3;
	v12 =	vmul.f32 v35, v12;
	[tilespmem:s17+$0xFFFFFFA0] =	vst v17  }
0xfb: {  	v58 =	vunpack.c.u.bf16.f32 v20;
	v27 =	vperm.xlane v26, v3;
	v8 =	vmul.f32 v49, v8;
	[tilespmem:s17+$0xFFFFFFB0] =	vst v14  }
0xfc: {  	v30 =	vld [tilespmem:s5+$0xFFFFFFE0];
	v59 =	vunpack.c.l.bf16.f32 v20;
	v60 =	vperm.xlane v26, v2;
	v6 =	vmul.f32 v6, v11;
	[tilespmem:s17+$0xFFFFFFE8] =	vst v12  }
0xfd: {  	v45 =	vperm.xlane v26, v0;
	v44 =	vunpack.c.l.bf16.f32 v7;
	v62 =	vmul.f32 v27, v58;
	[tilespmem:s17+$0xFFFFFF90] =	vst v8  }
0xfe: {  	v56 =	vperm.xlane v36, v4;
	v33 =	vmul.f32 v60, v59;
	[tilespmem:s17+$0xFFFFFF80] =	vst v6  }
0xff: {  	v63 =	vunpack.c.l.bf16.f32 v9;
	v52 =	vnsel vm0, $0x3F800000, v28;
	v51 =	vmul.f32 v45, v44;
	[tilespmem:s17+$0xFFFFFF20] =	vst v62  }
0x100: {  	v37 =	vld [tilespmem:s5+$0xFFFFFF80];
	v13 =	vperm.xlane v58, v4;
	v47 =	vunpack.c.u.bf16.f32 v9;
	v55 =	vmul.f32 v25, v52;
	[tilespmem:s17+$0xFFFFFF10] =	vst v33  }
0x101: {  	v59 =	vperm.xlane v10, v5;
	v34 =	vmul.f32 v29, v63;
	[tilespmem:s17+$0xFFFFFEF0] =	vst v51  }
0x102: {  	v38 =	vperm.xlane v26, v5;
	v60 =	vnsel vm0, $0x3F800000, v56;
	v53 =	vmul.f32 v48, v47;
	[tilespmem:s17+$0xFFFFFFB8] =	vst v55  }
0x103: {  	v40 =	vunpack.c.l.bf16.f32 v30;
	v13 =	vnsel vm0, $0x3F800000, v13;
	v62 =	vmul.f32 v59, v60;
	[tilespmem:s17+$0xFFFFFF58] =	vst v34  }
0x104: {  	v54 =	vperm.xlane v24, v5;
	v42 =	vunpack.c.u.bf16.f32 v30;
	v13 =	vmul.f32 v38, v13;
	[tilespmem:s17+$0xFFFFFF68] =	vst v53  }
0x105: {  	v50 =	vunpack.c.l.bf16.f32 v37;
	v9 =	vperm.xlane v47, v4;
	v43 =	vmul.f32 v39, v40;
	[tilespmem:s17+$0x0] =	vst v62  }
0x106: {  	v7 =	vunpack.c.u.bf16.f32 v7;
	v63 =	vperm.xlane v26, v1;
	v46 =	vmul.f32 v41, v42;
	[tilespmem:s17+$0xFFFFFF28] =	vst v13  }
0x107: {  	v58 =	vperm.xlane v24, v1;
	v57 =	vmul.f32 v57, v50;
	[tilespmem:s17+$0xFFFFFFC8] =	vst v43  }
0x108: {  	v16 =	vunpack.c.u.bf16.f32 v37;
	v9 =	vnsel vm0, $0x3F800000, v9;
	v7 =	vmul.f32 v63, v7;
	[tilespmem:s17+$0xFFFFFFD8] =	vst v46  }
0x109: {  	v61 =	vperm.xlane v10, v3;
	v9 =	vmul.f32 v54, v9;
	[tilespmem:s17+$0xFFFFFF38] =	vst v57  }
.Ltmp4:
0x10a: {  	v13 =	vmul.f32 v58, v16;
	[tilespmem:s17+$0xFFFFFF00] =	vst v7;
	(pc) =	sbr.rel @p0 .LBB2_8-.Ltmp4, $4  }
0x10b: {  	[tilespmem:s17+$0xFFFFFF70] =	vst v9;
	v9 =	vmul.f32 v61, v36  }
0x10c: {  	[tilespmem:s17+$0xFFFFFF48] =	vst v13  }
0x10d: {  	s23 =	sadd.s32 $0x139F0, s23;
	[tilespmem:s17+$0xFFFFFFF8] =	vst v9  }
0x10e: {  	[spmem:s2] =	stream.indirect.scatter.add.f32 [tilespmem:s31], [sflag:$0x6], $0x48, s23, s18, $0xb8;
	[tilespmem:$0x1D570] =	vst v63  }
.Ltmp5:
0x10f: {  	(pc) =	sbr.rel .LBB2_2-.Ltmp5, $4  }
0x110: {  	s5 =	sadd.s32 $0x126F0, s21  }
0x111: {  	[tilespmem:s22], [sflag:$0x2] =	stream.indirect.gather [spmem:s4], $0x30, s5, s18, $0xb8;
	[tilespmem:$0x1D570] =	vst v63  }
0x112: {  	s23 =	sadd.s32 $0x13AF0, s21;
	s20 =	sadd.s32 $0x1, s20  }
0x113: {  	[tilespmem:s24], [sflag:$0x4] =	stream.indirect.gather [hbm4b:s1+s18], $0x10, s23, s18, $0xb8;
	[tilespmem:$0x1D570] =	vst v63  }
.LBB2_9:
0x114: {  	_ =	sfence.sel $0x180000  }
0x115: {  	[bflag:$0x0] =	sbarrier.arrive $0xFFFF  }
0x116: {  	_ =	strace $0x90000047  }
0x117: {  	s0 =	stileid.u32;
	[bflag:$0x2] =	sbarrier.arrive $0xFFFF  }
0x118: {  	p0 =	sne.s32 s0, $0x0;
	s0 =	rddreg [dreg:$0x4]  }
0x119: {  	s0 =	sadd.s32 @!p0 $0x100000, s0  }
0x11a: {  	[sflag:s0] =	ssyncadd.tile.s32 @!p0 $0x1;
	_ =	shalt  }
.Lfunc_end2:
_tile_overlayer_lowered:
.L_overlay_start_2:
0x11b: {  	(tag) =	ssettag $0x2  }
0x11c: {  	s0 =	rddreg [dreg:$0x0];
	s2 =	stileid.u32  }
0x11d: {  	s1 =	rddreg [dreg:$0x1];
	p0 =	sne.s32 s2, $0x0  }
0x11e: {  	s3 =	rddreg [dreg:$0x2];
	[bflag:$0x3] =	sbarrier.arrive $0xFFFF;
	s2 =	simm.s32 @!p0 $0x1C07  }
0x11f: {  	[timem:s3], [sflag:s2] =	dma.local @!p0 [hbm:s0], s1  }
0x120: {  	s0 =	simm.s32 @!p0 $0x7  }
0x121: {  	_ =	swait.ge @!p0 [sflag:s0], s1  }
0x122: {  	s1 =	ssub.s32 @!p0 $0x0, s1;
	[sflag:s0] =	ssyncset.done @!p0 $0x0  }
0x123: {  	[sflag:s0] =	ssyncadd.s32 @!p0 s1  }
0x124: {  	[bflag:$0x3] =	sbarrier.arrive $0xFFFF  }
0x125: {  	_ =	shalt  }

</sc_bundles>
